<compile_context>
chip_gen: v7x
topology: tpu7x:2x2x1
jax: 0.10.2.dev20260603
libtpu: 0.0.44.dev20260713+nightly
codegen_flags: <defaults>
</compile_context>

<pallas_src>
import functools

import jax
import jax.numpy as jnp
from jax import lax
from jax.experimental import pallas as pl
from jax.experimental.pallas import tpu as pltpu
from jax.experimental.pallas import tpu_sc as plsc

HID = 128
ATT = 5
NVOC = 475
NNODE = 10000
NQ = 16
NE = 160000
NL = 2
NXL = 4

NC = 2
NS = 16
NW = NC * NS
CH = 128
K = 40
NEP = NW * K * CH
DM = 160
DMH = 80
DOV = 80
NSEG = 10016
BE = 1280
BN = 2000
NKEY = NVOC * NQ
KEYP = 7680


@functools.cache
def _mesh():
    return plsc.VectorSubcoreMesh(core_axis_name="c", subcore_axis_name="s",
                                  num_cores=NC, num_subcores=NS)


_SC_PARAMS = pltpu.CompilerParams(use_tc_tiling_on_sc=False)


def _wid():
    return lax.axis_index("s") * NC + lax.axis_index("c")


GG = 2
GS = 2


def _dma_pipeline(nchunks, G, in_cp, out_start, out_wait):
    def fire_in(g, jb):
        for u in range(G):
            in_cp(jb + u, G * g + u, g).start()

    def drain_in(g, jb):
        for u in range(G):
            in_cp(jb + u, G * g + u, g).wait()

    def fire_out(g, jb):
        for u in range(G):
            out_start(jb + u, G * g + u, g)

    def drain_out(g, jb):
        for u in range(G):
            out_wait(jb + u, G * g + u, g)

    nit = nchunks // (2 * G)
    fire_in(0, 0)
    fire_in(1, G)

    def body(i, _):
        ja = 2 * G * i
        jb = ja + G
        drain_in(0, ja)
        fire_out(0, ja)
        drain_in(1, jb)
        fire_out(1, jb)

        @pl.when(i < nit - 1)
        def _():
            drain_out(0, ja)
            fire_in(0, ja + 2 * G)
            drain_out(1, jb)
            fire_in(1, jb + 2 * G)

        @pl.when(i == nit - 1)
        def _():
            drain_out(0, ja)
            drain_out(1, jb)

        return 0

    lax.fori_loop(0, nit, body, 0)


def _gather_multi_body(*args):
    ntab = (len(args) - 6) // 2
    tabs = args[:ntab]
    idx_hbm = args[ntab]
    outs = args[ntab + 1:2 * ntab + 1]
    idxb, rows, gs0, gs1, ss0, ss1 = args[2 * ntab + 1:]
    w = _wid()
    pltpu.sync_copy(idx_hbm.at[w], idxb)
    base = w * (K * CH)
    gsem = (gs0, gs1)
    ssem = (ss0, ss1)

    for tab, out in zip(tabs, outs):
        def gcp(j, slot, g):
            return pltpu.make_async_copy(tab.at[idxb.at[j]], rows.at[slot],
                                         gsem[g])

        def scp(j, slot, g):
            return pltpu.make_async_copy(
                rows.at[slot], out.at[pl.ds(base + j * CH, CH)], ssem[g])

        _dma_pipeline(K, GG, gcp,
                      lambda j, slot, g: scp(j, slot, g).start(),
                      lambda j, slot, g: scp(j, slot, g).wait())


@jax.jit
def _sc_gather_multi(tabs, idx):
    dt = tabs[0].dtype
    f = pl.kernel(
        _gather_multi_body,
        out_type=[jax.ShapeDtypeStruct((NEP, HID), dt) for _ in tabs],
        mesh=_mesh(),
        scratch_types=[pltpu.VMEM((K, CH), jnp.int32),
                       pltpu.VMEM((2 * GG, CH, HID), dt),
                       pltpu.SemaphoreType.DMA,
                       pltpu.SemaphoreType.DMA,
                       pltpu.SemaphoreType.DMA,
                       pltpu.SemaphoreType.DMA],
        compiler_params=_SC_PARAMS,
    )
    return f(*tabs, idx)


def _sc_gather(tab, idx):
    return _sc_gather_multi((tab,), idx)[0]


def _scatter_body(msgx, obj_idx, zrows, out, idxb, rows, ls0, ls1, as0, as1,
                  shared):
    c = lax.axis_index("c")
    s = lax.axis_index("s")
    seg_per_tile = NSEG // NS
    t0 = s * seg_per_tile
    col0 = c * DOV

    pltpu.sync_copy(zrows, shared.at[pl.ds(t0, seg_per_tile)])
    plsc.subcore_barrier()

    def run_span(w):
        pltpu.sync_copy(obj_idx.at[w], idxb)
        base = w * (K * CH)
        lsem = (ls0, ls1)
        asem = (as0, as1)

        def lcp(j, slot, g):
            return pltpu.make_async_copy(
                msgx.at[pl.ds(base + j * CH, CH), pl.ds(col0, DMH)],
                rows.at[slot], lsem[g])

        def astart(j, slot, g):
            pltpu.async_copy(rows.at[slot], shared.at[idxb.at[j]], asem[g],
                             add=True)

        def await_(j, slot, g):
            pltpu.make_async_copy(rows.at[slot], shared.at[idxb.at[j]],
                                  asem[g]).wait()

        _dma_pipeline(K, GS, lcp, astart, await_)

    run_span(2 * s)
    run_span(2 * s + 1)
    plsc.subcore_barrier()
    pltpu.sync_copy(shared.at[pl.ds(t0, seg_per_tile)],
                    out.at[pl.ds(t0, seg_per_tile), pl.ds(col0, DMH)])


@jax.jit
def _sc_scatter(msgx, obj_idx, zrows):
    f = pl.kernel(
        _scatter_body,
        out_type=jax.ShapeDtypeStruct((NSEG, DM), jnp.float32),
        mesh=_mesh(),
        scratch_types=[pltpu.VMEM((K, CH), jnp.int32),
                       pltpu.VMEM((2 * GS, CH, DMH), jnp.float32),
                       pltpu.SemaphoreType.DMA,
                       pltpu.SemaphoreType.DMA,
                       pltpu.SemaphoreType.DMA,
                       pltpu.SemaphoreType.DMA,
                       pltpu.VMEM_SHARED((NSEG, DMH), jnp.float32)],
        compiler_params=_SC_PARAMS,
    )
    return f(msgx, obj_idx, zrows)


def _l0_body(m0s, key_idx, obj_idx, zrows, out, keyb, objb, rows,
             ls0, ls1, as0, as1, shared):
    c = lax.axis_index("c")
    s = lax.axis_index("s")
    seg_per_tile = NSEG // NS
    t0 = s * seg_per_tile

    pltpu.sync_copy(zrows, shared.at[pl.ds(t0, seg_per_tile)])
    plsc.subcore_barrier()

    m0c = m0s.at[c]

    def run_span(w):
        pltpu.sync_copy(key_idx.at[w], keyb)
        pltpu.sync_copy(obj_idx.at[w], objb)
        lsem = (ls0, ls1)
        asem = (as0, as1)

        def lcp(j, slot, g):
            return pltpu.make_async_copy(m0c.at[keyb.at[j]], rows.at[slot],
                                         lsem[g])

        def astart(j, slot, g):
            pltpu.async_copy(rows.at[slot], shared.at[objb.at[j]], asem[g],
                             add=True)

        def await_(j, slot, g):
            pltpu.make_async_copy(rows.at[slot], shared.at[objb.at[j]],
                                  asem[g]).wait()

        _dma_pipeline(K, GS, lcp, astart, await_)

    run_span(2 * s)
    run_span(2 * s + 1)
    plsc.subcore_barrier()
    pltpu.sync_copy(shared.at[pl.ds(t0, seg_per_tile)],
                    out.at[pl.ds(t0, seg_per_tile), pl.ds(c * DOV, DMH)])


@jax.jit
def _sc_l0(m0s, key_idx, obj_idx, zrows):
    f = pl.kernel(
        _l0_body,
        out_type=jax.ShapeDtypeStruct((NSEG, DM), jnp.float32),
        mesh=_mesh(),
        scratch_types=[pltpu.VMEM((K, CH), jnp.int32),
                       pltpu.VMEM((K, CH), jnp.int32),
                       pltpu.VMEM((2 * GS, CH, DMH), jnp.float32),
                       pltpu.SemaphoreType.DMA,
                       pltpu.SemaphoreType.DMA,
                       pltpu.SemaphoreType.DMA,
                       pltpu.SemaphoreType.DMA,
                       pltpu.VMEM_SHARED((NSEG, DMH), jnp.float32)],
        compiler_params=_SC_PARAMS,
    )
    return f(m0s, key_idx, obj_idx, zrows)


def _edge_body(hs_ref, hr_ref, r_ref, qre_ref, g1b_ref, g1m_ref, gb1_ref,
               g2b_ref, gb2_ref, Ws_ref, Wqr_ref, bqr_ref, wa_ref, ba_ref,
               out_ref):
    hsb = hs_ref[...]
    hrb = hr_ref[...]
    hs = hsb.astype(jnp.float32)
    nb = hs.shape[0]
    r = r_ref[0]
    iot = lax.broadcasted_iota(jnp.int32, (NQ, nb), 0)
    oh = (iot == r).astype(jnp.float32)
    qre = qre_ref[...]
    dn = (((0,), (0,)), ((), ()))
    f32 = jnp.float32
    g1b = g1b_ref[...]
    qg1 = qre @ g1m_ref[...]
    g = (lax.dot_general(hrb, g1b[:HID], (((1,), (0,)), ((), ())),
                         preferred_element_type=f32) +
         lax.dot_general(hsb, g1b[2 * HID:], (((1,), (0,)), ((), ())),
                         preferred_element_type=f32) +
         lax.dot_general(oh, qg1, dn, preferred_element_type=f32))
    g = 1.0 / (1.0 + jnp.exp(-(g + gb1_ref[...])))
    u = g[:, :HID]
    rs = g[:, HID:]
    g2b = g2b_ref[...]
    rh = (rs * hs).astype(jnp.bfloat16)
    cand = jnp.tanh(
        lax.dot_general(hrb, g2b[:HID], (((1,), (0,)), ((), ())),
                        preferred_element_type=f32) +
        lax.dot_general(rh, g2b[HID:], (((1,), (0,)), ((), ())),
                        preferred_element_type=f32) + gb2_ref[...])
    uri = (1.0 - u) * hs + u * cand
    qa = qre @ Wqr_ref[...] + bqr_ref[...]
    sc = jnp.maximum(uri @ Ws_ref[...] +
                     lax.dot_general(oh, qa, dn,
                                     preferred_element_type=f32), 0.0)
    aw = sc @ wa_ref[...] + ba_ref[...]
    ue = jnp.exp(aw)
    out_ref[...] = jnp.concatenate(
        [ue * uri, ue, jnp.zeros((nb, DM - HID - 1), jnp.float32)], axis=1)


def _full(shape):
    nd = len(shape)
    return pl.BlockSpec(shape, lambda i, _n=nd: (0,) * _n)


@jax.jit
def _tc_edge(hs, hr, r3, qre, g1b, g1m, gb1, g2b, gb2, Ws, Wqr, bqr, wa, ba):
    ne = hs.shape[0]
    nblk = ne // BE
    return pl.pallas_call(
        _edge_body,
        out_shape=jax.ShapeDtypeStruct((ne, DM), jnp.float32),
        grid=(nblk,),
        in_specs=[
            pl.BlockSpec((BE, HID), lambda i: (i, 0)),
            pl.BlockSpec((BE, HID), lambda i: (i, 0)),
            pl.BlockSpec((1, 1, BE), lambda i: (i, 0, 0)),
            _full((NQ, HID)), _full((3 * HID, 2 * HID)),
            _full((HID, 2 * HID)), _full((1, 2 * HID)),
            _full((2 * HID, HID)), _full((1, HID)), _full((HID, ATT)),
            _full((HID, ATT)), _full((1, ATT)), _full((ATT, 1)),
            _full((1, 1)),
        ],
        out_specs=pl.BlockSpec((BE, DM), lambda i: (i, 0)),
    )(hs, hr, r3, qre, g1b, g1m, gb1, g2b, gb2, Ws, Wqr, bqr, wa, ba)


def _node_body(a0_ref, ng_ref, h0_ref, qre_ref, Wh_ref, g1b_ref, g1m_ref,
               gb1_ref, g2b_ref, gb2_ref, Wf_ref, hid_ref, hbf_ref, sc_ref):
    a = a0_ref[...]
    agg = a[:, :HID]
    se = a[:, HID:HID + 1]
    m = jnp.maximum((agg / se) @ Wh_ref[...], 0.0)
    ng = ng_ref[0]
    iot = lax.broadcasted_iota(jnp.int32, (NQ, BN), 0)
    oh = (iot == ng).astype(jnp.float32)
    dn = (((0,), (0,)), ((), ()))
    f32 = jnp.float32
    h = h0_ref[...]
    g1 = g1b_ref[...]
    qg1 = qre_ref[...] @ g1m_ref[...]
    g = (m @ g1[:HID] + h @ g1[2 * HID:] +
         lax.dot_general(oh, qg1, dn, preferred_element_type=f32))
    g = 1.0 / (1.0 + jnp.exp(-(g + gb1_ref[...])))
    u = g[:, :HID]
    rs = g[:, HID:]
    g2 = g2b_ref[...]
    cand = jnp.tanh(m @ g2[:HID] + (rs * h) @ g2[HID:] + gb2_ref[...])
    out = (1.0 - u) * h + u * cand
    hid_ref[...] = out
    hbf_ref[...] = out.astype(jnp.bfloat16)
    sc_ref[...] = out @ Wf_ref[...]


@jax.jit
def _tc_node(a0, ng3, h0, qre, Wh, g1b, g1m, gb1, g2b, gb2, Wf):
    nblk = NNODE // BN
    return pl.pallas_call(
        _node_body,
        out_shape=[jax.ShapeDtypeStruct((NNODE, HID), jnp.float32),
                   jax.ShapeDtypeStruct((NNODE, HID), jnp.bfloat16),
                   jax.ShapeDtypeStruct((NNODE, 1), jnp.float32)],
        grid=(nblk,),
        in_specs=[
            pl.BlockSpec((BN, DM), lambda i: (i, 0)),
            pl.BlockSpec((1, 1, BN), lambda i: (i, 0, 0)),
            pl.BlockSpec((BN, HID), lambda i: (i, 0)),
            _full((NQ, HID)), _full((HID, HID)), _full((3 * HID, 2 * HID)),
            _full((HID, 2 * HID)), _full((1, 2 * HID)),
            _full((2 * HID, HID)), _full((1, HID)),
            _full((HID, 1)),
        ],
        out_specs=[pl.BlockSpec((BN, HID), lambda i: (i, 0)),
                   pl.BlockSpec((BN, HID), lambda i: (i, 0)),
                   pl.BlockSpec((BN, 1), lambda i: (i, 0))],
    )(a0, ng3, h0, qre, Wh, g1b, g1m, gb1, g2b, gb2, Wf)


def kernel(subs, rels, edges, nodes, old_idx, params):
    n = subs.shape[0]
    idt = edges.dtype
    r_idx = edges[:, 0]
    rel = edges[:, 2]
    sub = edges[:, 4]
    obj = edges[:, 5]
    sub2 = old_idx[sub]
    key = rel * NQ + r_idx

    node_group = jnp.zeros((NNODE,), dtype=idt).at[obj].set(r_idx)

    pad = NEP - NE

    def p32(x, fill):
        return jnp.concatenate(
            [x, jnp.full((pad,), fill, x.dtype)]).reshape(NW, K, CH)

    sub_sc = p32(sub, 0)
    sub2_sc = p32(sub2, 0)
    rel_sc = p32(rel, 0)
    obj_sc = p32(obj, NNODE)
    key_sc = p32(key, 0)
    r3 = jnp.concatenate([r_idx, jnp.zeros((pad,), idt)]).reshape(
        NEP // BE, 1, BE)
    ng3 = node_group.reshape(NNODE // BN, 1, BN)
    zrows = jnp.zeros((NSEG // NS, DMH), jnp.float32)

    layers = params["layers"]
    top = params["top"]
    bf = jnp.bfloat16
    tp = [top["gW1"], top["gW1"][HID:2 * HID],
          top["gb1"].reshape(1, -1), top["gW2"],
          top["gb2"].reshape(1, -1)]
    Wf = params["Wfinal"]

    def edge_call(p, hs, hr, r3v, qre):
        return _tc_edge(hs, hr, r3v, qre, p["gW1"].astype(bf),
                        p["gW1"][HID:2 * HID], p["gb1"].reshape(1, -1),
                        p["gW2"].astype(bf), p["gb2"].reshape(1, -1),
                        p["Ws"], p["Wqr"], p["bqr"].reshape(1, -1), p["wa"],
                        p["ba"].reshape(1, -1))

    def node_call(p, aggx, h0_in, qre):
        return _tc_node(aggx[:NNODE], ng3, h0_in, qre, p["Wh"],
                        tp[0], tp[1], tp[2], tp[3], tp[4], Wf)

    qres = [p["rela"][rels] for p in layers]

    hr_tabs = [layers[li]["rela"].astype(bf) for li in range(1, NL + NXL)]
    hr_outs = _sc_gather_multi(tuple(hr_tabs), rel_sc)
    hr_l = [None] + list(hr_outs)

    p0 = layers[0]
    hs0 = jnp.zeros((KEYP, HID), jnp.bfloat16)
    hr0 = jnp.concatenate(
        [jnp.repeat(p0["rela"], NQ, axis=0),
         jnp.zeros((KEYP - NKEY, HID), jnp.float32)]).astype(jnp.bfloat16)
    r0 = jnp.tile(jnp.arange(NQ, dtype=idt), KEYP // NQ).reshape(
        KEYP // BE, 1, BE)
    m0 = edge_call(p0, hs0, hr0, r0, qres[0])
    m0s = jnp.stack([m0[:, :DMH], m0[:, DOV:]])
    aggx = _sc_l0(m0s, key_sc, obj_sc, zrows)
    zeros_h = jnp.zeros((NNODE, HID), jnp.float32)
    hidden, hidden_bf, _ = node_call(p0, aggx, zeros_h, qres[0])
    h0 = hidden
    h0_in = jnp.zeros((NNODE, HID), jnp.float32).at[old_idx].set(h0)

    for li in range(1, NL + NXL):
        p = layers[li]
        sub_idx = sub_sc if li < NL else sub2_sc
        hs = _sc_gather(hidden_bf, sub_idx)
        msgx = edge_call(p, hs, hr_l[li], r3, qres[li])
        aggx = _sc_scatter(msgx, obj_sc, zrows)
        hidden, hidden_bf, sc = node_call(p, aggx, h0_in, qres[li])
        h0_in = hidden

    scores = sc[:, 0]
    scores_all = jnp.zeros((n, NNODE), jnp.float32).at[
        nodes[:, 0], nodes[:, 1]].set(scores)
    return scores_all

# --- scband reference (transcript-rebuilt; emitter-appended) ---
"""Pipeline reference for scband-run-gnn-55310588838560 (READ-ONLY COPY).

The authoritative reference and input builder live on the scoring server;
editing this copy changes nothing except your own understanding.
"""

import jax, jax.numpy as jnp
import numpy as np

HID = 128
ATT = 5
NREL = 237
NVOC = 2 * NREL + 1
NNODE = 10000
NENT = 10000
NQ = 16
NE = 160000
NL = 2
NXL = 4


def _w(key, fi, fo):
    return 0.05 * jax.random.normal(key, (fi, fo), dtype=jnp.float32)


def _layer_params(key):
    ks = jax.random.split(key, 7)
    return {
        'rela': 0.05 * jax.random.normal(ks[0], (NVOC, HID), dtype=jnp.float32),
        'gW1': _w(ks[1], 3 * HID, 2 * HID), 'gb1': jnp.zeros((2 * HID,), jnp.float32),
        'gW2': _w(ks[2], 2 * HID, HID), 'gb2': jnp.zeros((HID,), jnp.float32),
        'Wh': _w(ks[3], HID, HID),
        'Ws': _w(ks[4], HID, ATT),
        'Wqr': _w(ks[5], HID, ATT), 'bqr': jnp.zeros((ATT,), jnp.float32),
        'wa': _w(ks[6], ATT, 1), 'ba': jnp.zeros((1,), jnp.float32),
    }


def setup_inputs(seed: int = 0):
    key = jax.random.key(seed)
    ks = jax.random.split(key, 12)
    subs = jax.random.randint(ks[0], (NQ,), 0, NENT)
    rels = jax.random.randint(ks[1], (NQ,), 0, NVOC)
    cols = [
        jax.random.randint(ks[2], (NE, 1), 0, NQ),
        jax.random.randint(ks[3], (NE, 1), 0, NENT),
        jax.random.randint(ks[4], (NE, 1), 0, NVOC),
        jax.random.randint(ks[5], (NE, 1), 0, NENT),
        jax.random.randint(ks[6], (NE, 1), 0, NNODE),
        jax.random.randint(ks[7], (NE, 1), 0, NNODE),
    ]
    edges = jnp.concatenate(cols, axis=1)
    nodes = jnp.concatenate([
        jax.random.randint(ks[8], (NNODE, 1), 0, NQ),
        jax.random.randint(ks[9], (NNODE, 1), 0, NENT),
    ], axis=1)
    old_idx = jax.random.randint(ks[10], (NNODE,), 0, NNODE)
    layers = [_layer_params(jax.random.fold_in(key, 100 + i)) for i in range(NL + NXL)]
    kt = jax.random.split(jax.random.fold_in(key, 999), 3)
    top = {'gW1': _w(kt[0], 3 * HID, 2 * HID), 'gb1': jnp.zeros((2 * HID,), jnp.float32),
           'gW2': _w(kt[1], 2 * HID, HID), 'gb2': jnp.zeros((HID,), jnp.float32)}
    params = {'layers': layers, 'top': top, 'Wfinal': _w(kt[2], HID, 1)}
    return {'subs': subs, 'rels': rels, 'edges': edges, 'nodes': nodes, 'old_idx': old_idx, 'params': params}


def _qrfgu(p, message, query_r, h):
    g = jax.nn.sigmoid(jnp.concatenate([message, query_r, h], axis=1) @ p['gW1'] + p['gb1'])
    update, reset = jnp.split(g, 2, axis=1)
    cand = jnp.tanh(jnp.concatenate([message, reset * h], axis=1) @ p['gW2'] + p['gb2'])
    return (1.0 - update) * h + update * cand


def _gat(p, q_rel, hidden, ue, inv, obj, node_group, n_node):
    sub = ue[:, 2]
    rel = ue[:, 1]
    r_idx = ue[:, 0]
    h_s = hidden[sub]
    h_r = p['rela'][rel]
    qre = p['rela'][q_rel]
    h_qr = qre[r_idx]
    h_n_qr = qre[node_group]
    uri = _qrfgu(p, h_r, h_qr, h_s)
    aw = jax.nn.relu(uri @ p['Ws'] + (h_qr @ p['Wqr'] + p['bqr'])) @ p['wa'] + p['ba']
    uexp = jnp.exp(aw)
    exp_att = uexp[inv]
    msg = (uexp * uri)[inv]
    sum_exp = jax.ops.segment_sum(exp_att, obj, num_segments=n_node)
    agg = jax.ops.segment_sum(msg, obj, num_segments=n_node)
    hidden_new = jax.nn.relu((agg / sum_exp) @ p['Wh'])
    return hidden_new, h_n_qr


def reference(subs, rels, edges, nodes, old_idx, params):
    n = subs.shape[0]
    n_node = NNODE
    ue, inv = jnp.unique(edges[:, jnp.array([0, 2, 4])], axis=0, return_inverse=True,
                         size=edges.shape[0], fill_value=0)
    inv = inv.ravel()
    obj = edges[:, 5]
    node_group = jnp.zeros((n_node,), dtype=edges.dtype).at[edges[:, 5]].set(edges[:, 0])
    hidden = jnp.zeros((n_node, HID), jnp.float32)
    h0 = jnp.zeros((n_node, HID), jnp.float32)
    for i in range(NL):
        li = 0 if i < NL - 1 else NL - 1
        hidden, h_n_qr = _gat(params['layers'][li], rels, hidden, ue, inv, obj, node_group, n_node)
        h0 = jnp.zeros((n_node, HID), jnp.float32).at[old_idx].set(h0)
        hidden = _qrfgu(params['top'], hidden, h_n_qr, h0)
        h0 = hidden
    for i in range(NXL):
        hidden = hidden[old_idx]
        hidden, h_n_qr = _gat(params['layers'][NL + i], rels, hidden, ue, inv, obj, node_group, n_node)
        hidden = _qrfgu(params['top'], hidden, h_n_qr, h0)
        h0 = hidden
    scores = (hidden @ params['Wfinal'])[:, 0]
    scores_all = jnp.zeros((n, NENT), jnp.float32).at[nodes[:, 0], nodes[:, 1]].set(scores)
    return scores_all

if __name__ == "__main__":
    import jax
    _d = setup_inputs()
    print(jax.jit(kernel)(*tuple(_d.values())))

</pallas_src>

<mosaic_0001>
#map = affine_map<(d0, d1) -> (0, 0)>
#map1 = affine_map<(d0, d1) -> (0, 0, 0)>
module attributes {stable_mosaic.version = 14 : i64} {
  func.func @_gather_multi_body(%arg0: i32, %arg1: i32, %arg2: memref<475x128xbf16, #tpu.memory_space<hbm>>, %arg3: memref<475x128xbf16, #tpu.memory_space<hbm>>, %arg4: memref<475x128xbf16, #tpu.memory_space<hbm>>, %arg5: memref<475x128xbf16, #tpu.memory_space<hbm>>, %arg6: memref<475x128xbf16, #tpu.memory_space<hbm>>, %arg7: memref<32x40x128xi32, #tpu.memory_space<hbm>>, %arg8: memref<163840x128xbf16, #tpu.memory_space<hbm>>, %arg9: memref<163840x128xbf16, #tpu.memory_space<hbm>>, %arg10: memref<163840x128xbf16, #tpu.memory_space<hbm>>, %arg11: memref<163840x128xbf16, #tpu.memory_space<hbm>>, %arg12: memref<163840x128xbf16, #tpu.memory_space<hbm>>, %arg13: memref<40x128xi32, #tpu.memory_space<vmem>>, %arg14: memref<4x128x128xbf16, #tpu.memory_space<vmem>>, %arg15: memref<!tpu.dma_semaphore, #tpu.memory_space<semaphore_mem>>, %arg16: memref<!tpu.dma_semaphore, #tpu.memory_space<semaphore_mem>>, %arg17: memref<!tpu.dma_semaphore, #tpu.memory_space<semaphore_mem>>, %arg18: memref<!tpu.dma_semaphore, #tpu.memory_space<semaphore_mem>>) attributes {dimension_semantics = [#tpu.dimension_semantics<core_parallel>, #tpu.dimension_semantics<subcore_parallel>], iteration_bounds = array<i64: 2, 16>, scalar_prefetch = 0 : i64, scratch_operands = 6 : i64, tpu.core_type = #tpu.core_type<sc_vector_subcore>, window_params = [{transform_indices = #map}, {transform_indices = #map}, {transform_indices = #map}, {transform_indices = #map}, {transform_indices = #map}, {transform_indices = #map1}, {transform_indices = #map}, {transform_indices = #map}, {transform_indices = #map}, {transform_indices = #map}, {transform_indices = #map}]} {
    %mul3A = arith.constant 2 : i32
    %mul3A_0 = arith.muli %arg1, %mul3A : i32
    %add3A = arith.addi %mul3A_0, %arg0 : i32
    "tpu.region"() ({
      %run_scoped3A = tpu.sem_alloc : memref<!tpu.dma_semaphore, #tpu.memory_space<semaphore_mem>>
      %dma_start3A_276 = arith.constant 0 : i32
      %dma_start3A_277 = arith.constant 0 : i32
      %dma_start3A_278 = tpu.memref_slice %arg7[%add3A, %dma_start3A_276, %dma_start3A_277] : memref<32x40x128xi32, #tpu.memory_space<hbm>> -> memref<1x40x128xi32, #tpu.memory_space<hbm>>
      %dma_start3A_279 = tpu.memref_squeeze %dma_start3A_278 : memref<1x40x128xi32, #tpu.memory_space<hbm>> -> memref<40x128xi32, #tpu.memory_space<hbm>>
      %dma_start3A_280 = arith.constant 0 : i32
      %dma_start3A_281 = arith.constant 0 : i32
      %dma_start3A_282 = tpu.memref_slice %arg7[%add3A, %dma_start3A_280, %dma_start3A_281] : memref<32x40x128xi32, #tpu.memory_space<hbm>> -> memref<1x40x128xi32, #tpu.memory_space<hbm>>
      %dma_start3A_283 = tpu.memref_squeeze %dma_start3A_282 : memref<1x40x128xi32, #tpu.memory_space<hbm>> -> memref<40x128xi32, #tpu.memory_space<hbm>>
      tpu.enqueue_dma source(%dma_start3A_283 : memref<40x128xi32, #tpu.memory_space<hbm>>) target(%arg13 : memref<40x128xi32, #tpu.memory_space<vmem>>) target_semaphore(%run_scoped3A : memref<!tpu.dma_semaphore, #tpu.memory_space<semaphore_mem>>)
      %dma_wait3A = arith.constant 0 : i32
      %dma_wait3A_284 = arith.constant 0 : i32
      %dma_wait3A_285 = tpu.memref_slice %arg7[%add3A, %dma_wait3A, %dma_wait3A_284] : memref<32x40x128xi32, #tpu.memory_space<hbm>> -> memref<1x40x128xi32, #tpu.memory_space<hbm>>
      %dma_wait3A_286 = tpu.memref_squeeze %dma_wait3A_285 : memref<1x40x128xi32, #tpu.memory_space<hbm>> -> memref<40x128xi32, #tpu.memory_space<hbm>>
      %dma_wait3A_287 = arith.constant 0 : i32
      %dma_wait3A_288 = arith.constant 0 : i32
      %dma_wait3A_289 = tpu.memref_slice %arg7[%add3A, %dma_wait3A_287, %dma_wait3A_288] : memref<32x40x128xi32, #tpu.memory_space<hbm>> -> memref<1x40x128xi32, #tpu.memory_space<hbm>>
      %dma_wait3A_290 = tpu.memref_squeeze %dma_wait3A_289 : memref<1x40x128xi32, #tpu.memory_space<hbm>> -> memref<40x128xi32, #tpu.memory_space<hbm>>
      tpu.wait_dma2 semaphore(%run_scoped3A : memref<!tpu.dma_semaphore, #tpu.memory_space<semaphore_mem>>) src(%dma_wait3A_290 : memref<40x128xi32, #tpu.memory_space<hbm>>) dst(%arg13 : memref<40x128xi32, #tpu.memory_space<vmem>>)
      tpu.yield
    }) : () -> ()
    %mul3A_1 = arith.constant 5120 : i32
    %mul3A_2 = arith.muli %add3A, %mul3A_1 : i32
    %dma_start3A = arith.constant 0 : i32
    %dma_start3A_3 = arith.constant 0 : i32
    %dma_start3A_4 = arith.constant 0 : i32
    %dma_start3A_5 = arith.constant 0 : i32
    %dma_start3A_6 = tpu.memref_slice %arg14[%dma_start3A_3, %dma_start3A_4, %dma_start3A_5] : memref<4x128x128xbf16, #tpu.memory_space<vmem>> -> memref<1x128x128xbf16, #tpu.memory_space<vmem>>
    %dma_start3A_7 = tpu.memref_squeeze %dma_start3A_6 : memref<1x128x128xbf16, #tpu.memory_space<vmem>> -> memref<128x128xbf16, #tpu.memory_space<vmem>>
    %dma_start3A_8 = arith.constant 0 : i32
    %dma_start3A_9 = tpu.memref_slice %arg13[%dma_start3A, %dma_start3A_8] : memref<40x128xi32, #tpu.memory_space<vmem>> -> memref<1x128xi32, #tpu.memory_space<vmem>>
    %dma_start3A_10 = tpu.memref_squeeze %dma_start3A_9 : memref<1x128xi32, #tpu.memory_space<vmem>> -> memref<128xi32, #tpu.memory_space<vmem>>
    %dma_start3A_11 = arith.constant 0 : i32
    %dma_start3A_12 = arith.constant 0 : i32
    %dma_start3A_13 = tpu.memref_slice %arg2[%dma_start3A_11, %dma_start3A_12] : memref<475x128xbf16, #tpu.memory_space<hbm>> -> memref<475x128xbf16, #tpu.memory_space<hbm>>
    tpu.enqueue_indirect_dma source(%dma_start3A_13 : memref<475x128xbf16, #tpu.memory_space<hbm>>) target(%dma_start3A_7 : memref<128x128xbf16, #tpu.memory_space<vmem>>) offsets(%dma_start3A_10 : memref<128xi32, #tpu.memory_space<vmem>>) semaphore(%arg15 : memref<!tpu.dma_semaphore, #tpu.memory_space<semaphore_mem>>)
    %dma_start3A_14 = arith.constant 1 : i32
    %dma_start3A_15 = arith.constant 1 : i32
    %dma_start3A_16 = arith.constant 0 : i32
    %dma_start3A_17 = arith.constant 0 : i32
    %dma_start3A_18 = tpu.memref_slice %arg14[%dma_start3A_15, %dma_start3A_16, %dma_start3A_17] : memref<4x128x128xbf16, #tpu.memory_space<vmem>> -> memref<1x128x128xbf16, #tpu.memory_space<vmem>>
    %dma_start3A_19 = tpu.memref_squeeze %dma_start3A_18 : memref<1x128x128xbf16, #tpu.memory_space<vmem>> -> memref<128x128xbf16, #tpu.memory_space<vmem>>
    %dma_start3A_20 = arith.constant 0 : i32
    %dma_start3A_21 = tpu.memref_slice %arg13[%dma_start3A_14, %dma_start3A_20] : memref<40x128xi32, #tpu.memory_space<vmem>> -> memref<1x128xi32, #tpu.memory_space<vmem>>
    %dma_start3A_22 = tpu.memref_squeeze %dma_start3A_21 : memref<1x128xi32, #tpu.memory_space<vmem>> -> memref<128xi32, #tpu.memory_space<vmem>>
    %dma_start3A_23 = arith.constant 0 : i32
    %dma_start3A_24 = arith.constant 0 : i32
    %dma_start3A_25 = tpu.memref_slice %arg2[%dma_start3A_23, %dma_start3A_24] : memref<475x128xbf16, #tpu.memory_space<hbm>> -> memref<475x128xbf16, #tpu.memory_space<hbm>>
    tpu.enqueue_indirect_dma source(%dma_start3A_25 : memref<475x128xbf16, #tpu.memory_space<hbm>>) target(%dma_start3A_19 : memref<128x128xbf16, #tpu.memory_space<vmem>>) offsets(%dma_start3A_22 : memref<128xi32, #tpu.memory_space<vmem>>) semaphore(%arg15 : memref<!tpu.dma_semaphore, #tpu.memory_space<semaphore_mem>>)
    %dma_start3A_26 = arith.constant 2 : i32
    %dma_start3A_27 = arith.constant 2 : i32
    %dma_start3A_28 = arith.constant 0 : i32
    %dma_start3A_29 = arith.constant 0 : i32
    %dma_start3A_30 = tpu.memref_slice %arg14[%dma_start3A_27, %dma_start3A_28, %dma_start3A_29] : memref<4x128x128xbf16, #tpu.memory_space<vmem>> -> memref<1x128x128xbf16, #tpu.memory_space<vmem>>
    %dma_start3A_31 = tpu.memref_squeeze %dma_start3A_30 : memref<1x128x128xbf16, #tpu.memory_space<vmem>> -> memref<128x128xbf16, #tpu.memory_space<vmem>>
    %dma_start3A_32 = arith.constant 0 : i32
    %dma_start3A_33 = tpu.memref_slice %arg13[%dma_start3A_26, %dma_start3A_32] : memref<40x128xi32, #tpu.memory_space<vmem>> -> memref<1x128xi32, #tpu.memory_space<vmem>>
    %dma_start3A_34 = tpu.memref_squeeze %dma_start3A_33 : memref<1x128xi32, #tpu.memory_space<vmem>> -> memref<128xi32, #tpu.memory_space<vmem>>
    %dma_start3A_35 = arith.constant 0 : i32
    %dma_start3A_36 = arith.constant 0 : i32
    %dma_start3A_37 = tpu.memref_slice %arg2[%dma_start3A_35, %dma_start3A_36] : memref<475x128xbf16, #tpu.memory_space<hbm>> -> memref<475x128xbf16, #tpu.memory_space<hbm>>
    tpu.enqueue_indirect_dma source(%dma_start3A_37 : memref<475x128xbf16, #tpu.memory_space<hbm>>) target(%dma_start3A_31 : memref<128x128xbf16, #tpu.memory_space<vmem>>) offsets(%dma_start3A_34 : memref<128xi32, #tpu.memory_space<vmem>>) semaphore(%arg16 : memref<!tpu.dma_semaphore, #tpu.memory_space<semaphore_mem>>)
    %dma_start3A_38 = arith.constant 3 : i32
    %dma_start3A_39 = arith.constant 3 : i32
    %dma_start3A_40 = arith.constant 0 : i32
    %dma_start3A_41 = arith.constant 0 : i32
    %dma_start3A_42 = tpu.memref_slice %arg14[%dma_start3A_39, %dma_start3A_40, %dma_start3A_41] : memref<4x128x128xbf16, #tpu.memory_space<vmem>> -> memref<1x128x128xbf16, #tpu.memory_space<vmem>>
    %dma_start3A_43 = tpu.memref_squeeze %dma_start3A_42 : memref<1x128x128xbf16, #tpu.memory_space<vmem>> -> memref<128x128xbf16, #tpu.memory_space<vmem>>
    %dma_start3A_44 = arith.constant 0 : i32
    %dma_start3A_45 = tpu.memref_slice %arg13[%dma_start3A_38, %dma_start3A_44] : memref<40x128xi32, #tpu.memory_space<vmem>> -> memref<1x128xi32, #tpu.memory_space<vmem>>
    %dma_start3A_46 = tpu.memref_squeeze %dma_start3A_45 : memref<1x128xi32, #tpu.memory_space<vmem>> -> memref<128xi32, #tpu.memory_space<vmem>>
    %dma_start3A_47 = arith.constant 0 : i32
    %dma_start3A_48 = arith.constant 0 : i32
    %dma_start3A_49 = tpu.memref_slice %arg2[%dma_start3A_47, %dma_start3A_48] : memref<475x128xbf16, #tpu.memory_space<hbm>> -> memref<475x128xbf16, #tpu.memory_space<hbm>>
    tpu.enqueue_indirect_dma source(%dma_start3A_49 : memref<475x128xbf16, #tpu.memory_space<hbm>>) target(%dma_start3A_43 : memref<128x128xbf16, #tpu.memory_space<vmem>>) offsets(%dma_start3A_46 : memref<128xi32, #tpu.memory_space<vmem>>) semaphore(%arg16 : memref<!tpu.dma_semaphore, #tpu.memory_space<semaphore_mem>>)
    %scan3A = arith.constant 0 : i32
    %scan3A_50 = arith.constant 0 : i32
    %scan3A_51 = arith.constant 10 : i32
    %scan3A_52 = arith.addi %scan3A_50, %scan3A_51 : i32
    %scan3A_53 = arith.constant 1 : i32
    %scan3A_54 = scf.for %scan3A_276 = %scan3A_50 to %scan3A_52 step %scan3A_53 iter_args(%scan3A_277 = %scan3A) -> (i32)  : i32 {
      %mul3A_278 = arith.constant 4 : i32
      %mul3A_279 = arith.muli %mul3A_278, %scan3A_276 : i32
      %add3A_280 = arith.constant 2 : i32
      %add3A_281 = arith.addi %mul3A_279, %add3A_280 : i32
      %add3A_282 = arith.constant 0 : i32
      %add3A_283 = arith.addi %mul3A_279, %add3A_282 : i32
      %dma_wait3A = arith.constant 0 : i32
      %dma_wait3A_284 = arith.constant 0 : i32
      %dma_wait3A_285 = arith.constant 0 : i32
      %dma_wait3A_286 = tpu.memref_slice %arg14[%dma_wait3A, %dma_wait3A_284, %dma_wait3A_285] : memref<4x128x128xbf16, #tpu.memory_space<vmem>> -> memref<1x128x128xbf16, #tpu.memory_space<vmem>>
      %dma_wait3A_287 = tpu.memref_squeeze %dma_wait3A_286 : memref<1x128x128xbf16, #tpu.memory_space<vmem>> -> memref<128x128xbf16, #tpu.memory_space<vmem>>
      %dma_wait3A_288 = arith.constant 0 : i32
      %dma_wait3A_289 = tpu.memref_slice %arg13[%add3A_283, %dma_wait3A_288] : memref<40x128xi32, #tpu.memory_space<vmem>> -> memref<1x128xi32, #tpu.memory_space<vmem>>
      %dma_wait3A_290 = tpu.memref_squeeze %dma_wait3A_289 : memref<1x128xi32, #tpu.memory_space<vmem>> -> memref<128xi32, #tpu.memory_space<vmem>>
      %dma_wait3A_291 = arith.constant 0 : i32
      %dma_wait3A_292 = arith.constant 0 : i32
      %dma_wait3A_293 = tpu.memref_slice %arg2[%dma_wait3A_291, %dma_wait3A_292] : memref<475x128xbf16, #tpu.memory_space<hbm>> -> memref<475x128xbf16, #tpu.memory_space<hbm>>
      tpu.wait_indirect_dma semaphore(%arg15 : memref<!tpu.dma_semaphore, #tpu.memory_space<semaphore_mem>>) src(%dma_wait3A_293 : memref<475x128xbf16, #tpu.memory_space<hbm>>) dst(%dma_wait3A_287 : memref<128x128xbf16, #tpu.memory_space<vmem>>)
      %add3A_294 = arith.constant 1 : i32
      %add3A_295 = arith.addi %mul3A_279, %add3A_294 : i32
      %dma_wait3A_296 = arith.constant 1 : i32
      %dma_wait3A_297 = arith.constant 0 : i32
      %dma_wait3A_298 = arith.constant 0 : i32
      %dma_wait3A_299 = tpu.memref_slice %arg14[%dma_wait3A_296, %dma_wait3A_297, %dma_wait3A_298] : memref<4x128x128xbf16, #tpu.memory_space<vmem>> -> memref<1x128x128xbf16, #tpu.memory_space<vmem>>
      %dma_wait3A_300 = tpu.memref_squeeze %dma_wait3A_299 : memref<1x128x128xbf16, #tpu.memory_space<vmem>> -> memref<128x128xbf16, #tpu.memory_space<vmem>>
      %dma_wait3A_301 = arith.constant 0 : i32
      %dma_wait3A_302 = tpu.memref_slice %arg13[%add3A_295, %dma_wait3A_301] : memref<40x128xi32, #tpu.memory_space<vmem>> -> memref<1x128xi32, #tpu.memory_space<vmem>>
      %dma_wait3A_303 = tpu.memref_squeeze %dma_wait3A_302 : memref<1x128xi32, #tpu.memory_space<vmem>> -> memref<128xi32, #tpu.memory_space<vmem>>
      %dma_wait3A_304 = arith.constant 0 : i32
      %dma_wait3A_305 = arith.constant 0 : i32
      %dma_wait3A_306 = tpu.memref_slice %arg2[%dma_wait3A_304, %dma_wait3A_305] : memref<475x128xbf16, #tpu.memory_space<hbm>> -> memref<475x128xbf16, #tpu.memory_space<hbm>>
      tpu.wait_indirect_dma semaphore(%arg15 : memref<!tpu.dma_semaphore, #tpu.memory_space<semaphore_mem>>) src(%dma_wait3A_306 : memref<475x128xbf16, #tpu.memory_space<hbm>>) dst(%dma_wait3A_300 : memref<128x128xbf16, #tpu.memory_space<vmem>>)
      %add3A_307 = arith.constant 0 : i32
      %add3A_308 = arith.addi %mul3A_279, %add3A_307 : i32
      %mul3A_309 = arith.constant 128 : i32
      %mul3A_310 = arith.muli %add3A_308, %mul3A_309 : i32
      %add3A_311 = arith.addi %mul3A_2, %mul3A_310 : i32
      %dma_start3A_312 = arith.constant 0 : i32
      %dma_start3A_313 = arith.constant 0 : i32
      %dma_start3A_314 = arith.constant 0 : i32
      %dma_start3A_315 = tpu.memref_slice %arg14[%dma_start3A_312, %dma_start3A_313, %dma_start3A_314] : memref<4x128x128xbf16, #tpu.memory_space<vmem>> -> memref<1x128x128xbf16, #tpu.memory_space<vmem>>
      %dma_start3A_316 = tpu.memref_squeeze %dma_start3A_315 : memref<1x128x128xbf16, #tpu.memory_space<vmem>> -> memref<128x128xbf16, #tpu.memory_space<vmem>>
      %dma_start3A_317 = arith.constant 0 : i32
      %dma_start3A_318 = tpu.memref_slice %arg8[%add3A_311, %dma_start3A_317] : memref<163840x128xbf16, #tpu.memory_space<hbm>> -> memref<128x128xbf16, #tpu.memory_space<hbm>>
      %dma_start3A_319 = arith.constant 0 : i32
      %dma_start3A_320 = tpu.memref_slice %arg8[%add3A_311, %dma_start3A_319] : memref<163840x128xbf16, #tpu.memory_space<hbm>> -> memref<128x128xbf16, #tpu.memory_space<hbm>>
      %dma_start3A_321 = arith.constant 0 : i32
      %dma_start3A_322 = arith.constant 0 : i32
      %dma_start3A_323 = tpu.memref_slice %arg14[%dma_start3A_312, %dma_start3A_321, %dma_start3A_322] : memref<4x128x128xbf16, #tpu.memory_space<vmem>> -> memref<1x128x128xbf16, #tpu.memory_space<vmem>>
      %dma_start3A_324 = tpu.memref_squeeze %dma_start3A_323 : memref<1x128x128xbf16, #tpu.memory_space<vmem>> -> memref<128x128xbf16, #tpu.memory_space<vmem>>
      tpu.enqueue_dma source(%dma_start3A_324 : memref<128x128xbf16, #tpu.memory_space<vmem>>) target(%dma_start3A_320 : memref<128x128xbf16, #tpu.memory_space<hbm>>) target_semaphore(%arg17 : memref<!tpu.dma_semaphore, #tpu.memory_space<semaphore_mem>>)
      %add3A_325 = arith.constant 1 : i32
      %add3A_326 = arith.addi %mul3A_279, %add3A_325 : i32
      %mul3A_327 = arith.constant 128 : i32
      %mul3A_328 = arith.muli %add3A_326, %mul3A_327 : i32
      %add3A_329 = arith.addi %mul3A_2, %mul3A_328 : i32
      %dma_start3A_330 = arith.constant 1 : i32
      %dma_start3A_331 = arith.constant 0 : i32
      %dma_start3A_332 = arith.constant 0 : i32
      %dma_start3A_333 = tpu.memref_slice %arg14[%dma_start3A_330, %dma_start3A_331, %dma_start3A_332] : memref<4x128x128xbf16, #tpu.memory_space<vmem>> -> memref<1x128x128xbf16, #tpu.memory_space<vmem>>
      %dma_start3A_334 = tpu.memref_squeeze %dma_start3A_333 : memref<1x128x128xbf16, #tpu.memory_space<vmem>> -> memref<128x128xbf16, #tpu.memory_space<vmem>>
      %dma_start3A_335 = arith.constant 0 : i32
      %dma_start3A_336 = tpu.memref_slice %arg8[%add3A_329, %dma_start3A_335] : memref<163840x128xbf16, #tpu.memory_space<hbm>> -> memref<128x128xbf16, #tpu.memory_space<hbm>>
      %dma_start3A_337 = arith.constant 0 : i32
      %dma_start3A_338 = tpu.memref_slice %arg8[%add3A_329, %dma_start3A_337] : memref<163840x128xbf16, #tpu.memory_space<hbm>> -> memref<128x128xbf16, #tpu.memory_space<hbm>>
      %dma_start3A_339 = arith.constant 0 : i32
      %dma_start3A_340 = arith.constant 0 : i32
      %dma_start3A_341 = tpu.memref_slice %arg14[%dma_start3A_330, %dma_start3A_339, %dma_start3A_340] : memref<4x128x128xbf16, #tpu.memory_space<vmem>> -> memref<1x128x128xbf16, #tpu.memory_space<vmem>>
      %dma_start3A_342 = tpu.memref_squeeze %dma_start3A_341 : memref<1x128x128xbf16, #tpu.memory_space<vmem>> -> memref<128x128xbf16, #tpu.memory_space<vmem>>
      tpu.enqueue_dma source(%dma_start3A_342 : memref<128x128xbf16, #tpu.memory_space<vmem>>) target(%dma_start3A_338 : memref<128x128xbf16, #tpu.memory_space<hbm>>) target_semaphore(%arg17 : memref<!tpu.dma_semaphore, #tpu.memory_space<semaphore_mem>>)
      %add3A_343 = arith.constant 0 : i32
      %add3A_344 = arith.addi %add3A_281, %add3A_343 : i32
      %dma_wait3A_345 = arith.constant 2 : i32
      %dma_wait3A_346 = arith.constant 0 : i32
      %dma_wait3A_347 = arith.constant 0 : i32
      %dma_wait3A_348 = tpu.memref_slice %arg14[%dma_wait3A_345, %dma_wait3A_346, %dma_wait3A_347] : memref<4x128x128xbf16, #tpu.memory_space<vmem>> -> memref<1x128x128xbf16, #tpu.memory_space<vmem>>
      %dma_wait3A_349 = tpu.memref_squeeze %dma_wait3A_348 : memref<1x128x128xbf16, #tpu.memory_space<vmem>> -> memref<128x128xbf16, #tpu.memory_space<vmem>>
      %dma_wait3A_350 = arith.constant 0 : i32
      %dma_wait3A_351 = tpu.memref_slice %arg13[%add3A_344, %dma_wait3A_350] : memref<40x128xi32, #tpu.memory_space<vmem>> -> memref<1x128xi32, #tpu.memory_space<vmem>>
      %dma_wait3A_352 = tpu.memref_squeeze %dma_wait3A_351 : memref<1x128xi32, #tpu.memory_space<vmem>> -> memref<128xi32, #tpu.memory_space<vmem>>
      %dma_wait3A_353 = arith.constant 0 : i32
      %dma_wait3A_354 = arith.constant 0 : i32
      %dma_wait3A_355 = tpu.memref_slice %arg2[%dma_wait3A_353, %dma_wait3A_354] : memref<475x128xbf16, #tpu.memory_space<hbm>> -> memref<475x128xbf16, #tpu.memory_space<hbm>>
      tpu.wait_indirect_dma semaphore(%arg16 : memref<!tpu.dma_semaphore, #tpu.memory_space<semaphore_mem>>) src(%dma_wait3A_355 : memref<475x128xbf16, #tpu.memory_space<hbm>>) dst(%dma_wait3A_349 : memref<128x128xbf16, #tpu.memory_space<vmem>>)
      %add3A_356 = arith.constant 1 : i32
      %add3A_357 = arith.addi %add3A_281, %add3A_356 : i32
      %dma_wait3A_358 = arith.constant 3 : i32
      %dma_wait3A_359 = arith.constant 0 : i32
      %dma_wait3A_360 = arith.constant 0 : i32
      %dma_wait3A_361 = tpu.memref_slice %arg14[%dma_wait3A_358, %dma_wait3A_359, %dma_wait3A_360] : memref<4x128x128xbf16, #tpu.memory_space<vmem>> -> memref<1x128x128xbf16, #tpu.memory_space<vmem>>
      %dma_wait3A_362 = tpu.memref_squeeze %dma_wait3A_361 : memref<1x128x128xbf16, #tpu.memory_space<vmem>> -> memref<128x128xbf16, #tpu.memory_space<vmem>>
      %dma_wait3A_363 = arith.constant 0 : i32
      %dma_wait3A_364 = tpu.memref_slice %arg13[%add3A_357, %dma_wait3A_363] : memref<40x128xi32, #tpu.memory_space<vmem>> -> memref<1x128xi32, #tpu.memory_space<vmem>>
      %dma_wait3A_365 = tpu.memref_squeeze %dma_wait3A_364 : memref<1x128xi32, #tpu.memory_space<vmem>> -> memref<128xi32, #tpu.memory_space<vmem>>
      %dma_wait3A_366 = arith.constant 0 : i32
      %dma_wait3A_367 = arith.constant 0 : i32
      %dma_wait3A_368 = tpu.memref_slice %arg2[%dma_wait3A_366, %dma_wait3A_367] : memref<475x128xbf16, #tpu.memory_space<hbm>> -> memref<475x128xbf16, #tpu.memory_space<hbm>>
      tpu.wait_indirect_dma semaphore(%arg16 : memref<!tpu.dma_semaphore, #tpu.memory_space<semaphore_mem>>) src(%dma_wait3A_368 : memref<475x128xbf16, #tpu.memory_space<hbm>>) dst(%dma_wait3A_362 : memref<128x128xbf16, #tpu.memory_space<vmem>>)
      %add3A_369 = arith.constant 0 : i32
      %add3A_370 = arith.addi %add3A_281, %add3A_369 : i32
      %mul3A_371 = arith.constant 128 : i32
      %mul3A_372 = arith.muli %add3A_370, %mul3A_371 : i32
      %add3A_373 = arith.addi %mul3A_2, %mul3A_372 : i32
      %dma_start3A_374 = arith.constant 2 : i32
      %dma_start3A_375 = arith.constant 0 : i32
      %dma_start3A_376 = arith.constant 0 : i32
      %dma_start3A_377 = tpu.memref_slice %arg14[%dma_start3A_374, %dma_start3A_375, %dma_start3A_376] : memref<4x128x128xbf16, #tpu.memory_space<vmem>> -> memref<1x128x128xbf16, #tpu.memory_space<vmem>>
      %dma_start3A_378 = tpu.memref_squeeze %dma_start3A_377 : memref<1x128x128xbf16, #tpu.memory_space<vmem>> -> memref<128x128xbf16, #tpu.memory_space<vmem>>
      %dma_start3A_379 = arith.constant 0 : i32
      %dma_start3A_380 = tpu.memref_slice %arg8[%add3A_373, %dma_start3A_379] : memref<163840x128xbf16, #tpu.memory_space<hbm>> -> memref<128x128xbf16, #tpu.memory_space<hbm>>
      %dma_start3A_381 = arith.constant 0 : i32
      %dma_start3A_382 = tpu.memref_slice %arg8[%add3A_373, %dma_start3A_381] : memref<163840x128xbf16, #tpu.memory_space<hbm>> -> memref<128x128xbf16, #tpu.memory_space<hbm>>
      %dma_start3A_383 = arith.constant 0 : i32
      %dma_start3A_384 = arith.constant 0 : i32
      %dma_start3A_385 = tpu.memref_slice %arg14[%dma_start3A_374, %dma_start3A_383, %dma_start3A_384] : memref<4x128x128xbf16, #tpu.memory_space<vmem>> -> memref<1x128x128xbf16, #tpu.memory_space<vmem>>
      %dma_start3A_386 = tpu.memref_squeeze %dma_start3A_385 : memref<1x128x128xbf16, #tpu.memory_space<vmem>> -> memref<128x128xbf16, #tpu.memory_space<vmem>>
      tpu.enqueue_dma source(%dma_start3A_386 : memref<128x128xbf16, #tpu.memory_space<vmem>>) target(%dma_start3A_382 : memref<128x128xbf16, #tpu.memory_space<hbm>>) target_semaphore(%arg18 : memref<!tpu.dma_semaphore, #tpu.memory_space<semaphore_mem>>)
      %add3A_387 = arith.constant 1 : i32
      %add3A_388 = arith.addi %add3A_281, %add3A_387 : i32
      %mul3A_389 = arith.constant 128 : i32
      %mul3A_390 = arith.muli %add3A_388, %mul3A_389 : i32
      %add3A_391 = arith.addi %mul3A_2, %mul3A_390 : i32
      %dma_start3A_392 = arith.constant 3 : i32
      %dma_start3A_393 = arith.constant 0 : i32
      %dma_start3A_394 = arith.constant 0 : i32
      %dma_start3A_395 = tpu.memref_slice %arg14[%dma_start3A_392, %dma_start3A_393, %dma_start3A_394] : memref<4x128x128xbf16, #tpu.memory_space<vmem>> -> memref<1x128x128xbf16, #tpu.memory_space<vmem>>
      %dma_start3A_396 = tpu.memref_squeeze %dma_start3A_395 : memref<1x128x128xbf16, #tpu.memory_space<vmem>> -> memref<128x128xbf16, #tpu.memory_space<vmem>>
      %dma_start3A_397 = arith.constant 0 : i32
      %dma_start3A_398 = tpu.memref_slice %arg8[%add3A_391, %dma_start3A_397] : memref<163840x128xbf16, #tpu.memory_space<hbm>> -> memref<128x128xbf16, #tpu.memory_space<hbm>>
      %dma_start3A_399 = arith.constant 0 : i32
      %dma_start3A_400 = tpu.memref_slice %arg8[%add3A_391, %dma_start3A_399] : memref<163840x128xbf16, #tpu.memory_space<hbm>> -> memref<128x128xbf16, #tpu.memory_space<hbm>>
      %dma_start3A_401 = arith.constant 0 : i32
      %dma_start3A_402 = arith.constant 0 : i32
      %dma_start3A_403 = tpu.memref_slice %arg14[%dma_start3A_392, %dma_start3A_401, %dma_start3A_402] : memref<4x128x128xbf16, #tpu.memory_space<vmem>> -> memref<1x128x128xbf16, #tpu.memory_space<vmem>>
      %dma_start3A_404 = tpu.memref_squeeze %dma_start3A_403 : memref<1x128x128xbf16, #tpu.memory_space<vmem>> -> memref<128x128xbf16, #tpu.memory_space<vmem>>
      tpu.enqueue_dma source(%dma_start3A_404 : memref<128x128xbf16, #tpu.memory_space<vmem>>) target(%dma_start3A_400 : memref<128x128xbf16, #tpu.memory_space<hbm>>) target_semaphore(%arg18 : memref<!tpu.dma_semaphore, #tpu.memory_space<semaphore_mem>>)
      %lt3A = arith.constant 9 : i32
      %lt3A_405 = arith.cmpi slt, %scan3A_276, %lt3A : i32
      %convert_element_type3A = arith.extui %lt3A_405 : i1 to i32
      %cond3A = arith.constant 0 : i32
      %cond3A_406 = arith.cmpi ne, %convert_element_type3A, %cond3A : i32
      scf.if %cond3A_406 {
        %add3A_412 = arith.constant 0 : i32
        %add3A_413 = arith.addi %mul3A_279, %add3A_412 : i32
        %mul3A_414 = arith.constant 128 : i32
        %mul3A_415 = arith.muli %add3A_413, %mul3A_414 : i32
        %add3A_416 = arith.addi %mul3A_2, %mul3A_415 : i32
        %dma_wait3A_417 = arith.constant 0 : i32
        %dma_wait3A_418 = arith.constant 0 : i32
        %dma_wait3A_419 = arith.constant 0 : i32
        %dma_wait3A_420 = tpu.memref_slice %arg14[%dma_wait3A_417, %dma_wait3A_418, %dma_wait3A_419] : memref<4x128x128xbf16, #tpu.memory_space<vmem>> -> memref<1x128x128xbf16, #tpu.memory_space<vmem>>
        %dma_wait3A_421 = tpu.memref_squeeze %dma_wait3A_420 : memref<1x128x128xbf16, #tpu.memory_space<vmem>> -> memref<128x128xbf16, #tpu.memory_space<vmem>>
        %dma_wait3A_422 = arith.constant 0 : i32
        %dma_wait3A_423 = tpu.memref_slice %arg8[%add3A_416, %dma_wait3A_422] : memref<163840x128xbf16, #tpu.memory_space<hbm>> -> memref<128x128xbf16, #tpu.memory_space<hbm>>
        %dma_wait3A_424 = arith.constant 0 : i32
        %dma_wait3A_425 = tpu.memref_slice %arg8[%add3A_416, %dma_wait3A_424] : memref<163840x128xbf16, #tpu.memory_space<hbm>> -> memref<128x128xbf16, #tpu.memory_space<hbm>>
        %dma_wait3A_426 = arith.constant 0 : i32
        %dma_wait3A_427 = arith.constant 0 : i32
        %dma_wait3A_428 = tpu.memref_slice %arg14[%dma_wait3A_417, %dma_wait3A_426, %dma_wait3A_427] : memref<4x128x128xbf16, #tpu.memory_space<vmem>> -> memref<1x128x128xbf16, #tpu.memory_space<vmem>>
        %dma_wait3A_429 = tpu.memref_squeeze %dma_wait3A_428 : memref<1x128x128xbf16, #tpu.memory_space<vmem>> -> memref<128x128xbf16, #tpu.memory_space<vmem>>
        tpu.wait_dma2 semaphore(%arg17 : memref<!tpu.dma_semaphore, #tpu.memory_space<semaphore_mem>>) src(%dma_wait3A_429 : memref<128x128xbf16, #tpu.memory_space<vmem>>) dst(%dma_wait3A_425 : memref<128x128xbf16, #tpu.memory_space<hbm>>)
        %add3A_430 = arith.constant 1 : i32
        %add3A_431 = arith.addi %mul3A_279, %add3A_430 : i32
        %mul3A_432 = arith.constant 128 : i32
        %mul3A_433 = arith.muli %add3A_431, %mul3A_432 : i32
        %add3A_434 = arith.addi %mul3A_2, %mul3A_433 : i32
        %dma_wait3A_435 = arith.constant 1 : i32
        %dma_wait3A_436 = arith.constant 0 : i32
        %dma_wait3A_437 = arith.constant 0 : i32
        %dma_wait3A_438 = tpu.memref_slice %arg14[%dma_wait3A_435, %dma_wait3A_436, %dma_wait3A_437] : memref<4x128x128xbf16, #tpu.memory_space<vmem>> -> memref<1x128x128xbf16, #tpu.memory_space<vmem>>
        %dma_wait3A_439 = tpu.memref_squeeze %dma_wait3A_438 : memref<1x128x128xbf16, #tpu.memory_space<vmem>> -> memref<128x128xbf16, #tpu.memory_space<vmem>>
        %dma_wait3A_440 = arith.constant 0 : i32
        %dma_wait3A_441 = tpu.memref_slice %arg8[%add3A_434, %dma_wait3A_440] : memref<163840x128xbf16, #tpu.memory_space<hbm>> -> memref<128x128xbf16, #tpu.memory_space<hbm>>
        %dma_wait3A_442 = arith.constant 0 : i32
        %dma_wait3A_443 = tpu.memref_slice %arg8[%add3A_434, %dma_wait3A_442] : memref<163840x128xbf16, #tpu.memory_space<hbm>> -> memref<128x128xbf16, #tpu.memory_space<hbm>>
        %dma_wait3A_444 = arith.constant 0 : i32
        %dma_wait3A_445 = arith.constant 0 : i32
        %dma_wait3A_446 = tpu.memref_slice %arg14[%dma_wait3A_435, %dma_wait3A_444, %dma_wait3A_445] : memref<4x128x128xbf16, #tpu.memory_space<vmem>> -> memref<1x128x128xbf16, #tpu.memory_space<vmem>>
        %dma_wait3A_447 = tpu.memref_squeeze %dma_wait3A_446 : memref<1x128x128xbf16, #tpu.memory_space<vmem>> -> memref<128x128xbf16, #tpu.memory_space<vmem>>
        tpu.wait_dma2 semaphore(%arg17 : memref<!tpu.dma_semaphore, #tpu.memory_space<semaphore_mem>>) src(%dma_wait3A_447 : memref<128x128xbf16, #tpu.memory_space<vmem>>) dst(%dma_wait3A_443 : memref<128x128xbf16, #tpu.memory_space<hbm>>)
        %add3A_448 = arith.constant 4 : i32
        %add3A_449 = arith.addi %mul3A_279, %add3A_448 : i32
        %add3A_450 = arith.constant 0 : i32
        %add3A_451 = arith.addi %add3A_449, %add3A_450 : i32
        %dma_start3A_452 = arith.constant 0 : i32
        %dma_start3A_453 = arith.constant 0 : i32
        %dma_start3A_454 = arith.constant 0 : i32
        %dma_start3A_455 = tpu.memref_slice %arg14[%dma_start3A_452, %dma_start3A_453, %dma_start3A_454] : memref<4x128x128xbf16, #tpu.memory_space<vmem>> -> memref<1x128x128xbf16, #tpu.memory_space<vmem>>
        %dma_start3A_456 = tpu.memref_squeeze %dma_start3A_455 : memref<1x128x128xbf16, #tpu.memory_space<vmem>> -> memref<128x128xbf16, #tpu.memory_space<vmem>>
        %dma_start3A_457 = arith.constant 0 : i32
        %dma_start3A_458 = tpu.memref_slice %arg13[%add3A_451, %dma_start3A_457] : memref<40x128xi32, #tpu.memory_space<vmem>> -> memref<1x128xi32, #tpu.memory_space<vmem>>
        %dma_start3A_459 = tpu.memref_squeeze %dma_start3A_458 : memref<1x128xi32, #tpu.memory_space<vmem>> -> memref<128xi32, #tpu.memory_space<vmem>>
        %dma_start3A_460 = arith.constant 0 : i32
        %dma_start3A_461 = arith.constant 0 : i32
        %dma_start3A_462 = tpu.memref_slice %arg2[%dma_start3A_460, %dma_start3A_461] : memref<475x128xbf16, #tpu.memory_space<hbm>> -> memref<475x128xbf16, #tpu.memory_space<hbm>>
        tpu.enqueue_indirect_dma source(%dma_start3A_462 : memref<475x128xbf16, #tpu.memory_space<hbm>>) target(%dma_start3A_456 : memref<128x128xbf16, #tpu.memory_space<vmem>>) offsets(%dma_start3A_459 : memref<128xi32, #tpu.memory_space<vmem>>) semaphore(%arg15 : memref<!tpu.dma_semaphore, #tpu.memory_space<semaphore_mem>>)
        %add3A_463 = arith.constant 1 : i32
        %add3A_464 = arith.addi %add3A_449, %add3A_463 : i32
        %dma_start3A_465 = arith.constant 1 : i32
        %dma_start3A_466 = arith.constant 0 : i32
        %dma_start3A_467 = arith.constant 0 : i32
        %dma_start3A_468 = tpu.memref_slice %arg14[%dma_start3A_465, %dma_start3A_466, %dma_start3A_467] : memref<4x128x128xbf16, #tpu.memory_space<vmem>> -> memref<1x128x128xbf16, #tpu.memory_space<vmem>>
        %dma_start3A_469 = tpu.memref_squeeze %dma_start3A_468 : memref<1x128x128xbf16, #tpu.memory_space<vmem>> -> memref<128x128xbf16, #tpu.memory_space<vmem>>
        %dma_start3A_470 = arith.constant 0 : i32
        %dma_start3A_471 = tpu.memref_slice %arg13[%add3A_464, %dma_start3A_470] : memref<40x128xi32, #tpu.memory_space<vmem>> -> memref<1x128xi32, #tpu.memory_space<vmem>>
        %dma_start3A_472 = tpu.memref_squeeze %dma_start3A_471 : memref<1x128xi32, #tpu.memory_space<vmem>> -> memref<128xi32, #tpu.memory_space<vmem>>
        %dma_start3A_473 = arith.constant 0 : i32
        %dma_start3A_474 = arith.constant 0 : i32
        %dma_start3A_475 = tpu.memref_slice %arg2[%dma_start3A_473, %dma_start3A_474] : memref<475x128xbf16, #tpu.memory_space<hbm>> -> memref<475x128xbf16, #tpu.memory_space<hbm>>
        tpu.enqueue_indirect_dma source(%dma_start3A_475 : memref<475x128xbf16, #tpu.memory_space<hbm>>) target(%dma_start3A_469 : memref<128x128xbf16, #tpu.memory_space<vmem>>) offsets(%dma_start3A_472 : memref<128xi32, #tpu.memory_space<vmem>>) semaphore(%arg15 : memref<!tpu.dma_semaphore, #tpu.memory_space<semaphore_mem>>)
        %add3A_476 = arith.constant 0 : i32
        %add3A_477 = arith.addi %add3A_281, %add3A_476 : i32
        %mul3A_478 = arith.constant 128 : i32
        %mul3A_479 = arith.muli %add3A_477, %mul3A_478 : i32
        %add3A_480 = arith.addi %mul3A_2, %mul3A_479 : i32
        %dma_wait3A_481 = arith.constant 2 : i32
        %dma_wait3A_482 = arith.constant 0 : i32
        %dma_wait3A_483 = arith.constant 0 : i32
        %dma_wait3A_484 = tpu.memref_slice %arg14[%dma_wait3A_481, %dma_wait3A_482, %dma_wait3A_483] : memref<4x128x128xbf16, #tpu.memory_space<vmem>> -> memref<1x128x128xbf16, #tpu.memory_space<vmem>>
        %dma_wait3A_485 = tpu.memref_squeeze %dma_wait3A_484 : memref<1x128x128xbf16, #tpu.memory_space<vmem>> -> memref<128x128xbf16, #tpu.memory_space<vmem>>
        %dma_wait3A_486 = arith.constant 0 : i32
        %dma_wait3A_487 = tpu.memref_slice %arg8[%add3A_480, %dma_wait3A_486] : memref<163840x128xbf16, #tpu.memory_space<hbm>> -> memref<128x128xbf16, #tpu.memory_space<hbm>>
        %dma_wait3A_488 = arith.constant 0 : i32
        %dma_wait3A_489 = tpu.memref_slice %arg8[%add3A_480, %dma_wait3A_488] : memref<163840x128xbf16, #tpu.memory_space<hbm>> -> memref<128x128xbf16, #tpu.memory_space<hbm>>
        %dma_wait3A_490 = arith.constant 0 : i32
        %dma_wait3A_491 = arith.constant 0 : i32
        %dma_wait3A_492 = tpu.memref_slice %arg14[%dma_wait3A_481, %dma_wait3A_490, %dma_wait3A_491] : memref<4x128x128xbf16, #tpu.memory_space<vmem>> -> memref<1x128x128xbf16, #tpu.memory_space<vmem>>
        %dma_wait3A_493 = tpu.memref_squeeze %dma_wait3A_492 : memref<1x128x128xbf16, #tpu.memory_space<vmem>> -> memref<128x128xbf16, #tpu.memory_space<vmem>>
        tpu.wait_dma2 semaphore(%arg18 : memref<!tpu.dma_semaphore, #tpu.memory_space<semaphore_mem>>) src(%dma_wait3A_493 : memref<128x128xbf16, #tpu.memory_space<vmem>>) dst(%dma_wait3A_489 : memref<128x128xbf16, #tpu.memory_space<hbm>>)
        %add3A_494 = arith.constant 1 : i32
        %add3A_495 = arith.addi %add3A_281, %add3A_494 : i32
        %mul3A_496 = arith.constant 128 : i32
        %mul3A_497 = arith.muli %add3A_495, %mul3A_496 : i32
        %add3A_498 = arith.addi %mul3A_2, %mul3A_497 : i32
        %dma_wait3A_499 = arith.constant 3 : i32
        %dma_wait3A_500 = arith.constant 0 : i32
        %dma_wait3A_501 = arith.constant 0 : i32
        %dma_wait3A_502 = tpu.memref_slice %arg14[%dma_wait3A_499, %dma_wait3A_500, %dma_wait3A_501] : memref<4x128x128xbf16, #tpu.memory_space<vmem>> -> memref<1x128x128xbf16, #tpu.memory_space<vmem>>
        %dma_wait3A_503 = tpu.memref_squeeze %dma_wait3A_502 : memref<1x128x128xbf16, #tpu.memory_space<vmem>> -> memref<128x128xbf16, #tpu.memory_space<vmem>>
        %dma_wait3A_504 = arith.constant 0 : i32
        %dma_wait3A_505 = tpu.memref_slice %arg8[%add3A_498, %dma_wait3A_504] : memref<163840x128xbf16, #tpu.memory_space<hbm>> -> memref<128x128xbf16, #tpu.memory_space<hbm>>
        %dma_wait3A_506 = arith.constant 0 : i32
        %dma_wait3A_507 = tpu.memref_slice %arg8[%add3A_498, %dma_wait3A_506] : memref<163840x128xbf16, #tpu.memory_space<hbm>> -> memref<128x128xbf16, #tpu.memory_space<hbm>>
        %dma_wait3A_508 = arith.constant 0 : i32
        %dma_wait3A_509 = arith.constant 0 : i32
        %dma_wait3A_510 = tpu.memref_slice %arg14[%dma_wait3A_499, %dma_wait3A_508, %dma_wait3A_509] : memref<4x128x128xbf16, #tpu.memory_space<vmem>> -> memref<1x128x128xbf16, #tpu.memory_space<vmem>>
        %dma_wait3A_511 = tpu.memref_squeeze %dma_wait3A_510 : memref<1x128x128xbf16, #tpu.memory_space<vmem>> -> memref<128x128xbf16, #tpu.memory_space<vmem>>
        tpu.wait_dma2 semaphore(%arg18 : memref<!tpu.dma_semaphore, #tpu.memory_space<semaphore_mem>>) src(%dma_wait3A_511 : memref<128x128xbf16, #tpu.memory_space<vmem>>) dst(%dma_wait3A_507 : memref<128x128xbf16, #tpu.memory_space<hbm>>)
        %add3A_512 = arith.constant 4 : i32
        %add3A_513 = arith.addi %add3A_281, %add3A_512 : i32
        %add3A_514 = arith.constant 0 : i32
        %add3A_515 = arith.addi %add3A_513, %add3A_514 : i32
        %dma_start3A_516 = arith.constant 2 : i32
        %dma_start3A_517 = arith.constant 0 : i32
        %dma_start3A_518 = arith.constant 0 : i32
        %dma_start3A_519 = tpu.memref_slice %arg14[%dma_start3A_516, %dma_start3A_517, %dma_start3A_518] : memref<4x128x128xbf16, #tpu.memory_space<vmem>> -> memref<1x128x128xbf16, #tpu.memory_space<vmem>>
        %dma_start3A_520 = tpu.memref_squeeze %dma_start3A_519 : memref<1x128x128xbf16, #tpu.memory_space<vmem>> -> memref<128x128xbf16, #tpu.memory_space<vmem>>
        %dma_start3A_521 = arith.constant 0 : i32
        %dma_start3A_522 = tpu.memref_slice %arg13[%add3A_515, %dma_start3A_521] : memref<40x128xi32, #tpu.memory_space<vmem>> -> memref<1x128xi32, #tpu.memory_space<vmem>>
        %dma_start3A_523 = tpu.memref_squeeze %dma_start3A_522 : memref<1x128xi32, #tpu.memory_space<vmem>> -> memref<128xi32, #tpu.memory_space<vmem>>
        %dma_start3A_524 = arith.constant 0 : i32
        %dma_start3A_525 = arith.constant 0 : i32
        %dma_start3A_526 = tpu.memref_slice %arg2[%dma_start3A_524, %dma_start3A_525] : memref<475x128xbf16, #tpu.memory_space<hbm>> -> memref<475x128xbf16, #tpu.memory_space<hbm>>
        tpu.enqueue_indirect_dma source(%dma_start3A_526 : memref<475x128xbf16, #tpu.memory_space<hbm>>) target(%dma_start3A_520 : memref<128x128xbf16, #tpu.memory_space<vmem>>) offsets(%dma_start3A_523 : memref<128xi32, #tpu.memory_space<vmem>>) semaphore(%arg16 : memref<!tpu.dma_semaphore, #tpu.memory_space<semaphore_mem>>)
        %add3A_527 = arith.constant 1 : i32
        %add3A_528 = arith.addi %add3A_513, %add3A_527 : i32
        %dma_start3A_529 = arith.constant 3 : i32
        %dma_start3A_530 = arith.constant 0 : i32
        %dma_start3A_531 = arith.constant 0 : i32
        %dma_start3A_532 = tpu.memref_slice %arg14[%dma_start3A_529, %dma_start3A_530, %dma_start3A_531] : memref<4x128x128xbf16, #tpu.memory_space<vmem>> -> memref<1x128x128xbf16, #tpu.memory_space<vmem>>
        %dma_start3A_533 = tpu.memref_squeeze %dma_start3A_532 : memref<1x128x128xbf16, #tpu.memory_space<vmem>> -> memref<128x128xbf16, #tpu.memory_space<vmem>>
        %dma_start3A_534 = arith.constant 0 : i32
        %dma_start3A_535 = tpu.memref_slice %arg13[%add3A_528, %dma_start3A_534] : memref<40x128xi32, #tpu.memory_space<vmem>> -> memref<1x128xi32, #tpu.memory_space<vmem>>
        %dma_start3A_536 = tpu.memref_squeeze %dma_start3A_535 : memref<1x128xi32, #tpu.memory_space<vmem>> -> memref<128xi32, #tpu.memory_space<vmem>>
        %dma_start3A_537 = arith.constant 0 : i32
        %dma_start3A_538 = arith.constant 0 : i32
        %dma_start3A_539 = tpu.memref_slice %arg2[%dma_start3A_537, %dma_start3A_538] : memref<475x128xbf16, #tpu.memory_space<hbm>> -> memref<475x128xbf16, #tpu.memory_space<hbm>>
        tpu.enqueue_indirect_dma source(%dma_start3A_539 : memref<475x128xbf16, #tpu.memory_space<hbm>>) target(%dma_start3A_533 : memref<128x128xbf16, #tpu.memory_space<vmem>>) offsets(%dma_start3A_536 : memref<128xi32, #tpu.memory_space<vmem>>) semaphore(%arg16 : memref<!tpu.dma_semaphore, #tpu.memory_space<semaphore_mem>>)
      } else {
      }
      %eq3A = arith.constant 9 : i32
      %eq3A_407 = arith.cmpi eq, %scan3A_276, %eq3A : i32
      %convert_element_type3A_408 = arith.extui %eq3A_407 : i1 to i32
      %cond3A_409 = arith.constant 0 : i32
      %cond3A_410 = arith.cmpi ne, %convert_element_type3A_408, %cond3A_409 : i32
      scf.if %cond3A_410 {
        %add3A_412 = arith.constant 0 : i32
        %add3A_413 = arith.addi %mul3A_279, %add3A_412 : i32
        %mul3A_414 = arith.constant 128 : i32
        %mul3A_415 = arith.muli %add3A_413, %mul3A_414 : i32
        %add3A_416 = arith.addi %mul3A_2, %mul3A_415 : i32
        %dma_wait3A_417 = arith.constant 0 : i32
        %dma_wait3A_418 = arith.constant 0 : i32
        %dma_wait3A_419 = arith.constant 0 : i32
        %dma_wait3A_420 = tpu.memref_slice %arg14[%dma_wait3A_417, %dma_wait3A_418, %dma_wait3A_419] : memref<4x128x128xbf16, #tpu.memory_space<vmem>> -> memref<1x128x128xbf16, #tpu.memory_space<vmem>>
        %dma_wait3A_421 = tpu.memref_squeeze %dma_wait3A_420 : memref<1x128x128xbf16, #tpu.memory_space<vmem>> -> memref<128x128xbf16, #tpu.memory_space<vmem>>
        %dma_wait3A_422 = arith.constant 0 : i32
        %dma_wait3A_423 = tpu.memref_slice %arg8[%add3A_416, %dma_wait3A_422] : memref<163840x128xbf16, #tpu.memory_space<hbm>> -> memref<128x128xbf16, #tpu.memory_space<hbm>>
        %dma_wait3A_424 = arith.constant 0 : i32
        %dma_wait3A_425 = tpu.memref_slice %arg8[%add3A_416, %dma_wait3A_424] : memref<163840x128xbf16, #tpu.memory_space<hbm>> -> memref<128x128xbf16, #tpu.memory_space<hbm>>
        %dma_wait3A_426 = arith.constant 0 : i32
        %dma_wait3A_427 = arith.constant 0 : i32
        %dma_wait3A_428 = tpu.memref_slice %arg14[%dma_wait3A_417, %dma_wait3A_426, %dma_wait3A_427] : memref<4x128x128xbf16, #tpu.memory_space<vmem>> -> memref<1x128x128xbf16, #tpu.memory_space<vmem>>
        %dma_wait3A_429 = tpu.memref_squeeze %dma_wait3A_428 : memref<1x128x128xbf16, #tpu.memory_space<vmem>> -> memref<128x128xbf16, #tpu.memory_space<vmem>>
        tpu.wait_dma2 semaphore(%arg17 : memref<!tpu.dma_semaphore, #tpu.memory_space<semaphore_mem>>) src(%dma_wait3A_429 : memref<128x128xbf16, #tpu.memory_space<vmem>>) dst(%dma_wait3A_425 : memref<128x128xbf16, #tpu.memory_space<hbm>>)
        %add3A_430 = arith.constant 1 : i32
        %add3A_431 = arith.addi %mul3A_279, %add3A_430 : i32
        %mul3A_432 = arith.constant 128 : i32
        %mul3A_433 = arith.muli %add3A_431, %mul3A_432 : i32
        %add3A_434 = arith.addi %mul3A_2, %mul3A_433 : i32
        %dma_wait3A_435 = arith.constant 1 : i32
        %dma_wait3A_436 = arith.constant 0 : i32
        %dma_wait3A_437 = arith.constant 0 : i32
        %dma_wait3A_438 = tpu.memref_slice %arg14[%dma_wait3A_435, %dma_wait3A_436, %dma_wait3A_437] : memref<4x128x128xbf16, #tpu.memory_space<vmem>> -> memref<1x128x128xbf16, #tpu.memory_space<vmem>>
        %dma_wait3A_439 = tpu.memref_squeeze %dma_wait3A_438 : memref<1x128x128xbf16, #tpu.memory_space<vmem>> -> memref<128x128xbf16, #tpu.memory_space<vmem>>
        %dma_wait3A_440 = arith.constant 0 : i32
        %dma_wait3A_441 = tpu.memref_slice %arg8[%add3A_434, %dma_wait3A_440] : memref<163840x128xbf16, #tpu.memory_space<hbm>> -> memref<128x128xbf16, #tpu.memory_space<hbm>>
        %dma_wait3A_442 = arith.constant 0 : i32
        %dma_wait3A_443 = tpu.memref_slice %arg8[%add3A_434, %dma_wait3A_442] : memref<163840x128xbf16, #tpu.memory_space<hbm>> -> memref<128x128xbf16, #tpu.memory_space<hbm>>
        %dma_wait3A_444 = arith.constant 0 : i32
        %dma_wait3A_445 = arith.constant 0 : i32
        %dma_wait3A_446 = tpu.memref_slice %arg14[%dma_wait3A_435, %dma_wait3A_444, %dma_wait3A_445] : memref<4x128x128xbf16, #tpu.memory_space<vmem>> -> memref<1x128x128xbf16, #tpu.memory_space<vmem>>
        %dma_wait3A_447 = tpu.memref_squeeze %dma_wait3A_446 : memref<1x128x128xbf16, #tpu.memory_space<vmem>> -> memref<128x128xbf16, #tpu.memory_space<vmem>>
        tpu.wait_dma2 semaphore(%arg17 : memref<!tpu.dma_semaphore, #tpu.memory_space<semaphore_mem>>) src(%dma_wait3A_447 : memref<128x128xbf16, #tpu.memory_space<vmem>>) dst(%dma_wait3A_443 : memref<128x128xbf16, #tpu.memory_space<hbm>>)
        %add3A_448 = arith.constant 0 : i32
        %add3A_449 = arith.addi %add3A_281, %add3A_448 : i32
        %mul3A_450 = arith.constant 128 : i32
        %mul3A_451 = arith.muli %add3A_449, %mul3A_450 : i32
        %add3A_452 = arith.addi %mul3A_2, %mul3A_451 : i32
        %dma_wait3A_453 = arith.constant 2 : i32
        %dma_wait3A_454 = arith.constant 0 : i32
        %dma_wait3A_455 = arith.constant 0 : i32
        %dma_wait3A_456 = tpu.memref_slice %arg14[%dma_wait3A_453, %dma_wait3A_454, %dma_wait3A_455] : memref<4x128x128xbf16, #tpu.memory_space<vmem>> -> memref<1x128x128xbf16, #tpu.memory_space<vmem>>
        %dma_wait3A_457 = tpu.memref_squeeze %dma_wait3A_456 : memref<1x128x128xbf16, #tpu.memory_space<vmem>> -> memref<128x128xbf16, #tpu.memory_space<vmem>>
        %dma_wait3A_458 = arith.constant 0 : i32
        %dma_wait3A_459 = tpu.memref_slice %arg8[%add3A_452, %dma_wait3A_458] : memref<163840x128xbf16, #tpu.memory_space<hbm>> -> memref<128x128xbf16, #tpu.memory_space<hbm>>
        %dma_wait3A_460 = arith.constant 0 : i32
        %dma_wait3A_461 = tpu.memref_slice %arg8[%add3A_452, %dma_wait3A_460] : memref<163840x128xbf16, #tpu.memory_space<hbm>> -> memref<128x128xbf16, #tpu.memory_space<hbm>>
        %dma_wait3A_462 = arith.constant 0 : i32
        %dma_wait3A_463 = arith.constant 0 : i32
        %dma_wait3A_464 = tpu.memref_slice %arg14[%dma_wait3A_453, %dma_wait3A_462, %dma_wait3A_463] : memref<4x128x128xbf16, #tpu.memory_space<vmem>> -> memref<1x128x128xbf16, #tpu.memory_space<vmem>>
        %dma_wait3A_465 = tpu.memref_squeeze %dma_wait3A_464 : memref<1x128x128xbf16, #tpu.memory_space<vmem>> -> memref<128x128xbf16, #tpu.memory_space<vmem>>
        tpu.wait_dma2 semaphore(%arg18 : memref<!tpu.dma_semaphore, #tpu.memory_space<semaphore_mem>>) src(%dma_wait3A_465 : memref<128x128xbf16, #tpu.memory_space<vmem>>) dst(%dma_wait3A_461 : memref<128x128xbf16, #tpu.memory_space<hbm>>)
        %add3A_466 = arith.constant 1 : i32
        %add3A_467 = arith.addi %add3A_281, %add3A_466 : i32
        %mul3A_468 = arith.constant 128 : i32
        %mul3A_469 = arith.muli %add3A_467, %mul3A_468 : i32
        %add3A_470 = arith.addi %mul3A_2, %mul3A_469 : i32
        %dma_wait3A_471 = arith.constant 3 : i32
        %dma_wait3A_472 = arith.constant 0 : i32
        %dma_wait3A_473 = arith.constant 0 : i32
        %dma_wait3A_474 = tpu.memref_slice %arg14[%dma_wait3A_471, %dma_wait3A_472, %dma_wait3A_473] : memref<4x128x128xbf16, #tpu.memory_space<vmem>> -> memref<1x128x128xbf16, #tpu.memory_space<vmem>>
        %dma_wait3A_475 = tpu.memref_squeeze %dma_wait3A_474 : memref<1x128x128xbf16, #tpu.memory_space<vmem>> -> memref<128x128xbf16, #tpu.memory_space<vmem>>
        %dma_wait3A_476 = arith.constant 0 : i32
        %dma_wait3A_477 = tpu.memref_slice %arg8[%add3A_470, %dma_wait3A_476] : memref<163840x128xbf16, #tpu.memory_space<hbm>> -> memref<128x128xbf16, #tpu.memory_space<hbm>>
        %dma_wait3A_478 = arith.constant 0 : i32
        %dma_wait3A_479 = tpu.memref_slice %arg8[%add3A_470, %dma_wait3A_478] : memref<163840x128xbf16, #tpu.memory_space<hbm>> -> memref<128x128xbf16, #tpu.memory_space<hbm>>
        %dma_wait3A_480 = arith.constant 0 : i32
        %dma_wait3A_481 = arith.constant 0 : i32
        %dma_wait3A_482 = tpu.memref_slice %arg14[%dma_wait3A_471, %dma_wait3A_480, %dma_wait3A_481] : memref<4x128x128xbf16, #tpu.memory_space<vmem>> -> memref<1x128x128xbf16, #tpu.memory_space<vmem>>
        %dma_wait3A_483 = tpu.memref_squeeze %dma_wait3A_482 : memref<1x128x128xbf16, #tpu.memory_space<vmem>> -> memref<128x128xbf16, #tpu.memory_space<vmem>>
        tpu.wait_dma2 semaphore(%arg18 : memref<!tpu.dma_semaphore, #tpu.memory_space<semaphore_mem>>) src(%dma_wait3A_483 : memref<128x128xbf16, #tpu.memory_space<vmem>>) dst(%dma_wait3A_479 : memref<128x128xbf16, #tpu.memory_space<hbm>>)
      } else {
      }
      %scan3A_411 = arith.constant 0 : i32
      scf.yield %scan3A_411 : i32
    }
    %scan3A_55 = arith.constant 10 : i32
    %dma_start3A_56 = arith.constant 0 : i32
    %dma_start3A_57 = arith.constant 0 : i32
    %dma_start3A_58 = arith.constant 0 : i32
    %dma_start3A_59 = arith.constant 0 : i32
    %dma_start3A_60 = tpu.memref_slice %arg14[%dma_start3A_57, %dma_start3A_58, %dma_start3A_59] : memref<4x128x128xbf16, #tpu.memory_space<vmem>> -> memref<1x128x128xbf16, #tpu.memory_space<vmem>>
    %dma_start3A_61 = tpu.memref_squeeze %dma_start3A_60 : memref<1x128x128xbf16, #tpu.memory_space<vmem>> -> memref<128x128xbf16, #tpu.memory_space<vmem>>
    %dma_start3A_62 = arith.constant 0 : i32
    %dma_start3A_63 = tpu.memref_slice %arg13[%dma_start3A_56, %dma_start3A_62] : memref<40x128xi32, #tpu.memory_space<vmem>> -> memref<1x128xi32, #tpu.memory_space<vmem>>
    %dma_start3A_64 = tpu.memref_squeeze %dma_start3A_63 : memref<1x128xi32, #tpu.memory_space<vmem>> -> memref<128xi32, #tpu.memory_space<vmem>>
    %dma_start3A_65 = arith.constant 0 : i32
    %dma_start3A_66 = arith.constant 0 : i32
    %dma_start3A_67 = tpu.memref_slice %arg3[%dma_start3A_65, %dma_start3A_66] : memref<475x128xbf16, #tpu.memory_space<hbm>> -> memref<475x128xbf16, #tpu.memory_space<hbm>>
    tpu.enqueue_indirect_dma source(%dma_start3A_67 : memref<475x128xbf16, #tpu.memory_space<hbm>>) target(%dma_start3A_61 : memref<128x128xbf16, #tpu.memory_space<vmem>>) offsets(%dma_start3A_64 : memref<128xi32, #tpu.memory_space<vmem>>) semaphore(%arg15 : memref<!tpu.dma_semaphore, #tpu.memory_space<semaphore_mem>>)
    %dma_start3A_68 = arith.constant 1 : i32
    %dma_start3A_69 = arith.constant 1 : i32
    %dma_start3A_70 = arith.constant 0 : i32
    %dma_start3A_71 = arith.constant 0 : i32
    %dma_start3A_72 = tpu.memref_slice %arg14[%dma_start3A_69, %dma_start3A_70, %dma_start3A_71] : memref<4x128x128xbf16, #tpu.memory_space<vmem>> -> memref<1x128x128xbf16, #tpu.memory_space<vmem>>
    %dma_start3A_73 = tpu.memref_squeeze %dma_start3A_72 : memref<1x128x128xbf16, #tpu.memory_space<vmem>> -> memref<128x128xbf16, #tpu.memory_space<vmem>>
    %dma_start3A_74 = arith.constant 0 : i32
    %dma_start3A_75 = tpu.memref_slice %arg13[%dma_start3A_68, %dma_start3A_74] : memref<40x128xi32, #tpu.memory_space<vmem>> -> memref<1x128xi32, #tpu.memory_space<vmem>>
    %dma_start3A_76 = tpu.memref_squeeze %dma_start3A_75 : memref<1x128xi32, #tpu.memory_space<vmem>> -> memref<128xi32, #tpu.memory_space<vmem>>
    %dma_start3A_77 = arith.constant 0 : i32
    %dma_start3A_78 = arith.constant 0 : i32
    %dma_start3A_79 = tpu.memref_slice %arg3[%dma_start3A_77, %dma_start3A_78] : memref<475x128xbf16, #tpu.memory_space<hbm>> -> memref<475x128xbf16, #tpu.memory_space<hbm>>
    tpu.enqueue_indirect_dma source(%dma_start3A_79 : memref<475x128xbf16, #tpu.memory_space<hbm>>) target(%dma_start3A_73 : memref<128x128xbf16, #tpu.memory_space<vmem>>) offsets(%dma_start3A_76 : memref<128xi32, #tpu.memory_space<vmem>>) semaphore(%arg15 : memref<!tpu.dma_semaphore, #tpu.memory_space<semaphore_mem>>)
    %dma_start3A_80 = arith.constant 2 : i32
    %dma_start3A_81 = arith.constant 2 : i32
    %dma_start3A_82 = arith.constant 0 : i32
    %dma_start3A_83 = arith.constant 0 : i32
    %dma_start3A_84 = tpu.memref_slice %arg14[%dma_start3A_81, %dma_start3A_82, %dma_start3A_83] : memref<4x128x128xbf16, #tpu.memory_space<vmem>> -> memref<1x128x128xbf16, #tpu.memory_space<vmem>>
    %dma_start3A_85 = tpu.memref_squeeze %dma_start3A_84 : memref<1x128x128xbf16, #tpu.memory_space<vmem>> -> memref<128x128xbf16, #tpu.memory_space<vmem>>
    %dma_start3A_86 = arith.constant 0 : i32
    %dma_start3A_87 = tpu.memref_slice %arg13[%dma_start3A_80, %dma_start3A_86] : memref<40x128xi32, #tpu.memory_space<vmem>> -> memref<1x128xi32, #tpu.memory_space<vmem>>
    %dma_start3A_88 = tpu.memref_squeeze %dma_start3A_87 : memref<1x128xi32, #tpu.memory_space<vmem>> -> memref<128xi32, #tpu.memory_space<vmem>>
    %dma_start3A_89 = arith.constant 0 : i32
    %dma_start3A_90 = arith.constant 0 : i32
    %dma_start3A_91 = tpu.memref_slice %arg3[%dma_start3A_89, %dma_start3A_90] : memref<475x128xbf16, #tpu.memory_space<hbm>> -> memref<475x128xbf16, #tpu.memory_space<hbm>>
    tpu.enqueue_indirect_dma source(%dma_start3A_91 : memref<475x128xbf16, #tpu.memory_space<hbm>>) target(%dma_start3A_85 : memref<128x128xbf16, #tpu.memory_space<vmem>>) offsets(%dma_start3A_88 : memref<128xi32, #tpu.memory_space<vmem>>) semaphore(%arg16 : memref<!tpu.dma_semaphore, #tpu.memory_space<semaphore_mem>>)
    %dma_start3A_92 = arith.constant 3 : i32
    %dma_start3A_93 = arith.constant 3 : i32
    %dma_start3A_94 = arith.constant 0 : i32
    %dma_start3A_95 = arith.constant 0 : i32
    %dma_start3A_96 = tpu.memref_slice %arg14[%dma_start3A_93, %dma_start3A_94, %dma_start3A_95] : memref<4x128x128xbf16, #tpu.memory_space<vmem>> -> memref<1x128x128xbf16, #tpu.memory_space<vmem>>
    %dma_start3A_97 = tpu.memref_squeeze %dma_start3A_96 : memref<1x128x128xbf16, #tpu.memory_space<vmem>> -> memref<128x128xbf16, #tpu.memory_space<vmem>>
    %dma_start3A_98 = arith.constant 0 : i32
    %dma_start3A_99 = tpu.memref_slice %arg13[%dma_start3A_92, %dma_start3A_98] : memref<40x128xi32, #tpu.memory_space<vmem>> -> memref<1x128xi32, #tpu.memory_space<vmem>>
    %dma_start3A_100 = tpu.memref_squeeze %dma_start3A_99 : memref<1x128xi32, #tpu.memory_space<vmem>> -> memref<128xi32, #tpu.memory_space<vmem>>
    %dma_start3A_101 = arith.constant 0 : i32
    %dma_start3A_102 = arith.constant 0 : i32
    %dma_start3A_103 = tpu.memref_slice %arg3[%dma_start3A_101, %dma_start3A_102] : memref<475x128xbf16, #tpu.memory_space<hbm>> -> memref<475x128xbf16, #tpu.memory_space<hbm>>
    tpu.enqueue_indirect_dma source(%dma_start3A_103 : memref<475x128xbf16, #tpu.memory_space<hbm>>) target(%dma_start3A_97 : memref<128x128xbf16, #tpu.memory_space<vmem>>) offsets(%dma_start3A_100 : memref<128xi32, #tpu.memory_space<vmem>>) semaphore(%arg16 : memref<!tpu.dma_semaphore, #tpu.memory_space<semaphore_mem>>)
    %scan3A_104 = arith.constant 0 : i32
    %scan3A_105 = arith.constant 0 : i32
    %scan3A_106 = arith.constant 10 : i32
    %scan3A_107 = arith.addi %scan3A_105, %scan3A_106 : i32
    %scan3A_108 = arith.constant 1 : i32
    %scan3A_109 = scf.for %scan3A_276 = %scan3A_105 to %scan3A_107 step %scan3A_108 iter_args(%scan3A_277 = %scan3A_104) -> (i32)  : i32 {
      %mul3A_278 = arith.constant 4 : i32
      %mul3A_279 = arith.muli %mul3A_278, %scan3A_276 : i32
      %add3A_280 = arith.constant 2 : i32
      %add3A_281 = arith.addi %mul3A_279, %add3A_280 : i32
      %add3A_282 = arith.constant 0 : i32
      %add3A_283 = arith.addi %mul3A_279, %add3A_282 : i32
      %dma_wait3A = arith.constant 0 : i32
      %dma_wait3A_284 = arith.constant 0 : i32
      %dma_wait3A_285 = arith.constant 0 : i32
      %dma_wait3A_286 = tpu.memref_slice %arg14[%dma_wait3A, %dma_wait3A_284, %dma_wait3A_285] : memref<4x128x128xbf16, #tpu.memory_space<vmem>> -> memref<1x128x128xbf16, #tpu.memory_space<vmem>>
      %dma_wait3A_287 = tpu.memref_squeeze %dma_wait3A_286 : memref<1x128x128xbf16, #tpu.memory_space<vmem>> -> memref<128x128xbf16, #tpu.memory_space<vmem>>
      %dma_wait3A_288 = arith.constant 0 : i32
      %dma_wait3A_289 = tpu.memref_slice %arg13[%add3A_283, %dma_wait3A_288] : memref<40x128xi32, #tpu.memory_space<vmem>> -> memref<1x128xi32, #tpu.memory_space<vmem>>
      %dma_wait3A_290 = tpu.memref_squeeze %dma_wait3A_289 : memref<1x128xi32, #tpu.memory_space<vmem>> -> memref<128xi32, #tpu.memory_space<vmem>>
      %dma_wait3A_291 = arith.constant 0 : i32
      %dma_wait3A_292 = arith.constant 0 : i32
      %dma_wait3A_293 = tpu.memref_slice %arg3[%dma_wait3A_291, %dma_wait3A_292] : memref<475x128xbf16, #tpu.memory_space<hbm>> -> memref<475x128xbf16, #tpu.memory_space<hbm>>
      tpu.wait_indirect_dma semaphore(%arg15 : memref<!tpu.dma_semaphore, #tpu.memory_space<semaphore_mem>>) src(%dma_wait3A_293 : memref<475x128xbf16, #tpu.memory_space<hbm>>) dst(%dma_wait3A_287 : memref<128x128xbf16, #tpu.memory_space<vmem>>)
      %add3A_294 = arith.constant 1 : i32
      %add3A_295 = arith.addi %mul3A_279, %add3A_294 : i32
      %dma_wait3A_296 = arith.constant 1 : i32
      %dma_wait3A_297 = arith.constant 0 : i32
      %dma_wait3A_298 = arith.constant 0 : i32
      %dma_wait3A_299 = tpu.memref_slice %arg14[%dma_wait3A_296, %dma_wait3A_297, %dma_wait3A_298] : memref<4x128x128xbf16, #tpu.memory_space<vmem>> -> memref<1x128x128xbf16, #tpu.memory_space<vmem>>
      %dma_wait3A_300 = tpu.memref_squeeze %dma_wait3A_299 : memref<1x128x128xbf16, #tpu.memory_space<vmem>> -> memref<128x128xbf16, #tpu.memory_space<vmem>>
      %dma_wait3A_301 = arith.constant 0 : i32
      %dma_wait3A_302 = tpu.memref_slice %arg13[%add3A_295, %dma_wait3A_301] : memref<40x128xi32, #tpu.memory_space<vmem>> -> memref<1x128xi32, #tpu.memory_space<vmem>>
      %dma_wait3A_303 = tpu.memref_squeeze %dma_wait3A_302 : memref<1x128xi32, #tpu.memory_space<vmem>> -> memref<128xi32, #tpu.memory_space<vmem>>
      %dma_wait3A_304 = arith.constant 0 : i32
      %dma_wait3A_305 = arith.constant 0 : i32
      %dma_wait3A_306 = tpu.memref_slice %arg3[%dma_wait3A_304, %dma_wait3A_305] : memref<475x128xbf16, #tpu.memory_space<hbm>> -> memref<475x128xbf16, #tpu.memory_space<hbm>>
      tpu.wait_indirect_dma semaphore(%arg15 : memref<!tpu.dma_semaphore, #tpu.memory_space<semaphore_mem>>) src(%dma_wait3A_306 : memref<475x128xbf16, #tpu.memory_space<hbm>>) dst(%dma_wait3A_300 : memref<128x128xbf16, #tpu.memory_space<vmem>>)
      %add3A_307 = arith.constant 0 : i32
      %add3A_308 = arith.addi %mul3A_279, %add3A_307 : i32
      %mul3A_309 = arith.constant 128 : i32
      %mul3A_310 = arith.muli %add3A_308, %mul3A_309 : i32
      %add3A_311 = arith.addi %mul3A_2, %mul3A_310 : i32
      %dma_start3A_312 = arith.constant 0 : i32
      %dma_start3A_313 = arith.constant 0 : i32
      %dma_start3A_314 = arith.constant 0 : i32
      %dma_start3A_315 = tpu.memref_slice %arg14[%dma_start3A_312, %dma_start3A_313, %dma_start3A_314] : memref<4x128x128xbf16, #tpu.memory_space<vmem>> -> memref<1x128x128xbf16, #tpu.memory_space<vmem>>
      %dma_start3A_316 = tpu.memref_squeeze %dma_start3A_315 : memref<1x128x128xbf16, #tpu.memory_space<vmem>> -> memref<128x128xbf16, #tpu.memory_space<vmem>>
      %dma_start3A_317 = arith.constant 0 : i32
      %dma_start3A_318 = tpu.memref_slice %arg9[%add3A_311, %dma_start3A_317] : memref<163840x128xbf16, #tpu.memory_space<hbm>> -> memref<128x128xbf16, #tpu.memory_space<hbm>>
      %dma_start3A_319 = arith.constant 0 : i32
      %dma_start3A_320 = tpu.memref_slice %arg9[%add3A_311, %dma_start3A_319] : memref<163840x128xbf16, #tpu.memory_space<hbm>> -> memref<128x128xbf16, #tpu.memory_space<hbm>>
      %dma_start3A_321 = arith.constant 0 : i32
      %dma_start3A_322 = arith.constant 0 : i32
      %dma_start3A_323 = tpu.memref_slice %arg14[%dma_start3A_312, %dma_start3A_321, %dma_start3A_322] : memref<4x128x128xbf16, #tpu.memory_space<vmem>> -> memref<1x128x128xbf16, #tpu.memory_space<vmem>>
      %dma_start3A_324 = tpu.memref_squeeze %dma_start3A_323 : memref<1x128x128xbf16, #tpu.memory_space<vmem>> -> memref<128x128xbf16, #tpu.memory_space<vmem>>
      tpu.enqueue_dma source(%dma_start3A_324 : memref<128x128xbf16, #tpu.memory_space<vmem>>) target(%dma_start3A_320 : memref<128x128xbf16, #tpu.memory_space<hbm>>) target_semaphore(%arg17 : memref<!tpu.dma_semaphore, #tpu.memory_space<semaphore_mem>>)
      %add3A_325 = arith.constant 1 : i32
      %add3A_326 = arith.addi %mul3A_279, %add3A_325 : i32
      %mul3A_327 = arith.constant 128 : i32
      %mul3A_328 = arith.muli %add3A_326, %mul3A_327 : i32
      %add3A_329 = arith.addi %mul3A_2, %mul3A_328 : i32
      %dma_start3A_330 = arith.constant 1 : i32
      %dma_start3A_331 = arith.constant 0 : i32
      %dma_start3A_332 = arith.constant 0 : i32
      %dma_start3A_333 = tpu.memref_slice %arg14[%dma_start3A_330, %dma_start3A_331, %dma_start3A_332] : memref<4x128x128xbf16, #tpu.memory_space<vmem>> -> memref<1x128x128xbf16, #tpu.memory_space<vmem>>
      %dma_start3A_334 = tpu.memref_squeeze %dma_start3A_333 : memref<1x128x128xbf16, #tpu.memory_space<vmem>> -> memref<128x128xbf16, #tpu.memory_space<vmem>>
      %dma_start3A_335 = arith.constant 0 : i32
      %dma_start3A_336 = tpu.memref_slice %arg9[%add3A_329, %dma_start3A_335] : memref<163840x128xbf16, #tpu.memory_space<hbm>> -> memref<128x128xbf16, #tpu.memory_space<hbm>>
      %dma_start3A_337 = arith.constant 0 : i32
      %dma_start3A_338 = tpu.memref_slice %arg9[%add3A_329, %dma_start3A_337] : memref<163840x128xbf16, #tpu.memory_space<hbm>> -> memref<128x128xbf16, #tpu.memory_space<hbm>>
      %dma_start3A_339 = arith.constant 0 : i32
      %dma_start3A_340 = arith.constant 0 : i32
      %dma_start3A_341 = tpu.memref_slice %arg14[%dma_start3A_330, %dma_start3A_339, %dma_start3A_340] : memref<4x128x128xbf16, #tpu.memory_space<vmem>> -> memref<1x128x128xbf16, #tpu.memory_space<vmem>>
      %dma_start3A_342 = tpu.memref_squeeze %dma_start3A_341 : memref<1x128x128xbf16, #tpu.memory_space<vmem>> -> memref<128x128xbf16, #tpu.memory_space<vmem>>
      tpu.enqueue_dma source(%dma_start3A_342 : memref<128x128xbf16, #tpu.memory_space<vmem>>) target(%dma_start3A_338 : memref<128x128xbf16, #tpu.memory_space<hbm>>) target_semaphore(%arg17 : memref<!tpu.dma_semaphore, #tpu.memory_space<semaphore_mem>>)
      %add3A_343 = arith.constant 0 : i32
      %add3A_344 = arith.addi %add3A_281, %add3A_343 : i32
      %dma_wait3A_345 = arith.constant 2 : i32
      %dma_wait3A_346 = arith.constant 0 : i32
      %dma_wait3A_347 = arith.constant 0 : i32
      %dma_wait3A_348 = tpu.memref_slice %arg14[%dma_wait3A_345, %dma_wait3A_346, %dma_wait3A_347] : memref<4x128x128xbf16, #tpu.memory_space<vmem>> -> memref<1x128x128xbf16, #tpu.memory_space<vmem>>
      %dma_wait3A_349 = tpu.memref_squeeze %dma_wait3A_348 : memref<1x128x128xbf16, #tpu.memory_space<vmem>> -> memref<128x128xbf16, #tpu.memory_space<vmem>>
      %dma_wait3A_350 = arith.constant 0 : i32
      %dma_wait3A_351 = tpu.memref_slice %arg13[%add3A_344, %dma_wait3A_350] : memref<40x128xi32, #tpu.memory_space<vmem>> -> memref<1x128xi32, #tpu.memory_space<vmem>>
      %dma_wait3A_352 = tpu.memref_squeeze %dma_wait3A_351 : memref<1x128xi32, #tpu.memory_space<vmem>> -> memref<128xi32, #tpu.memory_space<vmem>>
      %dma_wait3A_353 = arith.constant 0 : i32
      %dma_wait3A_354 = arith.constant 0 : i32
      %dma_wait3A_355 = tpu.memref_slice %arg3[%dma_wait3A_353, %dma_wait3A_354] : memref<475x128xbf16, #tpu.memory_space<hbm>> -> memref<475x128xbf16, #tpu.memory_space<hbm>>
      tpu.wait_indirect_dma semaphore(%arg16 : memref<!tpu.dma_semaphore, #tpu.memory_space<semaphore_mem>>) src(%dma_wait3A_355 : memref<475x128xbf16, #tpu.memory_space<hbm>>) dst(%dma_wait3A_349 : memref<128x128xbf16, #tpu.memory_space<vmem>>)
      %add3A_356 = arith.constant 1 : i32
      %add3A_357 = arith.addi %add3A_281, %add3A_356 : i32
      %dma_wait3A_358 = arith.constant 3 : i32
      %dma_wait3A_359 = arith.constant 0 : i32
      %dma_wait3A_360 = arith.constant 0 : i32
      %dma_wait3A_361 = tpu.memref_slice %arg14[%dma_wait3A_358, %dma_wait3A_359, %dma_wait3A_360] : memref<4x128x128xbf16, #tpu.memory_space<vmem>> -> memref<1x128x128xbf16, #tpu.memory_space<vmem>>
      %dma_wait3A_362 = tpu.memref_squeeze %dma_wait3A_361 : memref<1x128x128xbf16, #tpu.memory_space<vmem>> -> memref<128x128xbf16, #tpu.memory_space<vmem>>
      %dma_wait3A_363 = arith.constant 0 : i32
      %dma_wait3A_364 = tpu.memref_slice %arg13[%add3A_357, %dma_wait3A_363] : memref<40x128xi32, #tpu.memory_space<vmem>> -> memref<1x128xi32, #tpu.memory_space<vmem>>
      %dma_wait3A_365 = tpu.memref_squeeze %dma_wait3A_364 : memref<1x128xi32, #tpu.memory_space<vmem>> -> memref<128xi32, #tpu.memory_space<vmem>>
      %dma_wait3A_366 = arith.constant 0 : i32
      %dma_wait3A_367 = arith.constant 0 : i32
      %dma_wait3A_368 = tpu.memref_slice %arg3[%dma_wait3A_366, %dma_wait3A_367] : memref<475x128xbf16, #tpu.memory_space<hbm>> -> memref<475x128xbf16, #tpu.memory_space<hbm>>
      tpu.wait_indirect_dma semaphore(%arg16 : memref<!tpu.dma_semaphore, #tpu.memory_space<semaphore_mem>>) src(%dma_wait3A_368 : memref<475x128xbf16, #tpu.memory_space<hbm>>) dst(%dma_wait3A_362 : memref<128x128xbf16, #tpu.memory_space<vmem>>)
      %add3A_369 = arith.constant 0 : i32
      %add3A_370 = arith.addi %add3A_281, %add3A_369 : i32
      %mul3A_371 = arith.constant 128 : i32
      %mul3A_372 = arith.muli %add3A_370, %mul3A_371 : i32
      %add3A_373 = arith.addi %mul3A_2, %mul3A_372 : i32
      %dma_start3A_374 = arith.constant 2 : i32
      %dma_start3A_375 = arith.constant 0 : i32
      %dma_start3A_376 = arith.constant 0 : i32
      %dma_start3A_377 = tpu.memref_slice %arg14[%dma_start3A_374, %dma_start3A_375, %dma_start3A_376] : memref<4x128x128xbf16, #tpu.memory_space<vmem>> -> memref<1x128x128xbf16, #tpu.memory_space<vmem>>
      %dma_start3A_378 = tpu.memref_squeeze %dma_start3A_377 : memref<1x128x128xbf16, #tpu.memory_space<vmem>> -> memref<128x128xbf16, #tpu.memory_space<vmem>>
      %dma_start3A_379 = arith.constant 0 : i32
      %dma_start3A_380 = tpu.memref_slice %arg9[%add3A_373, %dma_start3A_379] : memref<163840x128xbf16, #tpu.memory_space<hbm>> -> memref<128x128xbf16, #tpu.memory_space<hbm>>
      %dma_start3A_381 = arith.constant 0 : i32
      %dma_start3A_382 = tpu.memref_slice %arg9[%add3A_373, %dma_start3A_381] : memref<163840x128xbf16, #tpu.memory_space<hbm>> -> memref<128x128xbf16, #tpu.memory_space<hbm>>
      %dma_start3A_383 = arith.constant 0 : i32
      %dma_start3A_384 = arith.constant 0 : i32
      %dma_start3A_385 = tpu.memref_slice %arg14[%dma_start3A_374, %dma_start3A_383, %dma_start3A_384] : memref<4x128x128xbf16, #tpu.memory_space<vmem>> -> memref<1x128x128xbf16, #tpu.memory_space<vmem>>
      %dma_start3A_386 = tpu.memref_squeeze %dma_start3A_385 : memref<1x128x128xbf16, #tpu.memory_space<vmem>> -> memref<128x128xbf16, #tpu.memory_space<vmem>>
      tpu.enqueue_dma source(%dma_start3A_386 : memref<128x128xbf16, #tpu.memory_space<vmem>>) target(%dma_start3A_382 : memref<128x128xbf16, #tpu.memory_space<hbm>>) target_semaphore(%arg18 : memref<!tpu.dma_semaphore, #tpu.memory_space<semaphore_mem>>)
      %add3A_387 = arith.constant 1 : i32
      %add3A_388 = arith.addi %add3A_281, %add3A_387 : i32
      %mul3A_389 = arith.constant 128 : i32
      %mul3A_390 = arith.muli %add3A_388, %mul3A_389 : i32
      %add3A_391 = arith.addi %mul3A_2, %mul3A_390 : i32
      %dma_start3A_392 = arith.constant 3 : i32
      %dma_start3A_393 = arith.constant 0 : i32
      %dma_start3A_394 = arith.constant 0 : i32
      %dma_start3A_395 = tpu.memref_slice %arg14[%dma_start3A_392, %dma_start3A_393, %dma_start3A_394] : memref<4x128x128xbf16, #tpu.memory_space<vmem>> -> memref<1x128x128xbf16, #tpu.memory_space<vmem>>
      %dma_start3A_396 = tpu.memref_squeeze %dma_start3A_395 : memref<1x128x128xbf16, #tpu.memory_space<vmem>> -> memref<128x128xbf16, #tpu.memory_space<vmem>>
      %dma_start3A_397 = arith.constant 0 : i32
      %dma_start3A_398 = tpu.memref_slice %arg9[%add3A_391, %dma_start3A_397] : memref<163840x128xbf16, #tpu.memory_space<hbm>> -> memref<128x128xbf16, #tpu.memory_space<hbm>>
      %dma_start3A_399 = arith.constant 0 : i32
      %dma_start3A_400 = tpu.memref_slice %arg9[%add3A_391, %dma_start3A_399] : memref<163840x128xbf16, #tpu.memory_space<hbm>> -> memref<128x128xbf16, #tpu.memory_space<hbm>>
      %dma_start3A_401 = arith.constant 0 : i32
      %dma_start3A_402 = arith.constant 0 : i32
      %dma_start3A_403 = tpu.memref_slice %arg14[%dma_start3A_392, %dma_start3A_401, %dma_start3A_402] : memref<4x128x128xbf16, #tpu.memory_space<vmem>> -> memref<1x128x128xbf16, #tpu.memory_space<vmem>>
      %dma_start3A_404 = tpu.memref_squeeze %dma_start3A_403 : memref<1x128x128xbf16, #tpu.memory_space<vmem>> -> memref<128x128xbf16, #tpu.memory_space<vmem>>
      tpu.enqueue_dma source(%dma_start3A_404 : memref<128x128xbf16, #tpu.memory_space<vmem>>) target(%dma_start3A_400 : memref<128x128xbf16, #tpu.memory_space<hbm>>) target_semaphore(%arg18 : memref<!tpu.dma_semaphore, #tpu.memory_space<semaphore_mem>>)
      %lt3A = arith.constant 9 : i32
      %lt3A_405 = arith.cmpi slt, %scan3A_276, %lt3A : i32
      %convert_element_type3A = arith.extui %lt3A_405 : i1 to i32
      %cond3A = arith.constant 0 : i32
      %cond3A_406 = arith.cmpi ne, %convert_element_type3A, %cond3A : i32
      scf.if %cond3A_406 {
        %add3A_412 = arith.constant 0 : i32
        %add3A_413 = arith.addi %mul3A_279, %add3A_412 : i32
        %mul3A_414 = arith.constant 128 : i32
        %mul3A_415 = arith.muli %add3A_413, %mul3A_414 : i32
        %add3A_416 = arith.addi %mul3A_2, %mul3A_415 : i32
        %dma_wait3A_417 = arith.constant 0 : i32
        %dma_wait3A_418 = arith.constant 0 : i32
        %dma_wait3A_419 = arith.constant 0 : i32
        %dma_wait3A_420 = tpu.memref_slice %arg14[%dma_wait3A_417, %dma_wait3A_418, %dma_wait3A_419] : memref<4x128x128xbf16, #tpu.memory_space<vmem>> -> memref<1x128x128xbf16, #tpu.memory_space<vmem>>
        %dma_wait3A_421 = tpu.memref_squeeze %dma_wait3A_420 : memref<1x128x128xbf16, #tpu.memory_space<vmem>> -> memref<128x128xbf16, #tpu.memory_space<vmem>>
        %dma_wait3A_422 = arith.constant 0 : i32
        %dma_wait3A_423 = tpu.memref_slice %arg9[%add3A_416, %dma_wait3A_422] : memref<163840x128xbf16, #tpu.memory_space<hbm>> -> memref<128x128xbf16, #tpu.memory_space<hbm>>
        %dma_wait3A_424 = arith.constant 0 : i32
        %dma_wait3A_425 = tpu.memref_slice %arg9[%add3A_416, %dma_wait3A_424] : memref<163840x128xbf16, #tpu.memory_space<hbm>> -> memref<128x128xbf16, #tpu.memory_space<hbm>>
        %dma_wait3A_426 = arith.constant 0 : i32
        %dma_wait3A_427 = arith.constant 0 : i32
        %dma_wait3A_428 = tpu.memref_slice %arg14[%dma_wait3A_417, %dma_wait3A_426, %dma_wait3A_427] : memref<4x128x128xbf16, #tpu.memory_space<vmem>> -> memref<1x128x128xbf16, #tpu.memory_space<vmem>>
        %dma_wait3A_429 = tpu.memref_squeeze %dma_wait3A_428 : memref<1x128x128xbf16, #tpu.memory_space<vmem>> -> memref<128x128xbf16, #tpu.memory_space<vmem>>
        tpu.wait_dma2 semaphore(%arg17 : memref<!tpu.dma_semaphore, #tpu.memory_space<semaphore_mem>>) src(%dma_wait3A_429 : memref<128x128xbf16, #tpu.memory_space<vmem>>) dst(%dma_wait3A_425 : memref<128x128xbf16, #tpu.memory_space<hbm>>)
        %add3A_430 = arith.constant 1 : i32
        %add3A_431 = arith.addi %mul3A_279, %add3A_430 : i32
        %mul3A_432 = arith.constant 128 : i32
        %mul3A_433 = arith.muli %add3A_431, %mul3A_432 : i32
        %add3A_434 = arith.addi %mul3A_2, %mul3A_433 : i32
        %dma_wait3A_435 = arith.constant 1 : i32
        %dma_wait3A_436 = arith.constant 0 : i32
        %dma_wait3A_437 = arith.constant 0 : i32
        %dma_wait3A_438 = tpu.memref_slice %arg14[%dma_wait3A_435, %dma_wait3A_436, %dma_wait3A_437] : memref<4x128x128xbf16, #tpu.memory_space<vmem>> -> memref<1x128x128xbf16, #tpu.memory_space<vmem>>
        %dma_wait3A_439 = tpu.memref_squeeze %dma_wait3A_438 : memref<1x128x128xbf16, #tpu.memory_space<vmem>> -> memref<128x128xbf16, #tpu.memory_space<vmem>>
        %dma_wait3A_440 = arith.constant 0 : i32
        %dma_wait3A_441 = tpu.memref_slice %arg9[%add3A_434, %dma_wait3A_440] : memref<163840x128xbf16, #tpu.memory_space<hbm>> -> memref<128x128xbf16, #tpu.memory_space<hbm>>
        %dma_wait3A_442 = arith.constant 0 : i32
        %dma_wait3A_443 = tpu.memref_slice %arg9[%add3A_434, %dma_wait3A_442] : memref<163840x128xbf16, #tpu.memory_space<hbm>> -> memref<128x128xbf16, #tpu.memory_space<hbm>>
        %dma_wait3A_444 = arith.constant 0 : i32
        %dma_wait3A_445 = arith.constant 0 : i32
        %dma_wait3A_446 = tpu.memref_slice %arg14[%dma_wait3A_435, %dma_wait3A_444, %dma_wait3A_445] : memref<4x128x128xbf16, #tpu.memory_space<vmem>> -> memref<1x128x128xbf16, #tpu.memory_space<vmem>>
        %dma_wait3A_447 = tpu.memref_squeeze %dma_wait3A_446 : memref<1x128x128xbf16, #tpu.memory_space<vmem>> -> memref<128x128xbf16, #tpu.memory_space<vmem>>
        tpu.wait_dma2 semaphore(%arg17 : memref<!tpu.dma_semaphore, #tpu.memory_space<semaphore_mem>>) src(%dma_wait3A_447 : memref<128x128xbf16, #tpu.memory_space<vmem>>) dst(%dma_wait3A_443 : memref<128x128xbf16, #tpu.memory_space<hbm>>)
        %add3A_448 = arith.constant 4 : i32
        %add3A_449 = arith.addi %mul3A_279, %add3A_448 : i32
        %add3A_450 = arith.constant 0 : i32
        %add3A_451 = arith.addi %add3A_449, %add3A_450 : i32
        %dma_start3A_452 = arith.constant 0 : i32
        %dma_start3A_453 = arith.constant 0 : i32
        %dma_start3A_454 = arith.constant 0 : i32
        %dma_start3A_455 = tpu.memref_slice %arg14[%dma_start3A_452, %dma_start3A_453, %dma_start3A_454] : memref<4x128x128xbf16, #tpu.memory_space<vmem>> -> memref<1x128x128xbf16, #tpu.memory_space<vmem>>
        %dma_start3A_456 = tpu.memref_squeeze %dma_start3A_455 : memref<1x128x128xbf16, #tpu.memory_space<vmem>> -> memref<128x128xbf16, #tpu.memory_space<vmem>>
        %dma_start3A_457 = arith.constant 0 : i32
        %dma_start3A_458 = tpu.memref_slice %arg13[%add3A_451, %dma_start3A_457] : memref<40x128xi32, #tpu.memory_space<vmem>> -> memref<1x128xi32, #tpu.memory_space<vmem>>
        %dma_start3A_459 = tpu.memref_squeeze %dma_start3A_458 : memref<1x128xi32, #tpu.memory_space<vmem>> -> memref<128xi32, #tpu.memory_space<vmem>>
        %dma_start3A_460 = arith.constant 0 : i32
        %dma_start3A_461 = arith.constant 0 : i32
        %dma_start3A_462 = tpu.memref_slice %arg3[%dma_start3A_460, %dma_start3A_461] : memref<475x128xbf16, #tpu.memory_space<hbm>> -> memref<475x128xbf16, #tpu.memory_space<hbm>>
        tpu.enqueue_indirect_dma source(%dma_start3A_462 : memref<475x128xbf16, #tpu.memory_space<hbm>>) target(%dma_start3A_456 : memref<128x128xbf16, #tpu.memory_space<vmem>>) offsets(%dma_start3A_459 : memref<128xi32, #tpu.memory_space<vmem>>) semaphore(%arg15 : memref<!tpu.dma_semaphore, #tpu.memory_space<semaphore_mem>>)
        %add3A_463 = arith.constant 1 : i32
        %add3A_464 = arith.addi %add3A_449, %add3A_463 : i32
        %dma_start3A_465 = arith.constant 1 : i32
        %dma_start3A_466 = arith.constant 0 : i32
        %dma_start3A_467 = arith.constant 0 : i32
        %dma_start3A_468 = tpu.memref_slice %arg14[%dma_start3A_465, %dma_start3A_466, %dma_start3A_467] : memref<4x128x128xbf16, #tpu.memory_space<vmem>> -> memref<1x128x128xbf16, #tpu.memory_space<vmem>>
        %dma_start3A_469 = tpu.memref_squeeze %dma_start3A_468 : memref<1x128x128xbf16, #tpu.memory_space<vmem>> -> memref<128x128xbf16, #tpu.memory_space<vmem>>
        %dma_start3A_470 = arith.constant 0 : i32
        %dma_start3A_471 = tpu.memref_slice %arg13[%add3A_464, %dma_start3A_470] : memref<40x128xi32, #tpu.memory_space<vmem>> -> memref<1x128xi32, #tpu.memory_space<vmem>>
        %dma_start3A_472 = tpu.memref_squeeze %dma_start3A_471 : memref<1x128xi32, #tpu.memory_space<vmem>> -> memref<128xi32, #tpu.memory_space<vmem>>
        %dma_start3A_473 = arith.constant 0 : i32
        %dma_start3A_474 = arith.constant 0 : i32
        %dma_start3A_475 = tpu.memref_slice %arg3[%dma_start3A_473, %dma_start3A_474] : memref<475x128xbf16, #tpu.memory_space<hbm>> -> memref<475x128xbf16, #tpu.memory_space<hbm>>
        tpu.enqueue_indirect_dma source(%dma_start3A_475 : memref<475x128xbf16, #tpu.memory_space<hbm>>) target(%dma_start3A_469 : memref<128x128xbf16, #tpu.memory_space<vmem>>) offsets(%dma_start3A_472 : memref<128xi32, #tpu.memory_space<vmem>>) semaphore(%arg15 : memref<!tpu.dma_semaphore, #tpu.memory_space<semaphore_mem>>)
        %add3A_476 = arith.constant 0 : i32
        %add3A_477 = arith.addi %add3A_281, %add3A_476 : i32
        %mul3A_478 = arith.constant 128 : i32
        %mul3A_479 = arith.muli %add3A_477, %mul3A_478 : i32
        %add3A_480 = arith.addi %mul3A_2, %mul3A_479 : i32
        %dma_wait3A_481 = arith.constant 2 : i32
        %dma_wait3A_482 = arith.constant 0 : i32
        %dma_wait3A_483 = arith.constant 0 : i32
        %dma_wait3A_484 = tpu.memref_slice %arg14[%dma_wait3A_481, %dma_wait3A_482, %dma_wait3A_483] : memref<4x128x128xbf16, #tpu.memory_space<vmem>> -> memref<1x128x128xbf16, #tpu.memory_space<vmem>>
        %dma_wait3A_485 = tpu.memref_squeeze %dma_wait3A_484 : memref<1x128x128xbf16, #tpu.memory_space<vmem>> -> memref<128x128xbf16, #tpu.memory_space<vmem>>
        %dma_wait3A_486 = arith.constant 0 : i32
        %dma_wait3A_487 = tpu.memref_slice %arg9[%add3A_480, %dma_wait3A_486] : memref<163840x128xbf16, #tpu.memory_space<hbm>> -> memref<128x128xbf16, #tpu.memory_space<hbm>>
        %dma_wait3A_488 = arith.constant 0 : i32
        %dma_wait3A_489 = tpu.memref_slice %arg9[%add3A_480, %dma_wait3A_488] : memref<163840x128xbf16, #tpu.memory_space<hbm>> -> memref<128x128xbf16, #tpu.memory_space<hbm>>
        %dma_wait3A_490 = arith.constant 0 : i32
        %dma_wait3A_491 = arith.constant 0 : i32
        %dma_wait3A_492 = tpu.memref_slice %arg14[%dma_wait3A_481, %dma_wait3A_490, %dma_wait3A_491] : memref<4x128x128xbf16, #tpu.memory_space<vmem>> -> memref<1x128x128xbf16, #tpu.memory_space<vmem>>
        %dma_wait3A_493 = tpu.memref_squeeze %dma_wait3A_492 : memref<1x128x128xbf16, #tpu.memory_space<vmem>> -> memref<128x128xbf16, #tpu.memory_space<vmem>>
        tpu.wait_dma2 semaphore(%arg18 : memref<!tpu.dma_semaphore, #tpu.memory_space<semaphore_mem>>) src(%dma_wait3A_493 : memref<128x128xbf16, #tpu.memory_space<vmem>>) dst(%dma_wait3A_489 : memref<128x128xbf16, #tpu.memory_space<hbm>>)
        %add3A_494 = arith.constant 1 : i32
        %add3A_495 = arith.addi %add3A_281, %add3A_494 : i32
        %mul3A_496 = arith.constant 128 : i32
        %mul3A_497 = arith.muli %add3A_495, %mul3A_496 : i32
        %add3A_498 = arith.addi %mul3A_2, %mul3A_497 : i32
        %dma_wait3A_499 = arith.constant 3 : i32
        %dma_wait3A_500 = arith.constant 0 : i32
        %dma_wait3A_501 = arith.constant 0 : i32
        %dma_wait3A_502 = tpu.memref_slice %arg14[%dma_wait3A_499, %dma_wait3A_500, %dma_wait3A_501] : memref<4x128x128xbf16, #tpu.memory_space<vmem>> -> memref<1x128x128xbf16, #tpu.memory_space<vmem>>
        %dma_wait3A_503 = tpu.memref_squeeze %dma_wait3A_502 : memref<1x128x128xbf16, #tpu.memory_space<vmem>> -> memref<128x128xbf16, #tpu.memory_space<vmem>>
        %dma_wait3A_504 = arith.constant 0 : i32
        %dma_wait3A_505 = tpu.memref_slice %arg9[%add3A_498, %dma_wait3A_504] : memref<163840x128xbf16, #tpu.memory_space<hbm>> -> memref<128x128xbf16, #tpu.memory_space<hbm>>
        %dma_wait3A_506 = arith.constant 0 : i32
        %dma_wait3A_507 = tpu.memref_slice %arg9[%add3A_498, %dma_wait3A_506] : memref<163840x128xbf16, #tpu.memory_space<hbm>> -> memref<128x128xbf16, #tpu.memory_space<hbm>>
        %dma_wait3A_508 = arith.constant 0 : i32
        %dma_wait3A_509 = arith.constant 0 : i32
        %dma_wait3A_510 = tpu.memref_slice %arg14[%dma_wait3A_499, %dma_wait3A_508, %dma_wait3A_509] : memref<4x128x128xbf16, #tpu.memory_space<vmem>> -> memref<1x128x128xbf16, #tpu.memory_space<vmem>>
        %dma_wait3A_511 = tpu.memref_squeeze %dma_wait3A_510 : memref<1x128x128xbf16, #tpu.memory_space<vmem>> -> memref<128x128xbf16, #tpu.memory_space<vmem>>
        tpu.wait_dma2 semaphore(%arg18 : memref<!tpu.dma_semaphore, #tpu.memory_space<semaphore_mem>>) src(%dma_wait3A_511 : memref<128x128xbf16, #tpu.memory_space<vmem>>) dst(%dma_wait3A_507 : memref<128x128xbf16, #tpu.memory_space<hbm>>)
        %add3A_512 = arith.constant 4 : i32
        %add3A_513 = arith.addi %add3A_281, %add3A_512 : i32
        %add3A_514 = arith.constant 0 : i32
        %add3A_515 = arith.addi %add3A_513, %add3A_514 : i32
        %dma_start3A_516 = arith.constant 2 : i32
        %dma_start3A_517 = arith.constant 0 : i32
        %dma_start3A_518 = arith.constant 0 : i32
        %dma_start3A_519 = tpu.memref_slice %arg14[%dma_start3A_516, %dma_start3A_517, %dma_start3A_518] : memref<4x128x128xbf16, #tpu.memory_space<vmem>> -> memref<1x128x128xbf16, #tpu.memory_space<vmem>>
        %dma_start3A_520 = tpu.memref_squeeze %dma_start3A_519 : memref<1x128x128xbf16, #tpu.memory_space<vmem>> -> memref<128x128xbf16, #tpu.memory_space<vmem>>
        %dma_start3A_521 = arith.constant 0 : i32
        %dma_start3A_522 = tpu.memref_slice %arg13[%add3A_515, %dma_start3A_521] : memref<40x128xi32, #tpu.memory_space<vmem>> -> memref<1x128xi32, #tpu.memory_space<vmem>>
        %dma_start3A_523 = tpu.memref_squeeze %dma_start3A_522 : memref<1x128xi32, #tpu.memory_space<vmem>> -> memref<128xi32, #tpu.memory_space<vmem>>
        %dma_start3A_524 = arith.constant 0 : i32
        %dma_start3A_525 = arith.constant 0 : i32
        %dma_start3A_526 = tpu.memref_slice %arg3[%dma_start3A_524, %dma_start3A_525] : memref<475x128xbf16, #tpu.memory_space<hbm>> -> memref<475x128xbf16, #tpu.memory_space<hbm>>
        tpu.enqueue_indirect_dma source(%dma_start3A_526 : memref<475x128xbf16, #tpu.memory_space<hbm>>) target(%dma_start3A_520 : memref<128x128xbf16, #tpu.memory_space<vmem>>) offsets(%dma_start3A_523 : memref<128xi32, #tpu.memory_space<vmem>>) semaphore(%arg16 : memref<!tpu.dma_semaphore, #tpu.memory_space<semaphore_mem>>)
        %add3A_527 = arith.constant 1 : i32
        %add3A_528 = arith.addi %add3A_513, %add3A_527 : i32
        %dma_start3A_529 = arith.constant 3 : i32
        %dma_start3A_530 = arith.constant 0 : i32
        %dma_start3A_531 = arith.constant 0 : i32
        %dma_start3A_532 = tpu.memref_slice %arg14[%dma_start3A_529, %dma_start3A_530, %dma_start3A_531] : memref<4x128x128xbf16, #tpu.memory_space<vmem>> -> memref<1x128x128xbf16, #tpu.memory_space<vmem>>
        %dma_start3A_533 = tpu.memref_squeeze %dma_start3A_532 : memref<1x128x128xbf16, #tpu.memory_space<vmem>> -> memref<128x128xbf16, #tpu.memory_space<vmem>>
        %dma_start3A_534 = arith.constant 0 : i32
        %dma_start3A_535 = tpu.memref_slice %arg13[%add3A_528, %dma_start3A_534] : memref<40x128xi32, #tpu.memory_space<vmem>> -> memref<1x128xi32, #tpu.memory_space<vmem>>
        %dma_start3A_536 = tpu.memref_squeeze %dma_start3A_535 : memref<1x128xi32, #tpu.memory_space<vmem>> -> memref<128xi32, #tpu.memory_space<vmem>>
        %dma_start3A_537 = arith.constant 0 : i32
        %dma_start3A_538 = arith.constant 0 : i32
        %dma_start3A_539 = tpu.memref_slice %arg3[%dma_start3A_537, %dma_start3A_538] : memref<475x128xbf16, #tpu.memory_space<hbm>> -> memref<475x128xbf16, #tpu.memory_space<hbm>>
        tpu.enqueue_indirect_dma source(%dma_start3A_539 : memref<475x128xbf16, #tpu.memory_space<hbm>>) target(%dma_start3A_533 : memref<128x128xbf16, #tpu.memory_space<vmem>>) offsets(%dma_start3A_536 : memref<128xi32, #tpu.memory_space<vmem>>) semaphore(%arg16 : memref<!tpu.dma_semaphore, #tpu.memory_space<semaphore_mem>>)
      } else {
      }
      %eq3A = arith.constant 9 : i32
      %eq3A_407 = arith.cmpi eq, %scan3A_276, %eq3A : i32
      %convert_element_type3A_408 = arith.extui %eq3A_407 : i1 to i32
      %cond3A_409 = arith.constant 0 : i32
      %cond3A_410 = arith.cmpi ne, %convert_element_type3A_408, %cond3A_409 : i32
      scf.if %cond3A_410 {
        %add3A_412 = arith.constant 0 : i32
        %add3A_413 = arith.addi %mul3A_279, %add3A_412 : i32
        %mul3A_414 = arith.constant 128 : i32
        %mul3A_415 = arith.muli %add3A_413, %mul3A_414 : i32
        %add3A_416 = arith.addi %mul3A_2, %mul3A_415 : i32
        %dma_wait3A_417 = arith.constant 0 : i32
        %dma_wait3A_418 = arith.constant 0 : i32
        %dma_wait3A_419 = arith.constant 0 : i32
        %dma_wait3A_420 = tpu.memref_slice %arg14[%dma_wait3A_417, %dma_wait3A_418, %dma_wait3A_419] : memref<4x128x128xbf16, #tpu.memory_space<vmem>> -> memref<1x128x128xbf16, #tpu.memory_space<vmem>>
        %dma_wait3A_421 = tpu.memref_squeeze %dma_wait3A_420 : memref<1x128x128xbf16, #tpu.memory_space<vmem>> -> memref<128x128xbf16, #tpu.memory_space<vmem>>
        %dma_wait3A_422 = arith.constant 0 : i32
        %dma_wait3A_423 = tpu.memref_slice %arg9[%add3A_416, %dma_wait3A_422] : memref<163840x128xbf16, #tpu.memory_space<hbm>> -> memref<128x128xbf16, #tpu.memory_space<hbm>>
        %dma_wait3A_424 = arith.constant 0 : i32
        %dma_wait3A_425 = tpu.memref_slice %arg9[%add3A_416, %dma_wait3A_424] : memref<163840x128xbf16, #tpu.memory_space<hbm>> -> memref<128x128xbf16, #tpu.memory_space<hbm>>
        %dma_wait3A_426 = arith.constant 0 : i32
        %dma_wait3A_427 = arith.constant 0 : i32
        %dma_wait3A_428 = tpu.memref_slice %arg14[%dma_wait3A_417, %dma_wait3A_426, %dma_wait3A_427] : memref<4x128x128xbf16, #tpu.memory_space<vmem>> -> memref<1x128x128xbf16, #tpu.memory_space<vmem>>
        %dma_wait3A_429 = tpu.memref_squeeze %dma_wait3A_428 : memref<1x128x128xbf16, #tpu.memory_space<vmem>> -> memref<128x128xbf16, #tpu.memory_space<vmem>>
        tpu.wait_dma2 semaphore(%arg17 : memref<!tpu.dma_semaphore, #tpu.memory_space<semaphore_mem>>) src(%dma_wait3A_429 : memref<128x128xbf16, #tpu.memory_space<vmem>>) dst(%dma_wait3A_425 : memref<128x128xbf16, #tpu.memory_space<hbm>>)
        %add3A_430 = arith.constant 1 : i32
        %add3A_431 = arith.addi %mul3A_279, %add3A_430 : i32
        %mul3A_432 = arith.constant 128 : i32
        %mul3A_433 = arith.muli %add3A_431, %mul3A_432 : i32
        %add3A_434 = arith.addi %mul3A_2, %mul3A_433 : i32
        %dma_wait3A_435 = arith.constant 1 : i32
        %dma_wait3A_436 = arith.constant 0 : i32
        %dma_wait3A_437 = arith.constant 0 : i32
        %dma_wait3A_438 = tpu.memref_slice %arg14[%dma_wait3A_435, %dma_wait3A_436, %dma_wait3A_437] : memref<4x128x128xbf16, #tpu.memory_space<vmem>> -> memref<1x128x128xbf16, #tpu.memory_space<vmem>>
        %dma_wait3A_439 = tpu.memref_squeeze %dma_wait3A_438 : memref<1x128x128xbf16, #tpu.memory_space<vmem>> -> memref<128x128xbf16, #tpu.memory_space<vmem>>
        %dma_wait3A_440 = arith.constant 0 : i32
        %dma_wait3A_441 = tpu.memref_slice %arg9[%add3A_434, %dma_wait3A_440] : memref<163840x128xbf16, #tpu.memory_space<hbm>> -> memref<128x128xbf16, #tpu.memory_space<hbm>>
        %dma_wait3A_442 = arith.constant 0 : i32
        %dma_wait3A_443 = tpu.memref_slice %arg9[%add3A_434, %dma_wait3A_442] : memref<163840x128xbf16, #tpu.memory_space<hbm>> -> memref<128x128xbf16, #tpu.memory_space<hbm>>
        %dma_wait3A_444 = arith.constant 0 : i32
        %dma_wait3A_445 = arith.constant 0 : i32
        %dma_wait3A_446 = tpu.memref_slice %arg14[%dma_wait3A_435, %dma_wait3A_444, %dma_wait3A_445] : memref<4x128x128xbf16, #tpu.memory_space<vmem>> -> memref<1x128x128xbf16, #tpu.memory_space<vmem>>
        %dma_wait3A_447 = tpu.memref_squeeze %dma_wait3A_446 : memref<1x128x128xbf16, #tpu.memory_space<vmem>> -> memref<128x128xbf16, #tpu.memory_space<vmem>>
        tpu.wait_dma2 semaphore(%arg17 : memref<!tpu.dma_semaphore, #tpu.memory_space<semaphore_mem>>) src(%dma_wait3A_447 : memref<128x128xbf16, #tpu.memory_space<vmem>>) dst(%dma_wait3A_443 : memref<128x128xbf16, #tpu.memory_space<hbm>>)
        %add3A_448 = arith.constant 0 : i32
        %add3A_449 = arith.addi %add3A_281, %add3A_448 : i32
        %mul3A_450 = arith.constant 128 : i32
        %mul3A_451 = arith.muli %add3A_449, %mul3A_450 : i32
        %add3A_452 = arith.addi %mul3A_2, %mul3A_451 : i32
        %dma_wait3A_453 = arith.constant 2 : i32
        %dma_wait3A_454 = arith.constant 0 : i32
        %dma_wait3A_455 = arith.constant 0 : i32
        %dma_wait3A_456 = tpu.memref_slice %arg14[%dma_wait3A_453, %dma_wait3A_454, %dma_wait3A_455] : memref<4x128x128xbf16, #tpu.memory_space<vmem>> -> memref<1x128x128xbf16, #tpu.memory_space<vmem>>
        %dma_wait3A_457 = tpu.memref_squeeze %dma_wait3A_456 : memref<1x128x128xbf16, #tpu.memory_space<vmem>> -> memref<128x128xbf16, #tpu.memory_space<vmem>>
        %dma_wait3A_458 = arith.constant 0 : i32
        %dma_wait3A_459 = tpu.memref_slice %arg9[%add3A_452, %dma_wait3A_458] : memref<163840x128xbf16, #tpu.memory_space<hbm>> -> memref<128x128xbf16, #tpu.memory_space<hbm>>
        %dma_wait3A_460 = arith.constant 0 : i32
        %dma_wait3A_461 = tpu.memref_slice %arg9[%add3A_452, %dma_wait3A_460] : memref<163840x128xbf16, #tpu.memory_space<hbm>> -> memref<128x128xbf16, #tpu.memory_space<hbm>>
        %dma_wait3A_462 = arith.constant 0 : i32
        %dma_wait3A_463 = arith.constant 0 : i32
        %dma_wait3A_464 = tpu.memref_slice %arg14[%dma_wait3A_453, %dma_wait3A_462, %dma_wait3A_463] : memref<4x128x128xbf16, #tpu.memory_space<vmem>> -> memref<1x128x128xbf16, #tpu.memory_space<vmem>>
        %dma_wait3A_465 = tpu.memref_squeeze %dma_wait3A_464 : memref<1x128x128xbf16, #tpu.memory_space<vmem>> -> memref<128x128xbf16, #tpu.memory_space<vmem>>
        tpu.wait_dma2 semaphore(%arg18 : memref<!tpu.dma_semaphore, #tpu.memory_space<semaphore_mem>>) src(%dma_wait3A_465 : memref<128x128xbf16, #tpu.memory_space<vmem>>) dst(%dma_wait3A_461 : memref<128x128xbf16, #tpu.memory_space<hbm>>)
        %add3A_466 = arith.constant 1 : i32
        %add3A_467 = arith.addi %add3A_281, %add3A_466 : i32
        %mul3A_468 = arith.constant 128 : i32
        %mul3A_469 = arith.muli %add3A_467, %mul3A_468 : i32
        %add3A_470 = arith.addi %mul3A_2, %mul3A_469 : i32
        %dma_wait3A_471 = arith.constant 3 : i32
        %dma_wait3A_472 = arith.constant 0 : i32
        %dma_wait3A_473 = arith.constant 0 : i32
        %dma_wait3A_474 = tpu.memref_slice %arg14[%dma_wait3A_471, %dma_wait3A_472, %dma_wait3A_473] : memref<4x128x128xbf16, #tpu.memory_space<vmem>> -> memref<1x128x128xbf16, #tpu.memory_space<vmem>>
        %dma_wait3A_475 = tpu.memref_squeeze %dma_wait3A_474 : memref<1x128x128xbf16, #tpu.memory_space<vmem>> -> memref<128x128xbf16, #tpu.memory_space<vmem>>
        %dma_wait3A_476 = arith.constant 0 : i32
        %dma_wait3A_477 = tpu.memref_slice %arg9[%add3A_470, %dma_wait3A_476] : memref<163840x128xbf16, #tpu.memory_space<hbm>> -> memref<128x128xbf16, #tpu.memory_space<hbm>>
        %dma_wait3A_478 = arith.constant 0 : i32
        %dma_wait3A_479 = tpu.memref_slice %arg9[%add3A_470, %dma_wait3A_478] : memref<163840x128xbf16, #tpu.memory_space<hbm>> -> memref<128x128xbf16, #tpu.memory_space<hbm>>
        %dma_wait3A_480 = arith.constant 0 : i32
        %dma_wait3A_481 = arith.constant 0 : i32
        %dma_wait3A_482 = tpu.memref_slice %arg14[%dma_wait3A_471, %dma_wait3A_480, %dma_wait3A_481] : memref<4x128x128xbf16, #tpu.memory_space<vmem>> -> memref<1x128x128xbf16, #tpu.memory_space<vmem>>
        %dma_wait3A_483 = tpu.memref_squeeze %dma_wait3A_482 : memref<1x128x128xbf16, #tpu.memory_space<vmem>> -> memref<128x128xbf16, #tpu.memory_space<vmem>>
        tpu.wait_dma2 semaphore(%arg18 : memref<!tpu.dma_semaphore, #tpu.memory_space<semaphore_mem>>) src(%dma_wait3A_483 : memref<128x128xbf16, #tpu.memory_space<vmem>>) dst(%dma_wait3A_479 : memref<128x128xbf16, #tpu.memory_space<hbm>>)
      } else {
      }
      %scan3A_411 = arith.constant 0 : i32
      scf.yield %scan3A_411 : i32
    }
    %scan3A_110 = arith.constant 10 : i32
    %dma_start3A_111 = arith.constant 0 : i32
    %dma_start3A_112 = arith.constant 0 : i32
    %dma_start3A_113 = arith.constant 0 : i32
    %dma_start3A_114 = arith.constant 0 : i32
    %dma_start3A_115 = tpu.memref_slice %arg14[%dma_start3A_112, %dma_start3A_113, %dma_start3A_114] : memref<4x128x128xbf16, #tpu.memory_space<vmem>> -> memref<1x128x128xbf16, #tpu.memory_space<vmem>>
    %dma_start3A_116 = tpu.memref_squeeze %dma_start3A_115 : memref<1x128x128xbf16, #tpu.memory_space<vmem>> -> memref<128x128xbf16, #tpu.memory_space<vmem>>
    %dma_start3A_117 = arith.constant 0 : i32
    %dma_start3A_118 = tpu.memref_slice %arg13[%dma_start3A_111, %dma_start3A_117] : memref<40x128xi32, #tpu.memory_space<vmem>> -> memref<1x128xi32, #tpu.memory_space<vmem>>
    %dma_start3A_119 = tpu.memref_squeeze %dma_start3A_118 : memref<1x128xi32, #tpu.memory_space<vmem>> -> memref<128xi32, #tpu.memory_space<vmem>>
    %dma_start3A_120 = arith.constant 0 : i32
    %dma_start3A_121 = arith.constant 0 : i32
    %dma_start3A_122 = tpu.memref_slice %arg4[%dma_start3A_120, %dma_start3A_121] : memref<475x128xbf16, #tpu.memory_space<hbm>> -> memref<475x128xbf16, #tpu.memory_space<hbm>>
    tpu.enqueue_indirect_dma source(%dma_start3A_122 : memref<475x128xbf16, #tpu.memory_space<hbm>>) target(%dma_start3A_116 : memref<128x128xbf16, #tpu.memory_space<vmem>>) offsets(%dma_start3A_119 : memref<128xi32, #tpu.memory_space<vmem>>) semaphore(%arg15 : memref<!tpu.dma_semaphore, #tpu.memory_space<semaphore_mem>>)
    %dma_start3A_123 = arith.constant 1 : i32
    %dma_start3A_124 = arith.constant 1 : i32
    %dma_start3A_125 = arith.constant 0 : i32
    %dma_start3A_126 = arith.constant 0 : i32
    %dma_start3A_127 = tpu.memref_slice %arg14[%dma_start3A_124, %dma_start3A_125, %dma_start3A_126] : memref<4x128x128xbf16, #tpu.memory_space<vmem>> -> memref<1x128x128xbf16, #tpu.memory_space<vmem>>
    %dma_start3A_128 = tpu.memref_squeeze %dma_start3A_127 : memref<1x128x128xbf16, #tpu.memory_space<vmem>> -> memref<128x128xbf16, #tpu.memory_space<vmem>>
    %dma_start3A_129 = arith.constant 0 : i32
    %dma_start3A_130 = tpu.memref_slice %arg13[%dma_start3A_123, %dma_start3A_129] : memref<40x128xi32, #tpu.memory_space<vmem>> -> memref<1x128xi32, #tpu.memory_space<vmem>>
    %dma_start3A_131 = tpu.memref_squeeze %dma_start3A_130 : memref<1x128xi32, #tpu.memory_space<vmem>> -> memref<128xi32, #tpu.memory_space<vmem>>
    %dma_start3A_132 = arith.constant 0 : i32
    %dma_start3A_133 = arith.constant 0 : i32
    %dma_start3A_134 = tpu.memref_slice %arg4[%dma_start3A_132, %dma_start3A_133] : memref<475x128xbf16, #tpu.memory_space<hbm>> -> memref<475x128xbf16, #tpu.memory_space<hbm>>
    tpu.enqueue_indirect_dma source(%dma_start3A_134 : memref<475x128xbf16, #tpu.memory_space<hbm>>) target(%dma_start3A_128 : memref<128x128xbf16, #tpu.memory_space<vmem>>) offsets(%dma_start3A_131 : memref<128xi32, #tpu.memory_space<vmem>>) semaphore(%arg15 : memref<!tpu.dma_semaphore, #tpu.memory_space<semaphore_mem>>)
    %dma_start3A_135 = arith.constant 2 : i32
    %dma_start3A_136 = arith.constant 2 : i32
    %dma_start3A_137 = arith.constant 0 : i32
    %dma_start3A_138 = arith.constant 0 : i32
    %dma_start3A_139 = tpu.memref_slice %arg14[%dma_start3A_136, %dma_start3A_137, %dma_start3A_138] : memref<4x128x128xbf16, #tpu.memory_space<vmem>> -> memref<1x128x128xbf16, #tpu.memory_space<vmem>>
    %dma_start3A_140 = tpu.memref_squeeze %dma_start3A_139 : memref<1x128x128xbf16, #tpu.memory_space<vmem>> -> memref<128x128xbf16, #tpu.memory_space<vmem>>
    %dma_start3A_141 = arith.constant 0 : i32
    %dma_start3A_142 = tpu.memref_slice %arg13[%dma_start3A_135, %dma_start3A_141] : memref<40x128xi32, #tpu.memory_space<vmem>> -> memref<1x128xi32, #tpu.memory_space<vmem>>
    %dma_start3A_143 = tpu.memref_squeeze %dma_start3A_142 : memref<1x128xi32, #tpu.memory_space<vmem>> -> memref<128xi32, #tpu.memory_space<vmem>>
    %dma_start3A_144 = arith.constant 0 : i32
    %dma_start3A_145 = arith.constant 0 : i32
    %dma_start3A_146 = tpu.memref_slice %arg4[%dma_start3A_144, %dma_start3A_145] : memref<475x128xbf16, #tpu.memory_space<hbm>> -> memref<475x128xbf16, #tpu.memory_space<hbm>>
    tpu.enqueue_indirect_dma source(%dma_start3A_146 : memref<475x128xbf16, #tpu.memory_space<hbm>>) target(%dma_start3A_140 : memref<128x128xbf16, #tpu.memory_space<vmem>>) offsets(%dma_start3A_143 : memref<128xi32, #tpu.memory_space<vmem>>) semaphore(%arg16 : memref<!tpu.dma_semaphore, #tpu.memory_space<semaphore_mem>>)
    %dma_start3A_147 = arith.constant 3 : i32
    %dma_start3A_148 = arith.constant 3 : i32
    %dma_start3A_149 = arith.constant 0 : i32
    %dma_start3A_150 = arith.constant 0 : i32
    %dma_start3A_151 = tpu.memref_slice %arg14[%dma_start3A_148, %dma_start3A_149, %dma_start3A_150] : memref<4x128x128xbf16, #tpu.memory_space<vmem>> -> memref<1x128x128xbf16, #tpu.memory_space<vmem>>
    %dma_start3A_152 = tpu.memref_squeeze %dma_start3A_151 : memref<1x128x128xbf16, #tpu.memory_space<vmem>> -> memref<128x128xbf16, #tpu.memory_space<vmem>>
    %dma_start3A_153 = arith.constant 0 : i32
    %dma_start3A_154 = tpu.memref_slice %arg13[%dma_start3A_147, %dma_start3A_153] : memref<40x128xi32, #tpu.memory_space<vmem>> -> memref<1x128xi32, #tpu.memory_space<vmem>>
    %dma_start3A_155 = tpu.memref_squeeze %dma_start3A_154 : memref<1x128xi32, #tpu.memory_space<vmem>> -> memref<128xi32, #tpu.memory_space<vmem>>
    %dma_start3A_156 = arith.constant 0 : i32
    %dma_start3A_157 = arith.constant 0 : i32
    %dma_start3A_158 = tpu.memref_slice %arg4[%dma_start3A_156, %dma_start3A_157] : memref<475x128xbf16, #tpu.memory_space<hbm>> -> memref<475x128xbf16, #tpu.memory_space<hbm>>
    tpu.enqueue_indirect_dma source(%dma_start3A_158 : memref<475x128xbf16, #tpu.memory_space<hbm>>) target(%dma_start3A_152 : memref<128x128xbf16, #tpu.memory_space<vmem>>) offsets(%dma_start3A_155 : memref<128xi32, #tpu.memory_space<vmem>>) semaphore(%arg16 : memref<!tpu.dma_semaphore, #tpu.memory_space<semaphore_mem>>)
    %scan3A_159 = arith.constant 0 : i32
    %scan3A_160 = arith.constant 0 : i32
    %scan3A_161 = arith.constant 10 : i32
    %scan3A_162 = arith.addi %scan3A_160, %scan3A_161 : i32
    %scan3A_163 = arith.constant 1 : i32
    %scan3A_164 = scf.for %scan3A_276 = %scan3A_160 to %scan3A_162 step %scan3A_163 iter_args(%scan3A_277 = %scan3A_159) -> (i32)  : i32 {
      %mul3A_278 = arith.constant 4 : i32
      %mul3A_279 = arith.muli %mul3A_278, %scan3A_276 : i32
      %add3A_280 = arith.constant 2 : i32
      %add3A_281 = arith.addi %mul3A_279, %add3A_280 : i32
      %add3A_282 = arith.constant 0 : i32
      %add3A_283 = arith.addi %mul3A_279, %add3A_282 : i32
      %dma_wait3A = arith.constant 0 : i32
      %dma_wait3A_284 = arith.constant 0 : i32
      %dma_wait3A_285 = arith.constant 0 : i32
      %dma_wait3A_286 = tpu.memref_slice %arg14[%dma_wait3A, %dma_wait3A_284, %dma_wait3A_285] : memref<4x128x128xbf16, #tpu.memory_space<vmem>> -> memref<1x128x128xbf16, #tpu.memory_space<vmem>>
      %dma_wait3A_287 = tpu.memref_squeeze %dma_wait3A_286 : memref<1x128x128xbf16, #tpu.memory_space<vmem>> -> memref<128x128xbf16, #tpu.memory_space<vmem>>
      %dma_wait3A_288 = arith.constant 0 : i32
      %dma_wait3A_289 = tpu.memref_slice %arg13[%add3A_283, %dma_wait3A_288] : memref<40x128xi32, #tpu.memory_space<vmem>> -> memref<1x128xi32, #tpu.memory_space<vmem>>
      %dma_wait3A_290 = tpu.memref_squeeze %dma_wait3A_289 : memref<1x128xi32, #tpu.memory_space<vmem>> -> memref<128xi32, #tpu.memory_space<vmem>>
      %dma_wait3A_291 = arith.constant 0 : i32
      %dma_wait3A_292 = arith.constant 0 : i32
      %dma_wait3A_293 = tpu.memref_slice %arg4[%dma_wait3A_291, %dma_wait3A_292] : memref<475x128xbf16, #tpu.memory_space<hbm>> -> memref<475x128xbf16, #tpu.memory_space<hbm>>
      tpu.wait_indirect_dma semaphore(%arg15 : memref<!tpu.dma_semaphore, #tpu.memory_space<semaphore_mem>>) src(%dma_wait3A_293 : memref<475x128xbf16, #tpu.memory_space<hbm>>) dst(%dma_wait3A_287 : memref<128x128xbf16, #tpu.memory_space<vmem>>)
      %add3A_294 = arith.constant 1 : i32
      %add3A_295 = arith.addi %mul3A_279, %add3A_294 : i32
      %dma_wait3A_296 = arith.constant 1 : i32
      %dma_wait3A_297 = arith.constant 0 : i32
      %dma_wait3A_298 = arith.constant 0 : i32
      %dma_wait3A_299 = tpu.memref_slice %arg14[%dma_wait3A_296, %dma_wait3A_297, %dma_wait3A_298] : memref<4x128x128xbf16, #tpu.memory_space<vmem>> -> memref<1x128x128xbf16, #tpu.memory_space<vmem>>
      %dma_wait3A_300 = tpu.memref_squeeze %dma_wait3A_299 : memref<1x128x128xbf16, #tpu.memory_space<vmem>> -> memref<128x128xbf16, #tpu.memory_space<vmem>>
      %dma_wait3A_301 = arith.constant 0 : i32
      %dma_wait3A_302 = tpu.memref_slice %arg13[%add3A_295, %dma_wait3A_301] : memref<40x128xi32, #tpu.memory_space<vmem>> -> memref<1x128xi32, #tpu.memory_space<vmem>>
      %dma_wait3A_303 = tpu.memref_squeeze %dma_wait3A_302 : memref<1x128xi32, #tpu.memory_space<vmem>> -> memref<128xi32, #tpu.memory_space<vmem>>
      %dma_wait3A_304 = arith.constant 0 : i32
      %dma_wait3A_305 = arith.constant 0 : i32
      %dma_wait3A_306 = tpu.memref_slice %arg4[%dma_wait3A_304, %dma_wait3A_305] : memref<475x128xbf16, #tpu.memory_space<hbm>> -> memref<475x128xbf16, #tpu.memory_space<hbm>>
      tpu.wait_indirect_dma semaphore(%arg15 : memref<!tpu.dma_semaphore, #tpu.memory_space<semaphore_mem>>) src(%dma_wait3A_306 : memref<475x128xbf16, #tpu.memory_space<hbm>>) dst(%dma_wait3A_300 : memref<128x128xbf16, #tpu.memory_space<vmem>>)
      %add3A_307 = arith.constant 0 : i32
      %add3A_308 = arith.addi %mul3A_279, %add3A_307 : i32
      %mul3A_309 = arith.constant 128 : i32
      %mul3A_310 = arith.muli %add3A_308, %mul3A_309 : i32
      %add3A_311 = arith.addi %mul3A_2, %mul3A_310 : i32
      %dma_start3A_312 = arith.constant 0 : i32
      %dma_start3A_313 = arith.constant 0 : i32
      %dma_start3A_314 = arith.constant 0 : i32
      %dma_start3A_315 = tpu.memref_slice %arg14[%dma_start3A_312, %dma_start3A_313, %dma_start3A_314] : memref<4x128x128xbf16, #tpu.memory_space<vmem>> -> memref<1x128x128xbf16, #tpu.memory_space<vmem>>
      %dma_start3A_316 = tpu.memref_squeeze %dma_start3A_315 : memref<1x128x128xbf16, #tpu.memory_space<vmem>> -> memref<128x128xbf16, #tpu.memory_space<vmem>>
      %dma_start3A_317 = arith.constant 0 : i32
      %dma_start3A_318 = tpu.memref_slice %arg10[%add3A_311, %dma_start3A_317] : memref<163840x128xbf16, #tpu.memory_space<hbm>> -> memref<128x128xbf16, #tpu.memory_space<hbm>>
      %dma_start3A_319 = arith.constant 0 : i32
      %dma_start3A_320 = tpu.memref_slice %arg10[%add3A_311, %dma_start3A_319] : memref<163840x128xbf16, #tpu.memory_space<hbm>> -> memref<128x128xbf16, #tpu.memory_space<hbm>>
      %dma_start3A_321 = arith.constant 0 : i32
      %dma_start3A_322 = arith.constant 0 : i32
      %dma_start3A_323 = tpu.memref_slice %arg14[%dma_start3A_312, %dma_start3A_321, %dma_start3A_322] : memref<4x128x128xbf16, #tpu.memory_space<vmem>> -> memref<1x128x128xbf16, #tpu.memory_space<vmem>>
      %dma_start3A_324 = tpu.memref_squeeze %dma_start3A_323 : memref<1x128x128xbf16, #tpu.memory_space<vmem>> -> memref<128x128xbf16, #tpu.memory_space<vmem>>
      tpu.enqueue_dma source(%dma_start3A_324 : memref<128x128xbf16, #tpu.memory_space<vmem>>) target(%dma_start3A_320 : memref<128x128xbf16, #tpu.memory_space<hbm>>) target_semaphore(%arg17 : memref<!tpu.dma_semaphore, #tpu.memory_space<semaphore_mem>>)
      %add3A_325 = arith.constant 1 : i32
      %add3A_326 = arith.addi %mul3A_279, %add3A_325 : i32
      %mul3A_327 = arith.constant 128 : i32
      %mul3A_328 = arith.muli %add3A_326, %mul3A_327 : i32
      %add3A_329 = arith.addi %mul3A_2, %mul3A_328 : i32
      %dma_start3A_330 = arith.constant 1 : i32
      %dma_start3A_331 = arith.constant 0 : i32
      %dma_start3A_332 = arith.constant 0 : i32
      %dma_start3A_333 = tpu.memref_slice %arg14[%dma_start3A_330, %dma_start3A_331, %dma_start3A_332] : memref<4x128x128xbf16, #tpu.memory_space<vmem>> -> memref<1x128x128xbf16, #tpu.memory_space<vmem>>
      %dma_start3A_334 = tpu.memref_squeeze %dma_start3A_333 : memref<1x128x128xbf16, #tpu.memory_space<vmem>> -> memref<128x128xbf16, #tpu.memory_space<vmem>>
      %dma_start3A_335 = arith.constant 0 : i32
      %dma_start3A_336 = tpu.memref_slice %arg10[%add3A_329, %dma_start3A_335] : memref<163840x128xbf16, #tpu.memory_space<hbm>> -> memref<128x128xbf16, #tpu.memory_space<hbm>>
      %dma_start3A_337 = arith.constant 0 : i32
      %dma_start3A_338 = tpu.memref_slice %arg10[%add3A_329, %dma_start3A_337] : memref<163840x128xbf16, #tpu.memory_space<hbm>> -> memref<128x128xbf16, #tpu.memory_space<hbm>>
      %dma_start3A_339 = arith.constant 0 : i32
      %dma_start3A_340 = arith.constant 0 : i32
      %dma_start3A_341 = tpu.memref_slice %arg14[%dma_start3A_330, %dma_start3A_339, %dma_start3A_340] : memref<4x128x128xbf16, #tpu.memory_space<vmem>> -> memref<1x128x128xbf16, #tpu.memory_space<vmem>>
      %dma_start3A_342 = tpu.memref_squeeze %dma_start3A_341 : memref<1x128x128xbf16, #tpu.memory_space<vmem>> -> memref<128x128xbf16, #tpu.memory_space<vmem>>
      tpu.enqueue_dma source(%dma_start3A_342 : memref<128x128xbf16, #tpu.memory_space<vmem>>) target(%dma_start3A_338 : memref<128x128xbf16, #tpu.memory_space<hbm>>) target_semaphore(%arg17 : memref<!tpu.dma_semaphore, #tpu.memory_space<semaphore_mem>>)
      %add3A_343 = arith.constant 0 : i32
      %add3A_344 = arith.addi %add3A_281, %add3A_343 : i32
      %dma_wait3A_345 = arith.constant 2 : i32
      %dma_wait3A_346 = arith.constant 0 : i32
      %dma_wait3A_347 = arith.constant 0 : i32
      %dma_wait3A_348 = tpu.memref_slice %arg14[%dma_wait3A_345, %dma_wait3A_346, %dma_wait3A_347] : memref<4x128x128xbf16, #tpu.memory_space<vmem>> -> memref<1x128x128xbf16, #tpu.memory_space<vmem>>
      %dma_wait3A_349 = tpu.memref_squeeze %dma_wait3A_348 : memref<1x128x128xbf16, #tpu.memory_space<vmem>> -> memref<128x128xbf16, #tpu.memory_space<vmem>>
      %dma_wait3A_350 = arith.constant 0 : i32
      %dma_wait3A_351 = tpu.memref_slice %arg13[%add3A_344, %dma_wait3A_350] : memref<40x128xi32, #tpu.memory_space<vmem>> -> memref<1x128xi32, #tpu.memory_space<vmem>>
      %dma_wait3A_352 = tpu.memref_squeeze %dma_wait3A_351 : memref<1x128xi32, #tpu.memory_space<vmem>> -> memref<128xi32, #tpu.memory_space<vmem>>
      %dma_wait3A_353 = arith.constant 0 : i32
      %dma_wait3A_354 = arith.constant 0 : i32
      %dma_wait3A_355 = tpu.memref_slice %arg4[%dma_wait3A_353, %dma_wait3A_354] : memref<475x128xbf16, #tpu.memory_space<hbm>> -> memref<475x128xbf16, #tpu.memory_space<hbm>>
      tpu.wait_indirect_dma semaphore(%arg16 : memref<!tpu.dma_semaphore, #tpu.memory_space<semaphore_mem>>) src(%dma_wait3A_355 : memref<475x128xbf16, #tpu.memory_space<hbm>>) dst(%dma_wait3A_349 : memref<128x128xbf16, #tpu.memory_space<vmem>>)
      %add3A_356 = arith.constant 1 : i32
      %add3A_357 = arith.addi %add3A_281, %add3A_356 : i32
      %dma_wait3A_358 = arith.constant 3 : i32
      %dma_wait3A_359 = arith.constant 0 : i32
      %dma_wait3A_360 = arith.constant 0 : i32
      %dma_wait3A_361 = tpu.memref_slice %arg14[%dma_wait3A_358, %dma_wait3A_359, %dma_wait3A_360] : memref<4x128x128xbf16, #tpu.memory_space<vmem>> -> memref<1x128x128xbf16, #tpu.memory_space<vmem>>
      %dma_wait3A_362 = tpu.memref_squeeze %dma_wait3A_361 : memref<1x128x128xbf16, #tpu.memory_space<vmem>> -> memref<128x128xbf16, #tpu.memory_space<vmem>>
      %dma_wait3A_363 = arith.constant 0 : i32
      %dma_wait3A_364 = tpu.memref_slice %arg13[%add3A_357, %dma_wait3A_363] : memref<40x128xi32, #tpu.memory_space<vmem>> -> memref<1x128xi32, #tpu.memory_space<vmem>>
      %dma_wait3A_365 = tpu.memref_squeeze %dma_wait3A_364 : memref<1x128xi32, #tpu.memory_space<vmem>> -> memref<128xi32, #tpu.memory_space<vmem>>
      %dma_wait3A_366 = arith.constant 0 : i32
      %dma_wait3A_367 = arith.constant 0 : i32
      %dma_wait3A_368 = tpu.memref_slice %arg4[%dma_wait3A_366, %dma_wait3A_367] : memref<475x128xbf16, #tpu.memory_space<hbm>> -> memref<475x128xbf16, #tpu.memory_space<hbm>>
      tpu.wait_indirect_dma semaphore(%arg16 : memref<!tpu.dma_semaphore, #tpu.memory_space<semaphore_mem>>) src(%dma_wait3A_368 : memref<475x128xbf16, #tpu.memory_space<hbm>>) dst(%dma_wait3A_362 : memref<128x128xbf16, #tpu.memory_space<vmem>>)
      %add3A_369 = arith.constant 0 : i32
      %add3A_370 = arith.addi %add3A_281, %add3A_369 : i32
      %mul3A_371 = arith.constant 128 : i32
      %mul3A_372 = arith.muli %add3A_370, %mul3A_371 : i32
      %add3A_373 = arith.addi %mul3A_2, %mul3A_372 : i32
      %dma_start3A_374 = arith.constant 2 : i32
      %dma_start3A_375 = arith.constant 0 : i32
      %dma_start3A_376 = arith.constant 0 : i32
      %dma_start3A_377 = tpu.memref_slice %arg14[%dma_start3A_374, %dma_start3A_375, %dma_start3A_376] : memref<4x128x128xbf16, #tpu.memory_space<vmem>> -> memref<1x128x128xbf16, #tpu.memory_space<vmem>>
      %dma_start3A_378 = tpu.memref_squeeze %dma_start3A_377 : memref<1x128x128xbf16, #tpu.memory_space<vmem>> -> memref<128x128xbf16, #tpu.memory_space<vmem>>
      %dma_start3A_379 = arith.constant 0 : i32
      %dma_start3A_380 = tpu.memref_slice %arg10[%add3A_373, %dma_start3A_379] : memref<163840x128xbf16, #tpu.memory_space<hbm>> -> memref<128x128xbf16, #tpu.memory_space<hbm>>
      %dma_start3A_381 = arith.constant 0 : i32
      %dma_start3A_382 = tpu.memref_slice %arg10[%add3A_373, %dma_start3A_381] : memref<163840x128xbf16, #tpu.memory_space<hbm>> -> memref<128x128xbf16, #tpu.memory_space<hbm>>
      %dma_start3A_383 = arith.constant 0 : i32
      %dma_start3A_384 = arith.constant 0 : i32
      %dma_start3A_385 = tpu.memref_slice %arg14[%dma_start3A_374, %dma_start3A_383, %dma_start3A_384] : memref<4x128x128xbf16, #tpu.memory_space<vmem>> -> memref<1x128x128xbf16, #tpu.memory_space<vmem>>
      %dma_start3A_386 = tpu.memref_squeeze %dma_start3A_385 : memref<1x128x128xbf16, #tpu.memory_space<vmem>> -> memref<128x128xbf16, #tpu.memory_space<vmem>>
      tpu.enqueue_dma source(%dma_start3A_386 : memref<128x128xbf16, #tpu.memory_space<vmem>>) target(%dma_start3A_382 : memref<128x128xbf16, #tpu.memory_space<hbm>>) target_semaphore(%arg18 : memref<!tpu.dma_semaphore, #tpu.memory_space<semaphore_mem>>)
      %add3A_387 = arith.constant 1 : i32
      %add3A_388 = arith.addi %add3A_281, %add3A_387 : i32
      %mul3A_389 = arith.constant 128 : i32
      %mul3A_390 = arith.muli %add3A_388, %mul3A_389 : i32
      %add3A_391 = arith.addi %mul3A_2, %mul3A_390 : i32
      %dma_start3A_392 = arith.constant 3 : i32
      %dma_start3A_393 = arith.constant 0 : i32
      %dma_start3A_394 = arith.constant 0 : i32
      %dma_start3A_395 = tpu.memref_slice %arg14[%dma_start3A_392, %dma_start3A_393, %dma_start3A_394] : memref<4x128x128xbf16, #tpu.memory_space<vmem>> -> memref<1x128x128xbf16, #tpu.memory_space<vmem>>
      %dma_start3A_396 = tpu.memref_squeeze %dma_start3A_395 : memref<1x128x128xbf16, #tpu.memory_space<vmem>> -> memref<128x128xbf16, #tpu.memory_space<vmem>>
      %dma_start3A_397 = arith.constant 0 : i32
      %dma_start3A_398 = tpu.memref_slice %arg10[%add3A_391, %dma_start3A_397] : memref<163840x128xbf16, #tpu.memory_space<hbm>> -> memref<128x128xbf16, #tpu.memory_space<hbm>>
      %dma_start3A_399 = arith.constant 0 : i32
      %dma_start3A_400 = tpu.memref_slice %arg10[%add3A_391, %dma_start3A_399] : memref<163840x128xbf16, #tpu.memory_space<hbm>> -> memref<128x128xbf16, #tpu.memory_space<hbm>>
      %dma_start3A_401 = arith.constant 0 : i32
      %dma_start3A_402 = arith.constant 0 : i32
      %dma_start3A_403 = tpu.memref_slice %arg14[%dma_start3A_392, %dma_start3A_401, %dma_start3A_402] : memref<4x128x128xbf16, #tpu.memory_space<vmem>> -> memref<1x128x128xbf16, #tpu.memory_space<vmem>>
      %dma_start3A_404 = tpu.memref_squeeze %dma_start3A_403 : memref<1x128x128xbf16, #tpu.memory_space<vmem>> -> memref<128x128xbf16, #tpu.memory_space<vmem>>
      tpu.enqueue_dma source(%dma_start3A_404 : memref<128x128xbf16, #tpu.memory_space<vmem>>) target(%dma_start3A_400 : memref<128x128xbf16, #tpu.memory_space<hbm>>) target_semaphore(%arg18 : memref<!tpu.dma_semaphore, #tpu.memory_space<semaphore_mem>>)
      %lt3A = arith.constant 9 : i32
      %lt3A_405 = arith.cmpi slt, %scan3A_276, %lt3A : i32
      %convert_element_type3A = arith.extui %lt3A_405 : i1 to i32
      %cond3A = arith.constant 0 : i32
      %cond3A_406 = arith.cmpi ne, %convert_element_type3A, %cond3A : i32
      scf.if %cond3A_406 {
        %add3A_412 = arith.constant 0 : i32
        %add3A_413 = arith.addi %mul3A_279, %add3A_412 : i32
        %mul3A_414 = arith.constant 128 : i32
        %mul3A_415 = arith.muli %add3A_413, %mul3A_414 : i32
        %add3A_416 = arith.addi %mul3A_2, %mul3A_415 : i32
        %dma_wait3A_417 = arith.constant 0 : i32
        %dma_wait3A_418 = arith.constant 0 : i32
        %dma_wait3A_419 = arith.constant 0 : i32
        %dma_wait3A_420 = tpu.memref_slice %arg14[%dma_wait3A_417, %dma_wait3A_418, %dma_wait3A_419] : memref<4x128x128xbf16, #tpu.memory_space<vmem>> -> memref<1x128x128xbf16, #tpu.memory_space<vmem>>
        %dma_wait3A_421 = tpu.memref_squeeze %dma_wait3A_420 : memref<1x128x128xbf16, #tpu.memory_space<vmem>> -> memref<128x128xbf16, #tpu.memory_space<vmem>>
        %dma_wait3A_422 = arith.constant 0 : i32
        %dma_wait3A_423 = tpu.memref_slice %arg10[%add3A_416, %dma_wait3A_422] : memref<163840x128xbf16, #tpu.memory_space<hbm>> -> memref<128x128xbf16, #tpu.memory_space<hbm>>
        %dma_wait3A_424 = arith.constant 0 : i32
        %dma_wait3A_425 = tpu.memref_slice %arg10[%add3A_416, %dma_wait3A_424] : memref<163840x128xbf16, #tpu.memory_space<hbm>> -> memref<128x128xbf16, #tpu.memory_space<hbm>>
        %dma_wait3A_426 = arith.constant 0 : i32
        %dma_wait3A_427 = arith.constant 0 : i32
        %dma_wait3A_428 = tpu.memref_slice %arg14[%dma_wait3A_417, %dma_wait3A_426, %dma_wait3A_427] : memref<4x128x128xbf16, #tpu.memory_space<vmem>> -> memref<1x128x128xbf16, #tpu.memory_space<vmem>>
        %dma_wait3A_429 = tpu.memref_squeeze %dma_wait3A_428 : memref<1x128x128xbf16, #tpu.memory_space<vmem>> -> memref<128x128xbf16, #tpu.memory_space<vmem>>
        tpu.wait_dma2 semaphore(%arg17 : memref<!tpu.dma_semaphore, #tpu.memory_space<semaphore_mem>>) src(%dma_wait3A_429 : memref<128x128xbf16, #tpu.memory_space<vmem>>) dst(%dma_wait3A_425 : memref<128x128xbf16, #tpu.memory_space<hbm>>)
        %add3A_430 = arith.constant 1 : i32
        %add3A_431 = arith.addi %mul3A_279, %add3A_430 : i32
        %mul3A_432 = arith.constant 128 : i32
        %mul3A_433 = arith.muli %add3A_431, %mul3A_432 : i32
        %add3A_434 = arith.addi %mul3A_2, %mul3A_433 : i32
        %dma_wait3A_435 = arith.constant 1 : i32
        %dma_wait3A_436 = arith.constant 0 : i32
        %dma_wait3A_437 = arith.constant 0 : i32
        %dma_wait3A_438 = tpu.memref_slice %arg14[%dma_wait3A_435, %dma_wait3A_436, %dma_wait3A_437] : memref<4x128x128xbf16, #tpu.memory_space<vmem>> -> memref<1x128x128xbf16, #tpu.memory_space<vmem>>
        %dma_wait3A_439 = tpu.memref_squeeze %dma_wait3A_438 : memref<1x128x128xbf16, #tpu.memory_space<vmem>> -> memref<128x128xbf16, #tpu.memory_space<vmem>>
        %dma_wait3A_440 = arith.constant 0 : i32
        %dma_wait3A_441 = tpu.memref_slice %arg10[%add3A_434, %dma_wait3A_440] : memref<163840x128xbf16, #tpu.memory_space<hbm>> -> memref<128x128xbf16, #tpu.memory_space<hbm>>
        %dma_wait3A_442 = arith.constant 0 : i32
        %dma_wait3A_443 = tpu.memref_slice %arg10[%add3A_434, %dma_wait3A_442] : memref<163840x128xbf16, #tpu.memory_space<hbm>> -> memref<128x128xbf16, #tpu.memory_space<hbm>>
        %dma_wait3A_444 = arith.constant 0 : i32
        %dma_wait3A_445 = arith.constant 0 : i32
        %dma_wait3A_446 = tpu.memref_slice %arg14[%dma_wait3A_435, %dma_wait3A_444, %dma_wait3A_445] : memref<4x128x128xbf16, #tpu.memory_space<vmem>> -> memref<1x128x128xbf16, #tpu.memory_space<vmem>>
        %dma_wait3A_447 = tpu.memref_squeeze %dma_wait3A_446 : memref<1x128x128xbf16, #tpu.memory_space<vmem>> -> memref<128x128xbf16, #tpu.memory_space<vmem>>
        tpu.wait_dma2 semaphore(%arg17 : memref<!tpu.dma_semaphore, #tpu.memory_space<semaphore_mem>>) src(%dma_wait3A_447 : memref<128x128xbf16, #tpu.memory_space<vmem>>) dst(%dma_wait3A_443 : memref<128x128xbf16, #tpu.memory_space<hbm>>)
        %add3A_448 = arith.constant 4 : i32
        %add3A_449 = arith.addi %mul3A_279, %add3A_448 : i32
        %add3A_450 = arith.constant 0 : i32
        %add3A_451 = arith.addi %add3A_449, %add3A_450 : i32
        %dma_start3A_452 = arith.constant 0 : i32
        %dma_start3A_453 = arith.constant 0 : i32
        %dma_start3A_454 = arith.constant 0 : i32
        %dma_start3A_455 = tpu.memref_slice %arg14[%dma_start3A_452, %dma_start3A_453, %dma_start3A_454] : memref<4x128x128xbf16, #tpu.memory_space<vmem>> -> memref<1x128x128xbf16, #tpu.memory_space<vmem>>
        %dma_start3A_456 = tpu.memref_squeeze %dma_start3A_455 : memref<1x128x128xbf16, #tpu.memory_space<vmem>> -> memref<128x128xbf16, #tpu.memory_space<vmem>>
        %dma_start3A_457 = arith.constant 0 : i32
        %dma_start3A_458 = tpu.memref_slice %arg13[%add3A_451, %dma_start3A_457] : memref<40x128xi32, #tpu.memory_space<vmem>> -> memref<1x128xi32, #tpu.memory_space<vmem>>
        %dma_start3A_459 = tpu.memref_squeeze %dma_start3A_458 : memref<1x128xi32, #tpu.memory_space<vmem>> -> memref<128xi32, #tpu.memory_space<vmem>>
        %dma_start3A_460 = arith.constant 0 : i32
        %dma_start3A_461 = arith.constant 0 : i32
        %dma_start3A_462 = tpu.memref_slice %arg4[%dma_start3A_460, %dma_start3A_461] : memref<475x128xbf16, #tpu.memory_space<hbm>> -> memref<475x128xbf16, #tpu.memory_space<hbm>>
        tpu.enqueue_indirect_dma source(%dma_start3A_462 : memref<475x128xbf16, #tpu.memory_space<hbm>>) target(%dma_start3A_456 : memref<128x128xbf16, #tpu.memory_space<vmem>>) offsets(%dma_start3A_459 : memref<128xi32, #tpu.memory_space<vmem>>) semaphore(%arg15 : memref<!tpu.dma_semaphore, #tpu.memory_space<semaphore_mem>>)
        %add3A_463 = arith.constant 1 : i32
        %add3A_464 = arith.addi %add3A_449, %add3A_463 : i32
        %dma_start3A_465 = arith.constant 1 : i32
        %dma_start3A_466 = arith.constant 0 : i32
        %dma_start3A_467 = arith.constant 0 : i32
        %dma_start3A_468 = tpu.memref_slice %arg14[%dma_start3A_465, %dma_start3A_466, %dma_start3A_467] : memref<4x128x128xbf16, #tpu.memory_space<vmem>> -> memref<1x128x128xbf16, #tpu.memory_space<vmem>>
        %dma_start3A_469 = tpu.memref_squeeze %dma_start3A_468 : memref<1x128x128xbf16, #tpu.memory_space<vmem>> -> memref<128x128xbf16, #tpu.memory_space<vmem>>
        %dma_start3A_470 = arith.constant 0 : i32
        %dma_start3A_471 = tpu.memref_slice %arg13[%add3A_464, %dma_start3A_470] : memref<40x128xi32, #tpu.memory_space<vmem>> -> memref<1x128xi32, #tpu.memory_space<vmem>>
        %dma_start3A_472 = tpu.memref_squeeze %dma_start3A_471 : memref<1x128xi32, #tpu.memory_space<vmem>> -> memref<128xi32, #tpu.memory_space<vmem>>
        %dma_start3A_473 = arith.constant 0 : i32
        %dma_start3A_474 = arith.constant 0 : i32
        %dma_start3A_475 = tpu.memref_slice %arg4[%dma_start3A_473, %dma_start3A_474] : memref<475x128xbf16, #tpu.memory_space<hbm>> -> memref<475x128xbf16, #tpu.memory_space<hbm>>
        tpu.enqueue_indirect_dma source(%dma_start3A_475 : memref<475x128xbf16, #tpu.memory_space<hbm>>) target(%dma_start3A_469 : memref<128x128xbf16, #tpu.memory_space<vmem>>) offsets(%dma_start3A_472 : memref<128xi32, #tpu.memory_space<vmem>>) semaphore(%arg15 : memref<!tpu.dma_semaphore, #tpu.memory_space<semaphore_mem>>)
        %add3A_476 = arith.constant 0 : i32
        %add3A_477 = arith.addi %add3A_281, %add3A_476 : i32
        %mul3A_478 = arith.constant 128 : i32
        %mul3A_479 = arith.muli %add3A_477, %mul3A_478 : i32
        %add3A_480 = arith.addi %mul3A_2, %mul3A_479 : i32
        %dma_wait3A_481 = arith.constant 2 : i32
        %dma_wait3A_482 = arith.constant 0 : i32
        %dma_wait3A_483 = arith.constant 0 : i32
        %dma_wait3A_484 = tpu.memref_slice %arg14[%dma_wait3A_481, %dma_wait3A_482, %dma_wait3A_483] : memref<4x128x128xbf16, #tpu.memory_space<vmem>> -> memref<1x128x128xbf16, #tpu.memory_space<vmem>>
        %dma_wait3A_485 = tpu.memref_squeeze %dma_wait3A_484 : memref<1x128x128xbf16, #tpu.memory_space<vmem>> -> memref<128x128xbf16, #tpu.memory_space<vmem>>
        %dma_wait3A_486 = arith.constant 0 : i32
        %dma_wait3A_487 = tpu.memref_slice %arg10[%add3A_480, %dma_wait3A_486] : memref<163840x128xbf16, #tpu.memory_space<hbm>> -> memref<128x128xbf16, #tpu.memory_space<hbm>>
        %dma_wait3A_488 = arith.constant 0 : i32
        %dma_wait3A_489 = tpu.memref_slice %arg10[%add3A_480, %dma_wait3A_488] : memref<163840x128xbf16, #tpu.memory_space<hbm>> -> memref<128x128xbf16, #tpu.memory_space<hbm>>
        %dma_wait3A_490 = arith.constant 0 : i32
        %dma_wait3A_491 = arith.constant 0 : i32
        %dma_wait3A_492 = tpu.memref_slice %arg14[%dma_wait3A_481, %dma_wait3A_490, %dma_wait3A_491] : memref<4x128x128xbf16, #tpu.memory_space<vmem>> -> memref<1x128x128xbf16, #tpu.memory_space<vmem>>
        %dma_wait3A_493 = tpu.memref_squeeze %dma_wait3A_492 : memref<1x128x128xbf16, #tpu.memory_space<vmem>> -> memref<128x128xbf16, #tpu.memory_space<vmem>>
        tpu.wait_dma2 semaphore(%arg18 : memref<!tpu.dma_semaphore, #tpu.memory_space<semaphore_mem>>) src(%dma_wait3A_493 : memref<128x128xbf16, #tpu.memory_space<vmem>>) dst(%dma_wait3A_489 : memref<128x128xbf16, #tpu.memory_space<hbm>>)
        %add3A_494 = arith.constant 1 : i32
        %add3A_495 = arith.addi %add3A_281, %add3A_494 : i32
        %mul3A_496 = arith.constant 128 : i32
        %mul3A_497 = arith.muli %add3A_495, %mul3A_496 : i32
        %add3A_498 = arith.addi %mul3A_2, %mul3A_497 : i32
        %dma_wait3A_499 = arith.constant 3 : i32
        %dma_wait3A_500 = arith.constant 0 : i32
        %dma_wait3A_501 = arith.constant 0 : i32
        %dma_wait3A_502 = tpu.memref_slice %arg14[%dma_wait3A_499, %dma_wait3A_500, %dma_wait3A_501] : memref<4x128x128xbf16, #tpu.memory_space<vmem>> -> memref<1x128x128xbf16, #tpu.memory_space<vmem>>
        %dma_wait3A_503 = tpu.memref_squeeze %dma_wait3A_502 : memref<1x128x128xbf16, #tpu.memory_space<vmem>> -> memref<128x128xbf16, #tpu.memory_space<vmem>>
        %dma_wait3A_504 = arith.constant 0 : i32
        %dma_wait3A_505 = tpu.memref_slice %arg10[%add3A_498, %dma_wait3A_504] : memref<163840x128xbf16, #tpu.memory_space<hbm>> -> memref<128x128xbf16, #tpu.memory_space<hbm>>
        %dma_wait3A_506 = arith.constant 0 : i32
        %dma_wait3A_507 = tpu.memref_slice %arg10[%add3A_498, %dma_wait3A_506] : memref<163840x128xbf16, #tpu.memory_space<hbm>> -> memref<128x128xbf16, #tpu.memory_space<hbm>>
        %dma_wait3A_508 = arith.constant 0 : i32
        %dma_wait3A_509 = arith.constant 0 : i32
        %dma_wait3A_510 = tpu.memref_slice %arg14[%dma_wait3A_499, %dma_wait3A_508, %dma_wait3A_509] : memref<4x128x128xbf16, #tpu.memory_space<vmem>> -> memref<1x128x128xbf16, #tpu.memory_space<vmem>>
        %dma_wait3A_511 = tpu.memref_squeeze %dma_wait3A_510 : memref<1x128x128xbf16, #tpu.memory_space<vmem>> -> memref<128x128xbf16, #tpu.memory_space<vmem>>
        tpu.wait_dma2 semaphore(%arg18 : memref<!tpu.dma_semaphore, #tpu.memory_space<semaphore_mem>>) src(%dma_wait3A_511 : memref<128x128xbf16, #tpu.memory_space<vmem>>) dst(%dma_wait3A_507 : memref<128x128xbf16, #tpu.memory_space<hbm>>)
        %add3A_512 = arith.constant 4 : i32
        %add3A_513 = arith.addi %add3A_281, %add3A_512 : i32
        %add3A_514 = arith.constant 0 : i32
        %add3A_515 = arith.addi %add3A_513, %add3A_514 : i32
        %dma_start3A_516 = arith.constant 2 : i32
        %dma_start3A_517 = arith.constant 0 : i32
        %dma_start3A_518 = arith.constant 0 : i32
        %dma_start3A_519 = tpu.memref_slice %arg14[%dma_start3A_516, %dma_start3A_517, %dma_start3A_518] : memref<4x128x128xbf16, #tpu.memory_space<vmem>> -> memref<1x128x128xbf16, #tpu.memory_space<vmem>>
        %dma_start3A_520 = tpu.memref_squeeze %dma_start3A_519 : memref<1x128x128xbf16, #tpu.memory_space<vmem>> -> memref<128x128xbf16, #tpu.memory_space<vmem>>
        %dma_start3A_521 = arith.constant 0 : i32
        %dma_start3A_522 = tpu.memref_slice %arg13[%add3A_515, %dma_start3A_521] : memref<40x128xi32, #tpu.memory_space<vmem>> -> memref<1x128xi32, #tpu.memory_space<vmem>>
        %dma_start3A_523 = tpu.memref_squeeze %dma_start3A_522 : memref<1x128xi32, #tpu.memory_space<vmem>> -> memref<128xi32, #tpu.memory_space<vmem>>
        %dma_start3A_524 = arith.constant 0 : i32
        %dma_start3A_525 = arith.constant 0 : i32
        %dma_start3A_526 = tpu.memref_slice %arg4[%dma_start3A_524, %dma_start3A_525] : memref<475x128xbf16, #tpu.memory_space<hbm>> -> memref<475x128xbf16, #tpu.memory_space<hbm>>
        tpu.enqueue_indirect_dma source(%dma_start3A_526 : memref<475x128xbf16, #tpu.memory_space<hbm>>) target(%dma_start3A_520 : memref<128x128xbf16, #tpu.memory_space<vmem>>) offsets(%dma_start3A_523 : memref<128xi32, #tpu.memory_space<vmem>>) semaphore(%arg16 : memref<!tpu.dma_semaphore, #tpu.memory_space<semaphore_mem>>)
        %add3A_527 = arith.constant 1 : i32
        %add3A_528 = arith.addi %add3A_513, %add3A_527 : i32
        %dma_start3A_529 = arith.constant 3 : i32
        %dma_start3A_530 = arith.constant 0 : i32
        %dma_start3A_531 = arith.constant 0 : i32
        %dma_start3A_532 = tpu.memref_slice %arg14[%dma_start3A_529, %dma_start3A_530, %dma_start3A_531] : memref<4x128x128xbf16, #tpu.memory_space<vmem>> -> memref<1x128x128xbf16, #tpu.memory_space<vmem>>
        %dma_start3A_533 = tpu.memref_squeeze %dma_start3A_532 : memref<1x128x128xbf16, #tpu.memory_space<vmem>> -> memref<128x128xbf16, #tpu.memory_space<vmem>>
        %dma_start3A_534 = arith.constant 0 : i32
        %dma_start3A_535 = tpu.memref_slice %arg13[%add3A_528, %dma_start3A_534] : memref<40x128xi32, #tpu.memory_space<vmem>> -> memref<1x128xi32, #tpu.memory_space<vmem>>
        %dma_start3A_536 = tpu.memref_squeeze %dma_start3A_535 : memref<1x128xi32, #tpu.memory_space<vmem>> -> memref<128xi32, #tpu.memory_space<vmem>>
        %dma_start3A_537 = arith.constant 0 : i32
        %dma_start3A_538 = arith.constant 0 : i32
        %dma_start3A_539 = tpu.memref_slice %arg4[%dma_start3A_537, %dma_start3A_538] : memref<475x128xbf16, #tpu.memory_space<hbm>> -> memref<475x128xbf16, #tpu.memory_space<hbm>>
        tpu.enqueue_indirect_dma source(%dma_start3A_539 : memref<475x128xbf16, #tpu.memory_space<hbm>>) target(%dma_start3A_533 : memref<128x128xbf16, #tpu.memory_space<vmem>>) offsets(%dma_start3A_536 : memref<128xi32, #tpu.memory_space<vmem>>) semaphore(%arg16 : memref<!tpu.dma_semaphore, #tpu.memory_space<semaphore_mem>>)
      } else {
      }
      %eq3A = arith.constant 9 : i32
      %eq3A_407 = arith.cmpi eq, %scan3A_276, %eq3A : i32
      %convert_element_type3A_408 = arith.extui %eq3A_407 : i1 to i32
      %cond3A_409 = arith.constant 0 : i32
      %cond3A_410 = arith.cmpi ne, %convert_element_type3A_408, %cond3A_409 : i32
      scf.if %cond3A_410 {
        %add3A_412 = arith.constant 0 : i32
        %add3A_413 = arith.addi %mul3A_279, %add3A_412 : i32
        %mul3A_414 = arith.constant 128 : i32
        %mul3A_415 = arith.muli %add3A_413, %mul3A_414 : i32
        %add3A_416 = arith.addi %mul3A_2, %mul3A_415 : i32
        %dma_wait3A_417 = arith.constant 0 : i32
        %dma_wait3A_418 = arith.constant 0 : i32
        %dma_wait3A_419 = arith.constant 0 : i32
        %dma_wait3A_420 = tpu.memref_slice %arg14[%dma_wait3A_417, %dma_wait3A_418, %dma_wait3A_419] : memref<4x128x128xbf16, #tpu.memory_space<vmem>> -> memref<1x128x128xbf16, #tpu.memory_space<vmem>>
        %dma_wait3A_421 = tpu.memref_squeeze %dma_wait3A_420 : memref<1x128x128xbf16, #tpu.memory_space<vmem>> -> memref<128x128xbf16, #tpu.memory_space<vmem>>
        %dma_wait3A_422 = arith.constant 0 : i32
        %dma_wait3A_423 = tpu.memref_slice %arg10[%add3A_416, %dma_wait3A_422] : memref<163840x128xbf16, #tpu.memory_space<hbm>> -> memref<128x128xbf16, #tpu.memory_space<hbm>>
        %dma_wait3A_424 = arith.constant 0 : i32
        %dma_wait3A_425 = tpu.memref_slice %arg10[%add3A_416, %dma_wait3A_424] : memref<163840x128xbf16, #tpu.memory_space<hbm>> -> memref<128x128xbf16, #tpu.memory_space<hbm>>
        %dma_wait3A_426 = arith.constant 0 : i32
        %dma_wait3A_427 = arith.constant 0 : i32
        %dma_wait3A_428 = tpu.memref_slice %arg14[%dma_wait3A_417, %dma_wait3A_426, %dma_wait3A_427] : memref<4x128x128xbf16, #tpu.memory_space<vmem>> -> memref<1x128x128xbf16, #tpu.memory_space<vmem>>
        %dma_wait3A_429 = tpu.memref_squeeze %dma_wait3A_428 : memref<1x128x128xbf16, #tpu.memory_space<vmem>> -> memref<128x128xbf16, #tpu.memory_space<vmem>>
        tpu.wait_dma2 semaphore(%arg17 : memref<!tpu.dma_semaphore, #tpu.memory_space<semaphore_mem>>) src(%dma_wait3A_429 : memref<128x128xbf16, #tpu.memory_space<vmem>>) dst(%dma_wait3A_425 : memref<128x128xbf16, #tpu.memory_space<hbm>>)
        %add3A_430 = arith.constant 1 : i32
        %add3A_431 = arith.addi %mul3A_279, %add3A_430 : i32
        %mul3A_432 = arith.constant 128 : i32
        %mul3A_433 = arith.muli %add3A_431, %mul3A_432 : i32
        %add3A_434 = arith.addi %mul3A_2, %mul3A_433 : i32
        %dma_wait3A_435 = arith.constant 1 : i32
        %dma_wait3A_436 = arith.constant 0 : i32
        %dma_wait3A_437 = arith.constant 0 : i32
        %dma_wait3A_438 = tpu.memref_slice %arg14[%dma_wait3A_435, %dma_wait3A_436, %dma_wait3A_437] : memref<4x128x128xbf16, #tpu.memory_space<vmem>> -> memref<1x128x128xbf16, #tpu.memory_space<vmem>>
        %dma_wait3A_439 = tpu.memref_squeeze %dma_wait3A_438 : memref<1x128x128xbf16, #tpu.memory_space<vmem>> -> memref<128x128xbf16, #tpu.memory_space<vmem>>
        %dma_wait3A_440 = arith.constant 0 : i32
        %dma_wait3A_441 = tpu.memref_slice %arg10[%add3A_434, %dma_wait3A_440] : memref<163840x128xbf16, #tpu.memory_space<hbm>> -> memref<128x128xbf16, #tpu.memory_space<hbm>>
        %dma_wait3A_442 = arith.constant 0 : i32
        %dma_wait3A_443 = tpu.memref_slice %arg10[%add3A_434, %dma_wait3A_442] : memref<163840x128xbf16, #tpu.memory_space<hbm>> -> memref<128x128xbf16, #tpu.memory_space<hbm>>
        %dma_wait3A_444 = arith.constant 0 : i32
        %dma_wait3A_445 = arith.constant 0 : i32
        %dma_wait3A_446 = tpu.memref_slice %arg14[%dma_wait3A_435, %dma_wait3A_444, %dma_wait3A_445] : memref<4x128x128xbf16, #tpu.memory_space<vmem>> -> memref<1x128x128xbf16, #tpu.memory_space<vmem>>
        %dma_wait3A_447 = tpu.memref_squeeze %dma_wait3A_446 : memref<1x128x128xbf16, #tpu.memory_space<vmem>> -> memref<128x128xbf16, #tpu.memory_space<vmem>>
        tpu.wait_dma2 semaphore(%arg17 : memref<!tpu.dma_semaphore, #tpu.memory_space<semaphore_mem>>) src(%dma_wait3A_447 : memref<128x128xbf16, #tpu.memory_space<vmem>>) dst(%dma_wait3A_443 : memref<128x128xbf16, #tpu.memory_space<hbm>>)
        %add3A_448 = arith.constant 0 : i32
        %add3A_449 = arith.addi %add3A_281, %add3A_448 : i32
        %mul3A_450 = arith.constant 128 : i32
        %mul3A_451 = arith.muli %add3A_449, %mul3A_450 : i32
        %add3A_452 = arith.addi %mul3A_2, %mul3A_451 : i32
        %dma_wait3A_453 = arith.constant 2 : i32
        %dma_wait3A_454 = arith.constant 0 : i32
        %dma_wait3A_455 = arith.constant 0 : i32
        %dma_wait3A_456 = tpu.memref_slice %arg14[%dma_wait3A_453, %dma_wait3A_454, %dma_wait3A_455] : memref<4x128x128xbf16, #tpu.memory_space<vmem>> -> memref<1x128x128xbf16, #tpu.memory_space<vmem>>
        %dma_wait3A_457 = tpu.memref_squeeze %dma_wait3A_456 : memref<1x128x128xbf16, #tpu.memory_space<vmem>> -> memref<128x128xbf16, #tpu.memory_space<vmem>>
        %dma_wait3A_458 = arith.constant 0 : i32
        %dma_wait3A_459 = tpu.memref_slice %arg10[%add3A_452, %dma_wait3A_458] : memref<163840x128xbf16, #tpu.memory_space<hbm>> -> memref<128x128xbf16, #tpu.memory_space<hbm>>
        %dma_wait3A_460 = arith.constant 0 : i32
        %dma_wait3A_461 = tpu.memref_slice %arg10[%add3A_452, %dma_wait3A_460] : memref<163840x128xbf16, #tpu.memory_space<hbm>> -> memref<128x128xbf16, #tpu.memory_space<hbm>>
        %dma_wait3A_462 = arith.constant 0 : i32
        %dma_wait3A_463 = arith.constant 0 : i32
        %dma_wait3A_464 = tpu.memref_slice %arg14[%dma_wait3A_453, %dma_wait3A_462, %dma_wait3A_463] : memref<4x128x128xbf16, #tpu.memory_space<vmem>> -> memref<1x128x128xbf16, #tpu.memory_space<vmem>>
        %dma_wait3A_465 = tpu.memref_squeeze %dma_wait3A_464 : memref<1x128x128xbf16, #tpu.memory_space<vmem>> -> memref<128x128xbf16, #tpu.memory_space<vmem>>
        tpu.wait_dma2 semaphore(%arg18 : memref<!tpu.dma_semaphore, #tpu.memory_space<semaphore_mem>>) src(%dma_wait3A_465 : memref<128x128xbf16, #tpu.memory_space<vmem>>) dst(%dma_wait3A_461 : memref<128x128xbf16, #tpu.memory_space<hbm>>)
        %add3A_466 = arith.constant 1 : i32
        %add3A_467 = arith.addi %add3A_281, %add3A_466 : i32
        %mul3A_468 = arith.constant 128 : i32
        %mul3A_469 = arith.muli %add3A_467, %mul3A_468 : i32
        %add3A_470 = arith.addi %mul3A_2, %mul3A_469 : i32
        %dma_wait3A_471 = arith.constant 3 : i32
        %dma_wait3A_472 = arith.constant 0 : i32
        %dma_wait3A_473 = arith.constant 0 : i32
        %dma_wait3A_474 = tpu.memref_slice %arg14[%dma_wait3A_471, %dma_wait3A_472, %dma_wait3A_473] : memref<4x128x128xbf16, #tpu.memory_space<vmem>> -> memref<1x128x128xbf16, #tpu.memory_space<vmem>>
        %dma_wait3A_475 = tpu.memref_squeeze %dma_wait3A_474 : memref<1x128x128xbf16, #tpu.memory_space<vmem>> -> memref<128x128xbf16, #tpu.memory_space<vmem>>
        %dma_wait3A_476 = arith.constant 0 : i32
        %dma_wait3A_477 = tpu.memref_slice %arg10[%add3A_470, %dma_wait3A_476] : memref<163840x128xbf16, #tpu.memory_space<hbm>> -> memref<128x128xbf16, #tpu.memory_space<hbm>>
        %dma_wait3A_478 = arith.constant 0 : i32
        %dma_wait3A_479 = tpu.memref_slice %arg10[%add3A_470, %dma_wait3A_478] : memref<163840x128xbf16, #tpu.memory_space<hbm>> -> memref<128x128xbf16, #tpu.memory_space<hbm>>
        %dma_wait3A_480 = arith.constant 0 : i32
        %dma_wait3A_481 = arith.constant 0 : i32
        %dma_wait3A_482 = tpu.memref_slice %arg14[%dma_wait3A_471, %dma_wait3A_480, %dma_wait3A_481] : memref<4x128x128xbf16, #tpu.memory_space<vmem>> -> memref<1x128x128xbf16, #tpu.memory_space<vmem>>
        %dma_wait3A_483 = tpu.memref_squeeze %dma_wait3A_482 : memref<1x128x128xbf16, #tpu.memory_space<vmem>> -> memref<128x128xbf16, #tpu.memory_space<vmem>>
        tpu.wait_dma2 semaphore(%arg18 : memref<!tpu.dma_semaphore, #tpu.memory_space<semaphore_mem>>) src(%dma_wait3A_483 : memref<128x128xbf16, #tpu.memory_space<vmem>>) dst(%dma_wait3A_479 : memref<128x128xbf16, #tpu.memory_space<hbm>>)
      } else {
      }
      %scan3A_411 = arith.constant 0 : i32
      scf.yield %scan3A_411 : i32
    }
    %scan3A_165 = arith.constant 10 : i32
    %dma_start3A_166 = arith.constant 0 : i32
    %dma_start3A_167 = arith.constant 0 : i32
    %dma_start3A_168 = arith.constant 0 : i32
    %dma_start3A_169 = arith.constant 0 : i32
    %dma_start3A_170 = tpu.memref_slice %arg14[%dma_start3A_167, %dma_start3A_168, %dma_start3A_169] : memref<4x128x128xbf16, #tpu.memory_space<vmem>> -> memref<1x128x128xbf16, #tpu.memory_space<vmem>>
    %dma_start3A_171 = tpu.memref_squeeze %dma_start3A_170 : memref<1x128x128xbf16, #tpu.memory_space<vmem>> -> memref<128x128xbf16, #tpu.memory_space<vmem>>
    %dma_start3A_172 = arith.constant 0 : i32
    %dma_start3A_173 = tpu.memref_slice %arg13[%dma_start3A_166, %dma_start3A_172] : memref<40x128xi32, #tpu.memory_space<vmem>> -> memref<1x128xi32, #tpu.memory_space<vmem>>
    %dma_start3A_174 = tpu.memref_squeeze %dma_start3A_173 : memref<1x128xi32, #tpu.memory_space<vmem>> -> memref<128xi32, #tpu.memory_space<vmem>>
    %dma_start3A_175 = arith.constant 0 : i32
    %dma_start3A_176 = arith.constant 0 : i32
    %dma_start3A_177 = tpu.memref_slice %arg5[%dma_start3A_175, %dma_start3A_176] : memref<475x128xbf16, #tpu.memory_space<hbm>> -> memref<475x128xbf16, #tpu.memory_space<hbm>>
    tpu.enqueue_indirect_dma source(%dma_start3A_177 : memref<475x128xbf16, #tpu.memory_space<hbm>>) target(%dma_start3A_171 : memref<128x128xbf16, #tpu.memory_space<vmem>>) offsets(%dma_start3A_174 : memref<128xi32, #tpu.memory_space<vmem>>) semaphore(%arg15 : memref<!tpu.dma_semaphore, #tpu.memory_space<semaphore_mem>>)
    %dma_start3A_178 = arith.constant 1 : i32
    %dma_start3A_179 = arith.constant 1 : i32
    %dma_start3A_180 = arith.constant 0 : i32
    %dma_start3A_181 = arith.constant 0 : i32
    %dma_start3A_182 = tpu.memref_slice %arg14[%dma_start3A_179, %dma_start3A_180, %dma_start3A_181] : memref<4x128x128xbf16, #tpu.memory_space<vmem>> -> memref<1x128x128xbf16, #tpu.memory_space<vmem>>
    %dma_start3A_183 = tpu.memref_squeeze %dma_start3A_182 : memref<1x128x128xbf16, #tpu.memory_space<vmem>> -> memref<128x128xbf16, #tpu.memory_space<vmem>>
    %dma_start3A_184 = arith.constant 0 : i32
    %dma_start3A_185 = tpu.memref_slice %arg13[%dma_start3A_178, %dma_start3A_184] : memref<40x128xi32, #tpu.memory_space<vmem>> -> memref<1x128xi32, #tpu.memory_space<vmem>>
    %dma_start3A_186 = tpu.memref_squeeze %dma_start3A_185 : memref<1x128xi32, #tpu.memory_space<vmem>> -> memref<128xi32, #tpu.memory_space<vmem>>
    %dma_start3A_187 = arith.constant 0 : i32
    %dma_start3A_188 = arith.constant 0 : i32
    %dma_start3A_189 = tpu.memref_slice %arg5[%dma_start3A_187, %dma_start3A_188] : memref<475x128xbf16, #tpu.memory_space<hbm>> -> memref<475x128xbf16, #tpu.memory_space<hbm>>
    tpu.enqueue_indirect_dma source(%dma_start3A_189 : memref<475x128xbf16, #tpu.memory_space<hbm>>) target(%dma_start3A_183 : memref<128x128xbf16, #tpu.memory_space<vmem>>) offsets(%dma_start3A_186 : memref<128xi32, #tpu.memory_space<vmem>>) semaphore(%arg15 : memref<!tpu.dma_semaphore, #tpu.memory_space<semaphore_mem>>)
    %dma_start3A_190 = arith.constant 2 : i32
    %dma_start3A_191 = arith.constant 2 : i32
    %dma_start3A_192 = arith.constant 0 : i32
    %dma_start3A_193 = arith.constant 0 : i32
    %dma_start3A_194 = tpu.memref_slice %arg14[%dma_start3A_191, %dma_start3A_192, %dma_start3A_193] : memref<4x128x128xbf16, #tpu.memory_space<vmem>> -> memref<1x128x128xbf16, #tpu.memory_space<vmem>>
    %dma_start3A_195 = tpu.memref_squeeze %dma_start3A_194 : memref<1x128x128xbf16, #tpu.memory_space<vmem>> -> memref<128x128xbf16, #tpu.memory_space<vmem>>
    %dma_start3A_196 = arith.constant 0 : i32
    %dma_start3A_197 = tpu.memref_slice %arg13[%dma_start3A_190, %dma_start3A_196] : memref<40x128xi32, #tpu.memory_space<vmem>> -> memref<1x128xi32, #tpu.memory_space<vmem>>
    %dma_start3A_198 = tpu.memref_squeeze %dma_start3A_197 : memref<1x128xi32, #tpu.memory_space<vmem>> -> memref<128xi32, #tpu.memory_space<vmem>>
    %dma_start3A_199 = arith.constant 0 : i32
    %dma_start3A_200 = arith.constant 0 : i32
    %dma_start3A_201 = tpu.memref_slice %arg5[%dma_start3A_199, %dma_start3A_200] : memref<475x128xbf16, #tpu.memory_space<hbm>> -> memref<475x128xbf16, #tpu.memory_space<hbm>>
    tpu.enqueue_indirect_dma source(%dma_start3A_201 : memref<475x128xbf16, #tpu.memory_space<hbm>>) target(%dma_start3A_195 : memref<128x128xbf16, #tpu.memory_space<vmem>>) offsets(%dma_start3A_198 : memref<128xi32, #tpu.memory_space<vmem>>) semaphore(%arg16 : memref<!tpu.dma_semaphore, #tpu.memory_space<semaphore_mem>>)
    %dma_start3A_202 = arith.constant 3 : i32
    %dma_start3A_203 = arith.constant 3 : i32
    %dma_start3A_204 = arith.constant 0 : i32
    %dma_start3A_205 = arith.constant 0 : i32
    %dma_start3A_206 = tpu.memref_slice %arg14[%dma_start3A_203, %dma_start3A_204, %dma_start3A_205] : memref<4x128x128xbf16, #tpu.memory_space<vmem>> -> memref<1x128x128xbf16, #tpu.memory_space<vmem>>
    %dma_start3A_207 = tpu.memref_squeeze %dma_start3A_206 : memref<1x128x128xbf16, #tpu.memory_space<vmem>> -> memref<128x128xbf16, #tpu.memory_space<vmem>>
    %dma_start3A_208 = arith.constant 0 : i32
    %dma_start3A_209 = tpu.memref_slice %arg13[%dma_start3A_202, %dma_start3A_208] : memref<40x128xi32, #tpu.memory_space<vmem>> -> memref<1x128xi32, #tpu.memory_space<vmem>>
    %dma_start3A_210 = tpu.memref_squeeze %dma_start3A_209 : memref<1x128xi32, #tpu.memory_space<vmem>> -> memref<128xi32, #tpu.memory_space<vmem>>
    %dma_start3A_211 = arith.constant 0 : i32
    %dma_start3A_212 = arith.constant 0 : i32
    %dma_start3A_213 = tpu.memref_slice %arg5[%dma_start3A_211, %dma_start3A_212] : memref<475x128xbf16, #tpu.memory_space<hbm>> -> memref<475x128xbf16, #tpu.memory_space<hbm>>
    tpu.enqueue_indirect_dma source(%dma_start3A_213 : memref<475x128xbf16, #tpu.memory_space<hbm>>) target(%dma_start3A_207 : memref<128x128xbf16, #tpu.memory_space<vmem>>) offsets(%dma_start3A_210 : memref<128xi32, #tpu.memory_space<vmem>>) semaphore(%arg16 : memref<!tpu.dma_semaphore, #tpu.memory_space<semaphore_mem>>)
    %scan3A_214 = arith.constant 0 : i32
    %scan3A_215 = arith.constant 0 : i32
    %scan3A_216 = arith.constant 10 : i32
    %scan3A_217 = arith.addi %scan3A_215, %scan3A_216 : i32
    %scan3A_218 = arith.constant 1 : i32
    %scan3A_219 = scf.for %scan3A_276 = %scan3A_215 to %scan3A_217 step %scan3A_218 iter_args(%scan3A_277 = %scan3A_214) -> (i32)  : i32 {
      %mul3A_278 = arith.constant 4 : i32
      %mul3A_279 = arith.muli %mul3A_278, %scan3A_276 : i32
      %add3A_280 = arith.constant 2 : i32
      %add3A_281 = arith.addi %mul3A_279, %add3A_280 : i32
      %add3A_282 = arith.constant 0 : i32
      %add3A_283 = arith.addi %mul3A_279, %add3A_282 : i32
      %dma_wait3A = arith.constant 0 : i32
      %dma_wait3A_284 = arith.constant 0 : i32
      %dma_wait3A_285 = arith.constant 0 : i32
      %dma_wait3A_286 = tpu.memref_slice %arg14[%dma_wait3A, %dma_wait3A_284, %dma_wait3A_285] : memref<4x128x128xbf16, #tpu.memory_space<vmem>> -> memref<1x128x128xbf16, #tpu.memory_space<vmem>>
      %dma_wait3A_287 = tpu.memref_squeeze %dma_wait3A_286 : memref<1x128x128xbf16, #tpu.memory_space<vmem>> -> memref<128x128xbf16, #tpu.memory_space<vmem>>
      %dma_wait3A_288 = arith.constant 0 : i32
      %dma_wait3A_289 = tpu.memref_slice %arg13[%add3A_283, %dma_wait3A_288] : memref<40x128xi32, #tpu.memory_space<vmem>> -> memref<1x128xi32, #tpu.memory_space<vmem>>
      %dma_wait3A_290 = tpu.memref_squeeze %dma_wait3A_289 : memref<1x128xi32, #tpu.memory_space<vmem>> -> memref<128xi32, #tpu.memory_space<vmem>>
      %dma_wait3A_291 = arith.constant 0 : i32
      %dma_wait3A_292 = arith.constant 0 : i32
      %dma_wait3A_293 = tpu.memref_slice %arg5[%dma_wait3A_291, %dma_wait3A_292] : memref<475x128xbf16, #tpu.memory_space<hbm>> -> memref<475x128xbf16, #tpu.memory_space<hbm>>
      tpu.wait_indirect_dma semaphore(%arg15 : memref<!tpu.dma_semaphore, #tpu.memory_space<semaphore_mem>>) src(%dma_wait3A_293 : memref<475x128xbf16, #tpu.memory_space<hbm>>) dst(%dma_wait3A_287 : memref<128x128xbf16, #tpu.memory_space<vmem>>)
      %add3A_294 = arith.constant 1 : i32
      %add3A_295 = arith.addi %mul3A_279, %add3A_294 : i32
      %dma_wait3A_296 = arith.constant 1 : i32
      %dma_wait3A_297 = arith.constant 0 : i32
      %dma_wait3A_298 = arith.constant 0 : i32
      %dma_wait3A_299 = tpu.memref_slice %arg14[%dma_wait3A_296, %dma_wait3A_297, %dma_wait3A_298] : memref<4x128x128xbf16, #tpu.memory_space<vmem>> -> memref<1x128x128xbf16, #tpu.memory_space<vmem>>
      %dma_wait3A_300 = tpu.memref_squeeze %dma_wait3A_299 : memref<1x128x128xbf16, #tpu.memory_space<vmem>> -> memref<128x128xbf16, #tpu.memory_space<vmem>>
      %dma_wait3A_301 = arith.constant 0 : i32
      %dma_wait3A_302 = tpu.memref_slice %arg13[%add3A_295, %dma_wait3A_301] : memref<40x128xi32, #tpu.memory_space<vmem>> -> memref<1x128xi32, #tpu.memory_space<vmem>>
      %dma_wait3A_303 = tpu.memref_squeeze %dma_wait3A_302 : memref<1x128xi32, #tpu.memory_space<vmem>> -> memref<128xi32, #tpu.memory_space<vmem>>
      %dma_wait3A_304 = arith.constant 0 : i32
      %dma_wait3A_305 = arith.constant 0 : i32
      %dma_wait3A_306 = tpu.memref_slice %arg5[%dma_wait3A_304, %dma_wait3A_305] : memref<475x128xbf16, #tpu.memory_space<hbm>> -> memref<475x128xbf16, #tpu.memory_space<hbm>>
      tpu.wait_indirect_dma semaphore(%arg15 : memref<!tpu.dma_semaphore, #tpu.memory_space<semaphore_mem>>) src(%dma_wait3A_306 : memref<475x128xbf16, #tpu.memory_space<hbm>>) dst(%dma_wait3A_300 : memref<128x128xbf16, #tpu.memory_space<vmem>>)
      %add3A_307 = arith.constant 0 : i32
      %add3A_308 = arith.addi %mul3A_279, %add3A_307 : i32
      %mul3A_309 = arith.constant 128 : i32
      %mul3A_310 = arith.muli %add3A_308, %mul3A_309 : i32
      %add3A_311 = arith.addi %mul3A_2, %mul3A_310 : i32
      %dma_start3A_312 = arith.constant 0 : i32
      %dma_start3A_313 = arith.constant 0 : i32
      %dma_start3A_314 = arith.constant 0 : i32
      %dma_start3A_315 = tpu.memref_slice %arg14[%dma_start3A_312, %dma_start3A_313, %dma_start3A_314] : memref<4x128x128xbf16, #tpu.memory_space<vmem>> -> memref<1x128x128xbf16, #tpu.memory_space<vmem>>
      %dma_start3A_316 = tpu.memref_squeeze %dma_start3A_315 : memref<1x128x128xbf16, #tpu.memory_space<vmem>> -> memref<128x128xbf16, #tpu.memory_space<vmem>>
      %dma_start3A_317 = arith.constant 0 : i32
      %dma_start3A_318 = tpu.memref_slice %arg11[%add3A_311, %dma_start3A_317] : memref<163840x128xbf16, #tpu.memory_space<hbm>> -> memref<128x128xbf16, #tpu.memory_space<hbm>>
      %dma_start3A_319 = arith.constant 0 : i32
      %dma_start3A_320 = tpu.memref_slice %arg11[%add3A_311, %dma_start3A_319] : memref<163840x128xbf16, #tpu.memory_space<hbm>> -> memref<128x128xbf16, #tpu.memory_space<hbm>>
      %dma_start3A_321 = arith.constant 0 : i32
      %dma_start3A_322 = arith.constant 0 : i32
      %dma_start3A_323 = tpu.memref_slice %arg14[%dma_start3A_312, %dma_start3A_321, %dma_start3A_322] : memref<4x128x128xbf16, #tpu.memory_space<vmem>> -> memref<1x128x128xbf16, #tpu.memory_space<vmem>>
      %dma_start3A_324 = tpu.memref_squeeze %dma_start3A_323 : memref<1x128x128xbf16, #tpu.memory_space<vmem>> -> memref<128x128xbf16, #tpu.memory_space<vmem>>
      tpu.enqueue_dma source(%dma_start3A_324 : memref<128x128xbf16, #tpu.memory_space<vmem>>) target(%dma_start3A_320 : memref<128x128xbf16, #tpu.memory_space<hbm>>) target_semaphore(%arg17 : memref<!tpu.dma_semaphore, #tpu.memory_space<semaphore_mem>>)
      %add3A_325 = arith.constant 1 : i32
      %add3A_326 = arith.addi %mul3A_279, %add3A_325 : i32
      %mul3A_327 = arith.constant 128 : i32
      %mul3A_328 = arith.muli %add3A_326, %mul3A_327 : i32
      %add3A_329 = arith.addi %mul3A_2, %mul3A_328 : i32
      %dma_start3A_330 = arith.constant 1 : i32
      %dma_start3A_331 = arith.constant 0 : i32
      %dma_start3A_332 = arith.constant 0 : i32
      %dma_start3A_333 = tpu.memref_slice %arg14[%dma_start3A_330, %dma_start3A_331, %dma_start3A_332] : memref<4x128x128xbf16, #tpu.memory_space<vmem>> -> memref<1x128x128xbf16, #tpu.memory_space<vmem>>
      %dma_start3A_334 = tpu.memref_squeeze %dma_start3A_333 : memref<1x128x128xbf16, #tpu.memory_space<vmem>> -> memref<128x128xbf16, #tpu.memory_space<vmem>>
      %dma_start3A_335 = arith.constant 0 : i32
      %dma_start3A_336 = tpu.memref_slice %arg11[%add3A_329, %dma_start3A_335] : memref<163840x128xbf16, #tpu.memory_space<hbm>> -> memref<128x128xbf16, #tpu.memory_space<hbm>>
      %dma_start3A_337 = arith.constant 0 : i32
      %dma_start3A_338 = tpu.memref_slice %arg11[%add3A_329, %dma_start3A_337] : memref<163840x128xbf16, #tpu.memory_space<hbm>> -> memref<128x128xbf16, #tpu.memory_space<hbm>>
      %dma_start3A_339 = arith.constant 0 : i32
      %dma_start3A_340 = arith.constant 0 : i32
      %dma_start3A_341 = tpu.memref_slice %arg14[%dma_start3A_330, %dma_start3A_339, %dma_start3A_340] : memref<4x128x128xbf16, #tpu.memory_space<vmem>> -> memref<1x128x128xbf16, #tpu.memory_space<vmem>>
      %dma_start3A_342 = tpu.memref_squeeze %dma_start3A_341 : memref<1x128x128xbf16, #tpu.memory_space<vmem>> -> memref<128x128xbf16, #tpu.memory_space<vmem>>
      tpu.enqueue_dma source(%dma_start3A_342 : memref<128x128xbf16, #tpu.memory_space<vmem>>) target(%dma_start3A_338 : memref<128x128xbf16, #tpu.memory_space<hbm>>) target_semaphore(%arg17 : memref<!tpu.dma_semaphore, #tpu.memory_space<semaphore_mem>>)
      %add3A_343 = arith.constant 0 : i32
      %add3A_344 = arith.addi %add3A_281, %add3A_343 : i32
      %dma_wait3A_345 = arith.constant 2 : i32
      %dma_wait3A_346 = arith.constant 0 : i32
      %dma_wait3A_347 = arith.constant 0 : i32
      %dma_wait3A_348 = tpu.memref_slice %arg14[%dma_wait3A_345, %dma_wait3A_346, %dma_wait3A_347] : memref<4x128x128xbf16, #tpu.memory_space<vmem>> -> memref<1x128x128xbf16, #tpu.memory_space<vmem>>
      %dma_wait3A_349 = tpu.memref_squeeze %dma_wait3A_348 : memref<1x128x128xbf16, #tpu.memory_space<vmem>> -> memref<128x128xbf16, #tpu.memory_space<vmem>>
      %dma_wait3A_350 = arith.constant 0 : i32
      %dma_wait3A_351 = tpu.memref_slice %arg13[%add3A_344, %dma_wait3A_350] : memref<40x128xi32, #tpu.memory_space<vmem>> -> memref<1x128xi32, #tpu.memory_space<vmem>>
      %dma_wait3A_352 = tpu.memref_squeeze %dma_wait3A_351 : memref<1x128xi32, #tpu.memory_space<vmem>> -> memref<128xi32, #tpu.memory_space<vmem>>
      %dma_wait3A_353 = arith.constant 0 : i32
      %dma_wait3A_354 = arith.constant 0 : i32
      %dma_wait3A_355 = tpu.memref_slice %arg5[%dma_wait3A_353, %dma_wait3A_354] : memref<475x128xbf16, #tpu.memory_space<hbm>> -> memref<475x128xbf16, #tpu.memory_space<hbm>>
      tpu.wait_indirect_dma semaphore(%arg16 : memref<!tpu.dma_semaphore, #tpu.memory_space<semaphore_mem>>) src(%dma_wait3A_355 : memref<475x128xbf16, #tpu.memory_space<hbm>>) dst(%dma_wait3A_349 : memref<128x128xbf16, #tpu.memory_space<vmem>>)
      %add3A_356 = arith.constant 1 : i32
      %add3A_357 = arith.addi %add3A_281, %add3A_356 : i32
      %dma_wait3A_358 = arith.constant 3 : i32
      %dma_wait3A_359 = arith.constant 0 : i32
      %dma_wait3A_360 = arith.constant 0 : i32
      %dma_wait3A_361 = tpu.memref_slice %arg14[%dma_wait3A_358, %dma_wait3A_359, %dma_wait3A_360] : memref<4x128x128xbf16, #tpu.memory_space<vmem>> -> memref<1x128x128xbf16, #tpu.memory_space<vmem>>
      %dma_wait3A_362 = tpu.memref_squeeze %dma_wait3A_361 : memref<1x128x128xbf16, #tpu.memory_space<vmem>> -> memref<128x128xbf16, #tpu.memory_space<vmem>>
      %dma_wait3A_363 = arith.constant 0 : i32
      %dma_wait3A_364 = tpu.memref_slice %arg13[%add3A_357, %dma_wait3A_363] : memref<40x128xi32, #tpu.memory_space<vmem>> -> memref<1x128xi32, #tpu.memory_space<vmem>>
      %dma_wait3A_365 = tpu.memref_squeeze %dma_wait3A_364 : memref<1x128xi32, #tpu.memory_space<vmem>> -> memref<128xi32, #tpu.memory_space<vmem>>
      %dma_wait3A_366 = arith.constant 0 : i32
      %dma_wait3A_367 = arith.constant 0 : i32
      %dma_wait3A_368 = tpu.memref_slice %arg5[%dma_wait3A_366, %dma_wait3A_367] : memref<475x128xbf16, #tpu.memory_space<hbm>> -> memref<475x128xbf16, #tpu.memory_space<hbm>>
      tpu.wait_indirect_dma semaphore(%arg16 : memref<!tpu.dma_semaphore, #tpu.memory_space<semaphore_mem>>) src(%dma_wait3A_368 : memref<475x128xbf16, #tpu.memory_space<hbm>>) dst(%dma_wait3A_362 : memref<128x128xbf16, #tpu.memory_space<vmem>>)
      %add3A_369 = arith.constant 0 : i32
      %add3A_370 = arith.addi %add3A_281, %add3A_369 : i32
      %mul3A_371 = arith.constant 128 : i32
      %mul3A_372 = arith.muli %add3A_370, %mul3A_371 : i32
      %add3A_373 = arith.addi %mul3A_2, %mul3A_372 : i32
      %dma_start3A_374 = arith.constant 2 : i32
      %dma_start3A_375 = arith.constant 0 : i32
      %dma_start3A_376 = arith.constant 0 : i32
      %dma_start3A_377 = tpu.memref_slice %arg14[%dma_start3A_374, %dma_start3A_375, %dma_start3A_376] : memref<4x128x128xbf16, #tpu.memory_space<vmem>> -> memref<1x128x128xbf16, #tpu.memory_space<vmem>>
      %dma_start3A_378 = tpu.memref_squeeze %dma_start3A_377 : memref<1x128x128xbf16, #tpu.memory_space<vmem>> -> memref<128x128xbf16, #tpu.memory_space<vmem>>
      %dma_start3A_379 = arith.constant 0 : i32
      %dma_start3A_380 = tpu.memref_slice %arg11[%add3A_373, %dma_start3A_379] : memref<163840x128xbf16, #tpu.memory_space<hbm>> -> memref<128x128xbf16, #tpu.memory_space<hbm>>
      %dma_start3A_381 = arith.constant 0 : i32
      %dma_start3A_382 = tpu.memref_slice %arg11[%add3A_373, %dma_start3A_381] : memref<163840x128xbf16, #tpu.memory_space<hbm>> -> memref<128x128xbf16, #tpu.memory_space<hbm>>
      %dma_start3A_383 = arith.constant 0 : i32
      %dma_start3A_384 = arith.constant 0 : i32
      %dma_start3A_385 = tpu.memref_slice %arg14[%dma_start3A_374, %dma_start3A_383, %dma_start3A_384] : memref<4x128x128xbf16, #tpu.memory_space<vmem>> -> memref<1x128x128xbf16, #tpu.memory_space<vmem>>
      %dma_start3A_386 = tpu.memref_squeeze %dma_start3A_385 : memref<1x128x128xbf16, #tpu.memory_space<vmem>> -> memref<128x128xbf16, #tpu.memory_space<vmem>>
      tpu.enqueue_dma source(%dma_start3A_386 : memref<128x128xbf16, #tpu.memory_space<vmem>>) target(%dma_start3A_382 : memref<128x128xbf16, #tpu.memory_space<hbm>>) target_semaphore(%arg18 : memref<!tpu.dma_semaphore, #tpu.memory_space<semaphore_mem>>)
      %add3A_387 = arith.constant 1 : i32
      %add3A_388 = arith.addi %add3A_281, %add3A_387 : i32
      %mul3A_389 = arith.constant 128 : i32
      %mul3A_390 = arith.muli %add3A_388, %mul3A_389 : i32
      %add3A_391 = arith.addi %mul3A_2, %mul3A_390 : i32
      %dma_start3A_392 = arith.constant 3 : i32
      %dma_start3A_393 = arith.constant 0 : i32
      %dma_start3A_394 = arith.constant 0 : i32
      %dma_start3A_395 = tpu.memref_slice %arg14[%dma_start3A_392, %dma_start3A_393, %dma_start3A_394] : memref<4x128x128xbf16, #tpu.memory_space<vmem>> -> memref<1x128x128xbf16, #tpu.memory_space<vmem>>
      %dma_start3A_396 = tpu.memref_squeeze %dma_start3A_395 : memref<1x128x128xbf16, #tpu.memory_space<vmem>> -> memref<128x128xbf16, #tpu.memory_space<vmem>>
      %dma_start3A_397 = arith.constant 0 : i32
      %dma_start3A_398 = tpu.memref_slice %arg11[%add3A_391, %dma_start3A_397] : memref<163840x128xbf16, #tpu.memory_space<hbm>> -> memref<128x128xbf16, #tpu.memory_space<hbm>>
      %dma_start3A_399 = arith.constant 0 : i32
      %dma_start3A_400 = tpu.memref_slice %arg11[%add3A_391, %dma_start3A_399] : memref<163840x128xbf16, #tpu.memory_space<hbm>> -> memref<128x128xbf16, #tpu.memory_space<hbm>>
      %dma_start3A_401 = arith.constant 0 : i32
      %dma_start3A_402 = arith.constant 0 : i32
      %dma_start3A_403 = tpu.memref_slice %arg14[%dma_start3A_392, %dma_start3A_401, %dma_start3A_402] : memref<4x128x128xbf16, #tpu.memory_space<vmem>> -> memref<1x128x128xbf16, #tpu.memory_space<vmem>>
      %dma_start3A_404 = tpu.memref_squeeze %dma_start3A_403 : memref<1x128x128xbf16, #tpu.memory_space<vmem>> -> memref<128x128xbf16, #tpu.memory_space<vmem>>
      tpu.enqueue_dma source(%dma_start3A_404 : memref<128x128xbf16, #tpu.memory_space<vmem>>) target(%dma_start3A_400 : memref<128x128xbf16, #tpu.memory_space<hbm>>) target_semaphore(%arg18 : memref<!tpu.dma_semaphore, #tpu.memory_space<semaphore_mem>>)
      %lt3A = arith.constant 9 : i32
      %lt3A_405 = arith.cmpi slt, %scan3A_276, %lt3A : i32
      %convert_element_type3A = arith.extui %lt3A_405 : i1 to i32
      %cond3A = arith.constant 0 : i32
      %cond3A_406 = arith.cmpi ne, %convert_element_type3A, %cond3A : i32
      scf.if %cond3A_406 {
        %add3A_412 = arith.constant 0 : i32
        %add3A_413 = arith.addi %mul3A_279, %add3A_412 : i32
        %mul3A_414 = arith.constant 128 : i32
        %mul3A_415 = arith.muli %add3A_413, %mul3A_414 : i32
        %add3A_416 = arith.addi %mul3A_2, %mul3A_415 : i32
        %dma_wait3A_417 = arith.constant 0 : i32
        %dma_wait3A_418 = arith.constant 0 : i32
        %dma_wait3A_419 = arith.constant 0 : i32
        %dma_wait3A_420 = tpu.memref_slice %arg14[%dma_wait3A_417, %dma_wait3A_418, %dma_wait3A_419] : memref<4x128x128xbf16, #tpu.memory_space<vmem>> -> memref<1x128x128xbf16, #tpu.memory_space<vmem>>
        %dma_wait3A_421 = tpu.memref_squeeze %dma_wait3A_420 : memref<1x128x128xbf16, #tpu.memory_space<vmem>> -> memref<128x128xbf16, #tpu.memory_space<vmem>>
        %dma_wait3A_422 = arith.constant 0 : i32
        %dma_wait3A_423 = tpu.memref_slice %arg11[%add3A_416, %dma_wait3A_422] : memref<163840x128xbf16, #tpu.memory_space<hbm>> -> memref<128x128xbf16, #tpu.memory_space<hbm>>
        %dma_wait3A_424 = arith.constant 0 : i32
        %dma_wait3A_425 = tpu.memref_slice %arg11[%add3A_416, %dma_wait3A_424] : memref<163840x128xbf16, #tpu.memory_space<hbm>> -> memref<128x128xbf16, #tpu.memory_space<hbm>>
        %dma_wait3A_426 = arith.constant 0 : i32
        %dma_wait3A_427 = arith.constant 0 : i32
        %dma_wait3A_428 = tpu.memref_slice %arg14[%dma_wait3A_417, %dma_wait3A_426, %dma_wait3A_427] : memref<4x128x128xbf16, #tpu.memory_space<vmem>> -> memref<1x128x128xbf16, #tpu.memory_space<vmem>>
        %dma_wait3A_429 = tpu.memref_squeeze %dma_wait3A_428 : memref<1x128x128xbf16, #tpu.memory_space<vmem>> -> memref<128x128xbf16, #tpu.memory_space<vmem>>
        tpu.wait_dma2 semaphore(%arg17 : memref<!tpu.dma_semaphore, #tpu.memory_space<semaphore_mem>>) src(%dma_wait3A_429 : memref<128x128xbf16, #tpu.memory_space<vmem>>) dst(%dma_wait3A_425 : memref<128x128xbf16, #tpu.memory_space<hbm>>)
        %add3A_430 = arith.constant 1 : i32
        %add3A_431 = arith.addi %mul3A_279, %add3A_430 : i32
        %mul3A_432 = arith.constant 128 : i32
        %mul3A_433 = arith.muli %add3A_431, %mul3A_432 : i32
        %add3A_434 = arith.addi %mul3A_2, %mul3A_433 : i32
        %dma_wait3A_435 = arith.constant 1 : i32
        %dma_wait3A_436 = arith.constant 0 : i32
        %dma_wait3A_437 = arith.constant 0 : i32
        %dma_wait3A_438 = tpu.memref_slice %arg14[%dma_wait3A_435, %dma_wait3A_436, %dma_wait3A_437] : memref<4x128x128xbf16, #tpu.memory_space<vmem>> -> memref<1x128x128xbf16, #tpu.memory_space<vmem>>
        %dma_wait3A_439 = tpu.memref_squeeze %dma_wait3A_438 : memref<1x128x128xbf16, #tpu.memory_space<vmem>> -> memref<128x128xbf16, #tpu.memory_space<vmem>>
        %dma_wait3A_440 = arith.constant 0 : i32
        %dma_wait3A_441 = tpu.memref_slice %arg11[%add3A_434, %dma_wait3A_440] : memref<163840x128xbf16, #tpu.memory_space<hbm>> -> memref<128x128xbf16, #tpu.memory_space<hbm>>
        %dma_wait3A_442 = arith.constant 0 : i32
        %dma_wait3A_443 = tpu.memref_slice %arg11[%add3A_434, %dma_wait3A_442] : memref<163840x128xbf16, #tpu.memory_space<hbm>> -> memref<128x128xbf16, #tpu.memory_space<hbm>>
        %dma_wait3A_444 = arith.constant 0 : i32
        %dma_wait3A_445 = arith.constant 0 : i32
        %dma_wait3A_446 = tpu.memref_slice %arg14[%dma_wait3A_435, %dma_wait3A_444, %dma_wait3A_445] : memref<4x128x128xbf16, #tpu.memory_space<vmem>> -> memref<1x128x128xbf16, #tpu.memory_space<vmem>>
        %dma_wait3A_447 = tpu.memref_squeeze %dma_wait3A_446 : memref<1x128x128xbf16, #tpu.memory_space<vmem>> -> memref<128x128xbf16, #tpu.memory_space<vmem>>
        tpu.wait_dma2 semaphore(%arg17 : memref<!tpu.dma_semaphore, #tpu.memory_space<semaphore_mem>>) src(%dma_wait3A_447 : memref<128x128xbf16, #tpu.memory_space<vmem>>) dst(%dma_wait3A_443 : memref<128x128xbf16, #tpu.memory_space<hbm>>)
        %add3A_448 = arith.constant 4 : i32
        %add3A_449 = arith.addi %mul3A_279, %add3A_448 : i32
        %add3A_450 = arith.constant 0 : i32
        %add3A_451 = arith.addi %add3A_449, %add3A_450 : i32
        %dma_start3A_452 = arith.constant 0 : i32
        %dma_start3A_453 = arith.constant 0 : i32
        %dma_start3A_454 = arith.constant 0 : i32
        %dma_start3A_455 = tpu.memref_slice %arg14[%dma_start3A_452, %dma_start3A_453, %dma_start3A_454] : memref<4x128x128xbf16, #tpu.memory_space<vmem>> -> memref<1x128x128xbf16, #tpu.memory_space<vmem>>
        %dma_start3A_456 = tpu.memref_squeeze %dma_start3A_455 : memref<1x128x128xbf16, #tpu.memory_space<vmem>> -> memref<128x128xbf16, #tpu.memory_space<vmem>>
        %dma_start3A_457 = arith.constant 0 : i32
        %dma_start3A_458 = tpu.memref_slice %arg13[%add3A_451, %dma_start3A_457] : memref<40x128xi32, #tpu.memory_space<vmem>> -> memref<1x128xi32, #tpu.memory_space<vmem>>
        %dma_start3A_459 = tpu.memref_squeeze %dma_start3A_458 : memref<1x128xi32, #tpu.memory_space<vmem>> -> memref<128xi32, #tpu.memory_space<vmem>>
        %dma_start3A_460 = arith.constant 0 : i32
        %dma_start3A_461 = arith.constant 0 : i32
        %dma_start3A_462 = tpu.memref_slice %arg5[%dma_start3A_460, %dma_start3A_461] : memref<475x128xbf16, #tpu.memory_space<hbm>> -> memref<475x128xbf16, #tpu.memory_space<hbm>>
        tpu.enqueue_indirect_dma source(%dma_start3A_462 : memref<475x128xbf16, #tpu.memory_space<hbm>>) target(%dma_start3A_456 : memref<128x128xbf16, #tpu.memory_space<vmem>>) offsets(%dma_start3A_459 : memref<128xi32, #tpu.memory_space<vmem>>) semaphore(%arg15 : memref<!tpu.dma_semaphore, #tpu.memory_space<semaphore_mem>>)
        %add3A_463 = arith.constant 1 : i32
        %add3A_464 = arith.addi %add3A_449, %add3A_463 : i32
        %dma_start3A_465 = arith.constant 1 : i32
        %dma_start3A_466 = arith.constant 0 : i32
        %dma_start3A_467 = arith.constant 0 : i32
        %dma_start3A_468 = tpu.memref_slice %arg14[%dma_start3A_465, %dma_start3A_466, %dma_start3A_467] : memref<4x128x128xbf16, #tpu.memory_space<vmem>> -> memref<1x128x128xbf16, #tpu.memory_space<vmem>>
        %dma_start3A_469 = tpu.memref_squeeze %dma_start3A_468 : memref<1x128x128xbf16, #tpu.memory_space<vmem>> -> memref<128x128xbf16, #tpu.memory_space<vmem>>
        %dma_start3A_470 = arith.constant 0 : i32
        %dma_start3A_471 = tpu.memref_slice %arg13[%add3A_464, %dma_start3A_470] : memref<40x128xi32, #tpu.memory_space<vmem>> -> memref<1x128xi32, #tpu.memory_space<vmem>>
        %dma_start3A_472 = tpu.memref_squeeze %dma_start3A_471 : memref<1x128xi32, #tpu.memory_space<vmem>> -> memref<128xi32, #tpu.memory_space<vmem>>
        %dma_start3A_473 = arith.constant 0 : i32
        %dma_start3A_474 = arith.constant 0 : i32
        %dma_start3A_475 = tpu.memref_slice %arg5[%dma_start3A_473, %dma_start3A_474] : memref<475x128xbf16, #tpu.memory_space<hbm>> -> memref<475x128xbf16, #tpu.memory_space<hbm>>
        tpu.enqueue_indirect_dma source(%dma_start3A_475 : memref<475x128xbf16, #tpu.memory_space<hbm>>) target(%dma_start3A_469 : memref<128x128xbf16, #tpu.memory_space<vmem>>) offsets(%dma_start3A_472 : memref<128xi32, #tpu.memory_space<vmem>>) semaphore(%arg15 : memref<!tpu.dma_semaphore, #tpu.memory_space<semaphore_mem>>)
        %add3A_476 = arith.constant 0 : i32
        %add3A_477 = arith.addi %add3A_281, %add3A_476 : i32
        %mul3A_478 = arith.constant 128 : i32
        %mul3A_479 = arith.muli %add3A_477, %mul3A_478 : i32
        %add3A_480 = arith.addi %mul3A_2, %mul3A_479 : i32
        %dma_wait3A_481 = arith.constant 2 : i32
        %dma_wait3A_482 = arith.constant 0 : i32
        %dma_wait3A_483 = arith.constant 0 : i32
        %dma_wait3A_484 = tpu.memref_slice %arg14[%dma_wait3A_481, %dma_wait3A_482, %dma_wait3A_483] : memref<4x128x128xbf16, #tpu.memory_space<vmem>> -> memref<1x128x128xbf16, #tpu.memory_space<vmem>>
        %dma_wait3A_485 = tpu.memref_squeeze %dma_wait3A_484 : memref<1x128x128xbf16, #tpu.memory_space<vmem>> -> memref<128x128xbf16, #tpu.memory_space<vmem>>
        %dma_wait3A_486 = arith.constant 0 : i32
        %dma_wait3A_487 = tpu.memref_slice %arg11[%add3A_480, %dma_wait3A_486] : memref<163840x128xbf16, #tpu.memory_space<hbm>> -> memref<128x128xbf16, #tpu.memory_space<hbm>>
        %dma_wait3A_488 = arith.constant 0 : i32
        %dma_wait3A_489 = tpu.memref_slice %arg11[%add3A_480, %dma_wait3A_488] : memref<163840x128xbf16, #tpu.memory_space<hbm>> -> memref<128x128xbf16, #tpu.memory_space<hbm>>
        %dma_wait3A_490 = arith.constant 0 : i32
        %dma_wait3A_491 = arith.constant 0 : i32
        %dma_wait3A_492 = tpu.memref_slice %arg14[%dma_wait3A_481, %dma_wait3A_490, %dma_wait3A_491] : memref<4x128x128xbf16, #tpu.memory_space<vmem>> -> memref<1x128x128xbf16, #tpu.memory_space<vmem>>
        %dma_wait3A_493 = tpu.memref_squeeze %dma_wait3A_492 : memref<1x128x128xbf16, #tpu.memory_space<vmem>> -> memref<128x128xbf16, #tpu.memory_space<vmem>>
        tpu.wait_dma2 semaphore(%arg18 : memref<!tpu.dma_semaphore, #tpu.memory_space<semaphore_mem>>) src(%dma_wait3A_493 : memref<128x128xbf16, #tpu.memory_space<vmem>>) dst(%dma_wait3A_489 : memref<128x128xbf16, #tpu.memory_space<hbm>>)
        %add3A_494 = arith.constant 1 : i32
        %add3A_495 = arith.addi %add3A_281, %add3A_494 : i32
        %mul3A_496 = arith.constant 128 : i32
        %mul3A_497 = arith.muli %add3A_495, %mul3A_496 : i32
        %add3A_498 = arith.addi %mul3A_2, %mul3A_497 : i32
        %dma_wait3A_499 = arith.constant 3 : i32
        %dma_wait3A_500 = arith.constant 0 : i32
        %dma_wait3A_501 = arith.constant 0 : i32
        %dma_wait3A_502 = tpu.memref_slice %arg14[%dma_wait3A_499, %dma_wait3A_500, %dma_wait3A_501] : memref<4x128x128xbf16, #tpu.memory_space<vmem>> -> memref<1x128x128xbf16, #tpu.memory_space<vmem>>
        %dma_wait3A_503 = tpu.memref_squeeze %dma_wait3A_502 : memref<1x128x128xbf16, #tpu.memory_space<vmem>> -> memref<128x128xbf16, #tpu.memory_space<vmem>>
        %dma_wait3A_504 = arith.constant 0 : i32
        %dma_wait3A_505 = tpu.memref_slice %arg11[%add3A_498, %dma_wait3A_504] : memref<163840x128xbf16, #tpu.memory_space<hbm>> -> memref<128x128xbf16, #tpu.memory_space<hbm>>
        %dma_wait3A_506 = arith.constant 0 : i32
        %dma_wait3A_507 = tpu.memref_slice %arg11[%add3A_498, %dma_wait3A_506] : memref<163840x128xbf16, #tpu.memory_space<hbm>> -> memref<128x128xbf16, #tpu.memory_space<hbm>>
        %dma_wait3A_508 = arith.constant 0 : i32
        %dma_wait3A_509 = arith.constant 0 : i32
        %dma_wait3A_510 = tpu.memref_slice %arg14[%dma_wait3A_499, %dma_wait3A_508, %dma_wait3A_509] : memref<4x128x128xbf16, #tpu.memory_space<vmem>> -> memref<1x128x128xbf16, #tpu.memory_space<vmem>>
        %dma_wait3A_511 = tpu.memref_squeeze %dma_wait3A_510 : memref<1x128x128xbf16, #tpu.memory_space<vmem>> -> memref<128x128xbf16, #tpu.memory_space<vmem>>
        tpu.wait_dma2 semaphore(%arg18 : memref<!tpu.dma_semaphore, #tpu.memory_space<semaphore_mem>>) src(%dma_wait3A_511 : memref<128x128xbf16, #tpu.memory_space<vmem>>) dst(%dma_wait3A_507 : memref<128x128xbf16, #tpu.memory_space<hbm>>)
        %add3A_512 = arith.constant 4 : i32
        %add3A_513 = arith.addi %add3A_281, %add3A_512 : i32
        %add3A_514 = arith.constant 0 : i32
        %add3A_515 = arith.addi %add3A_513, %add3A_514 : i32
        %dma_start3A_516 = arith.constant 2 : i32
        %dma_start3A_517 = arith.constant 0 : i32
        %dma_start3A_518 = arith.constant 0 : i32
        %dma_start3A_519 = tpu.memref_slice %arg14[%dma_start3A_516, %dma_start3A_517, %dma_start3A_518] : memref<4x128x128xbf16, #tpu.memory_space<vmem>> -> memref<1x128x128xbf16, #tpu.memory_space<vmem>>
        %dma_start3A_520 = tpu.memref_squeeze %dma_start3A_519 : memref<1x128x128xbf16, #tpu.memory_space<vmem>> -> memref<128x128xbf16, #tpu.memory_space<vmem>>
        %dma_start3A_521 = arith.constant 0 : i32
        %dma_start3A_522 = tpu.memref_slice %arg13[%add3A_515, %dma_start3A_521] : memref<40x128xi32, #tpu.memory_space<vmem>> -> memref<1x128xi32, #tpu.memory_space<vmem>>
        %dma_start3A_523 = tpu.memref_squeeze %dma_start3A_522 : memref<1x128xi32, #tpu.memory_space<vmem>> -> memref<128xi32, #tpu.memory_space<vmem>>
        %dma_start3A_524 = arith.constant 0 : i32
        %dma_start3A_525 = arith.constant 0 : i32
        %dma_start3A_526 = tpu.memref_slice %arg5[%dma_start3A_524, %dma_start3A_525] : memref<475x128xbf16, #tpu.memory_space<hbm>> -> memref<475x128xbf16, #tpu.memory_space<hbm>>
        tpu.enqueue_indirect_dma source(%dma_start3A_526 : memref<475x128xbf16, #tpu.memory_space<hbm>>) target(%dma_start3A_520 : memref<128x128xbf16, #tpu.memory_space<vmem>>) offsets(%dma_start3A_523 : memref<128xi32, #tpu.memory_space<vmem>>) semaphore(%arg16 : memref<!tpu.dma_semaphore, #tpu.memory_space<semaphore_mem>>)
        %add3A_527 = arith.constant 1 : i32
        %add3A_528 = arith.addi %add3A_513, %add3A_527 : i32
        %dma_start3A_529 = arith.constant 3 : i32
        %dma_start3A_530 = arith.constant 0 : i32
        %dma_start3A_531 = arith.constant 0 : i32
        %dma_start3A_532 = tpu.memref_slice %arg14[%dma_start3A_529, %dma_start3A_530, %dma_start3A_531] : memref<4x128x128xbf16, #tpu.memory_space<vmem>> -> memref<1x128x128xbf16, #tpu.memory_space<vmem>>
        %dma_start3A_533 = tpu.memref_squeeze %dma_start3A_532 : memref<1x128x128xbf16, #tpu.memory_space<vmem>> -> memref<128x128xbf16, #tpu.memory_space<vmem>>
        %dma_start3A_534 = arith.constant 0 : i32
        %dma_start3A_535 = tpu.memref_slice %arg13[%add3A_528, %dma_start3A_534] : memref<40x128xi32, #tpu.memory_space<vmem>> -> memref<1x128xi32, #tpu.memory_space<vmem>>
        %dma_start3A_536 = tpu.memref_squeeze %dma_start3A_535 : memref<1x128xi32, #tpu.memory_space<vmem>> -> memref<128xi32, #tpu.memory_space<vmem>>
        %dma_start3A_537 = arith.constant 0 : i32
        %dma_start3A_538 = arith.constant 0 : i32
        %dma_start3A_539 = tpu.memref_slice %arg5[%dma_start3A_537, %dma_start3A_538] : memref<475x128xbf16, #tpu.memory_space<hbm>> -> memref<475x128xbf16, #tpu.memory_space<hbm>>
        tpu.enqueue_indirect_dma source(%dma_start3A_539 : memref<475x128xbf16, #tpu.memory_space<hbm>>) target(%dma_start3A_533 : memref<128x128xbf16, #tpu.memory_space<vmem>>) offsets(%dma_start3A_536 : memref<128xi32, #tpu.memory_space<vmem>>) semaphore(%arg16 : memref<!tpu.dma_semaphore, #tpu.memory_space<semaphore_mem>>)
      } else {
      }
      %eq3A = arith.constant 9 : i32
      %eq3A_407 = arith.cmpi eq, %scan3A_276, %eq3A : i32
      %convert_element_type3A_408 = arith.extui %eq3A_407 : i1 to i32
      %cond3A_409 = arith.constant 0 : i32
      %cond3A_410 = arith.cmpi ne, %convert_element_type3A_408, %cond3A_409 : i32
      scf.if %cond3A_410 {
        %add3A_412 = arith.constant 0 : i32
        %add3A_413 = arith.addi %mul3A_279, %add3A_412 : i32
        %mul3A_414 = arith.constant 128 : i32
        %mul3A_415 = arith.muli %add3A_413, %mul3A_414 : i32
        %add3A_416 = arith.addi %mul3A_2, %mul3A_415 : i32
        %dma_wait3A_417 = arith.constant 0 : i32
        %dma_wait3A_418 = arith.constant 0 : i32
        %dma_wait3A_419 = arith.constant 0 : i32
        %dma_wait3A_420 = tpu.memref_slice %arg14[%dma_wait3A_417, %dma_wait3A_418, %dma_wait3A_419] : memref<4x128x128xbf16, #tpu.memory_space<vmem>> -> memref<1x128x128xbf16, #tpu.memory_space<vmem>>
        %dma_wait3A_421 = tpu.memref_squeeze %dma_wait3A_420 : memref<1x128x128xbf16, #tpu.memory_space<vmem>> -> memref<128x128xbf16, #tpu.memory_space<vmem>>
        %dma_wait3A_422 = arith.constant 0 : i32
        %dma_wait3A_423 = tpu.memref_slice %arg11[%add3A_416, %dma_wait3A_422] : memref<163840x128xbf16, #tpu.memory_space<hbm>> -> memref<128x128xbf16, #tpu.memory_space<hbm>>
        %dma_wait3A_424 = arith.constant 0 : i32
        %dma_wait3A_425 = tpu.memref_slice %arg11[%add3A_416, %dma_wait3A_424] : memref<163840x128xbf16, #tpu.memory_space<hbm>> -> memref<128x128xbf16, #tpu.memory_space<hbm>>
        %dma_wait3A_426 = arith.constant 0 : i32
        %dma_wait3A_427 = arith.constant 0 : i32
        %dma_wait3A_428 = tpu.memref_slice %arg14[%dma_wait3A_417, %dma_wait3A_426, %dma_wait3A_427] : memref<4x128x128xbf16, #tpu.memory_space<vmem>> -> memref<1x128x128xbf16, #tpu.memory_space<vmem>>
        %dma_wait3A_429 = tpu.memref_squeeze %dma_wait3A_428 : memref<1x128x128xbf16, #tpu.memory_space<vmem>> -> memref<128x128xbf16, #tpu.memory_space<vmem>>
        tpu.wait_dma2 semaphore(%arg17 : memref<!tpu.dma_semaphore, #tpu.memory_space<semaphore_mem>>) src(%dma_wait3A_429 : memref<128x128xbf16, #tpu.memory_space<vmem>>) dst(%dma_wait3A_425 : memref<128x128xbf16, #tpu.memory_space<hbm>>)
        %add3A_430 = arith.constant 1 : i32
        %add3A_431 = arith.addi %mul3A_279, %add3A_430 : i32
        %mul3A_432 = arith.constant 128 : i32
        %mul3A_433 = arith.muli %add3A_431, %mul3A_432 : i32
        %add3A_434 = arith.addi %mul3A_2, %mul3A_433 : i32
        %dma_wait3A_435 = arith.constant 1 : i32
        %dma_wait3A_436 = arith.constant 0 : i32
        %dma_wait3A_437 = arith.constant 0 : i32
        %dma_wait3A_438 = tpu.memref_slice %arg14[%dma_wait3A_435, %dma_wait3A_436, %dma_wait3A_437] : memref<4x128x128xbf16, #tpu.memory_space<vmem>> -> memref<1x128x128xbf16, #tpu.memory_space<vmem>>
        %dma_wait3A_439 = tpu.memref_squeeze %dma_wait3A_438 : memref<1x128x128xbf16, #tpu.memory_space<vmem>> -> memref<128x128xbf16, #tpu.memory_space<vmem>>
        %dma_wait3A_440 = arith.constant 0 : i32
        %dma_wait3A_441 = tpu.memref_slice %arg11[%add3A_434, %dma_wait3A_440] : memref<163840x128xbf16, #tpu.memory_space<hbm>> -> memref<128x128xbf16, #tpu.memory_space<hbm>>
        %dma_wait3A_442 = arith.constant 0 : i32
        %dma_wait3A_443 = tpu.memref_slice %arg11[%add3A_434, %dma_wait3A_442] : memref<163840x128xbf16, #tpu.memory_space<hbm>> -> memref<128x128xbf16, #tpu.memory_space<hbm>>
        %dma_wait3A_444 = arith.constant 0 : i32
        %dma_wait3A_445 = arith.constant 0 : i32
        %dma_wait3A_446 = tpu.memref_slice %arg14[%dma_wait3A_435, %dma_wait3A_444, %dma_wait3A_445] : memref<4x128x128xbf16, #tpu.memory_space<vmem>> -> memref<1x128x128xbf16, #tpu.memory_space<vmem>>
        %dma_wait3A_447 = tpu.memref_squeeze %dma_wait3A_446 : memref<1x128x128xbf16, #tpu.memory_space<vmem>> -> memref<128x128xbf16, #tpu.memory_space<vmem>>
        tpu.wait_dma2 semaphore(%arg17 : memref<!tpu.dma_semaphore, #tpu.memory_space<semaphore_mem>>) src(%dma_wait3A_447 : memref<128x128xbf16, #tpu.memory_space<vmem>>) dst(%dma_wait3A_443 : memref<128x128xbf16, #tpu.memory_space<hbm>>)
        %add3A_448 = arith.constant 0 : i32
        %add3A_449 = arith.addi %add3A_281, %add3A_448 : i32
        %mul3A_450 = arith.constant 128 : i32
        %mul3A_451 = arith.muli %add3A_449, %mul3A_450 : i32
        %add3A_452 = arith.addi %mul3A_2, %mul3A_451 : i32
        %dma_wait3A_453 = arith.constant 2 : i32
        %dma_wait3A_454 = arith.constant 0 : i32
        %dma_wait3A_455 = arith.constant 0 : i32
        %dma_wait3A_456 = tpu.memref_slice %arg14[%dma_wait3A_453, %dma_wait3A_454, %dma_wait3A_455] : memref<4x128x128xbf16, #tpu.memory_space<vmem>> -> memref<1x128x128xbf16, #tpu.memory_space<vmem>>
        %dma_wait3A_457 = tpu.memref_squeeze %dma_wait3A_456 : memref<1x128x128xbf16, #tpu.memory_space<vmem>> -> memref<128x128xbf16, #tpu.memory_space<vmem>>
        %dma_wait3A_458 = arith.constant 0 : i32
        %dma_wait3A_459 = tpu.memref_slice %arg11[%add3A_452, %dma_wait3A_458] : memref<163840x128xbf16, #tpu.memory_space<hbm>> -> memref<128x128xbf16, #tpu.memory_space<hbm>>
        %dma_wait3A_460 = arith.constant 0 : i32
        %dma_wait3A_461 = tpu.memref_slice %arg11[%add3A_452, %dma_wait3A_460] : memref<163840x128xbf16, #tpu.memory_space<hbm>> -> memref<128x128xbf16, #tpu.memory_space<hbm>>
        %dma_wait3A_462 = arith.constant 0 : i32
        %dma_wait3A_463 = arith.constant 0 : i32
        %dma_wait3A_464 = tpu.memref_slice %arg14[%dma_wait3A_453, %dma_wait3A_462, %dma_wait3A_463] : memref<4x128x128xbf16, #tpu.memory_space<vmem>> -> memref<1x128x128xbf16, #tpu.memory_space<vmem>>
        %dma_wait3A_465 = tpu.memref_squeeze %dma_wait3A_464 : memref<1x128x128xbf16, #tpu.memory_space<vmem>> -> memref<128x128xbf16, #tpu.memory_space<vmem>>
        tpu.wait_dma2 semaphore(%arg18 : memref<!tpu.dma_semaphore, #tpu.memory_space<semaphore_mem>>) src(%dma_wait3A_465 : memref<128x128xbf16, #tpu.memory_space<vmem>>) dst(%dma_wait3A_461 : memref<128x128xbf16, #tpu.memory_space<hbm>>)
        %add3A_466 = arith.constant 1 : i32
        %add3A_467 = arith.addi %add3A_281, %add3A_466 : i32
        %mul3A_468 = arith.constant 128 : i32
        %mul3A_469 = arith.muli %add3A_467, %mul3A_468 : i32
        %add3A_470 = arith.addi %mul3A_2, %mul3A_469 : i32
        %dma_wait3A_471 = arith.constant 3 : i32
        %dma_wait3A_472 = arith.constant 0 : i32
        %dma_wait3A_473 = arith.constant 0 : i32
        %dma_wait3A_474 = tpu.memref_slice %arg14[%dma_wait3A_471, %dma_wait3A_472, %dma_wait3A_473] : memref<4x128x128xbf16, #tpu.memory_space<vmem>> -> memref<1x128x128xbf16, #tpu.memory_space<vmem>>
        %dma_wait3A_475 = tpu.memref_squeeze %dma_wait3A_474 : memref<1x128x128xbf16, #tpu.memory_space<vmem>> -> memref<128x128xbf16, #tpu.memory_space<vmem>>
        %dma_wait3A_476 = arith.constant 0 : i32
        %dma_wait3A_477 = tpu.memref_slice %arg11[%add3A_470, %dma_wait3A_476] : memref<163840x128xbf16, #tpu.memory_space<hbm>> -> memref<128x128xbf16, #tpu.memory_space<hbm>>
        %dma_wait3A_478 = arith.constant 0 : i32
        %dma_wait3A_479 = tpu.memref_slice %arg11[%add3A_470, %dma_wait3A_478] : memref<163840x128xbf16, #tpu.memory_space<hbm>> -> memref<128x128xbf16, #tpu.memory_space<hbm>>
        %dma_wait3A_480 = arith.constant 0 : i32
        %dma_wait3A_481 = arith.constant 0 : i32
        %dma_wait3A_482 = tpu.memref_slice %arg14[%dma_wait3A_471, %dma_wait3A_480, %dma_wait3A_481] : memref<4x128x128xbf16, #tpu.memory_space<vmem>> -> memref<1x128x128xbf16, #tpu.memory_space<vmem>>
        %dma_wait3A_483 = tpu.memref_squeeze %dma_wait3A_482 : memref<1x128x128xbf16, #tpu.memory_space<vmem>> -> memref<128x128xbf16, #tpu.memory_space<vmem>>
        tpu.wait_dma2 semaphore(%arg18 : memref<!tpu.dma_semaphore, #tpu.memory_space<semaphore_mem>>) src(%dma_wait3A_483 : memref<128x128xbf16, #tpu.memory_space<vmem>>) dst(%dma_wait3A_479 : memref<128x128xbf16, #tpu.memory_space<hbm>>)
      } else {
      }
      %scan3A_411 = arith.constant 0 : i32
      scf.yield %scan3A_411 : i32
    }
    %scan3A_220 = arith.constant 10 : i32
    %dma_start3A_221 = arith.constant 0 : i32
    %dma_start3A_222 = arith.constant 0 : i32
    %dma_start3A_223 = arith.constant 0 : i32
    %dma_start3A_224 = arith.constant 0 : i32
    %dma_start3A_225 = tpu.memref_slice %arg14[%dma_start3A_222, %dma_start3A_223, %dma_start3A_224] : memref<4x128x128xbf16, #tpu.memory_space<vmem>> -> memref<1x128x128xbf16, #tpu.memory_space<vmem>>
    %dma_start3A_226 = tpu.memref_squeeze %dma_start3A_225 : memref<1x128x128xbf16, #tpu.memory_space<vmem>> -> memref<128x128xbf16, #tpu.memory_space<vmem>>
    %dma_start3A_227 = arith.constant 0 : i32
    %dma_start3A_228 = tpu.memref_slice %arg13[%dma_start3A_221, %dma_start3A_227] : memref<40x128xi32, #tpu.memory_space<vmem>> -> memref<1x128xi32, #tpu.memory_space<vmem>>
    %dma_start3A_229 = tpu.memref_squeeze %dma_start3A_228 : memref<1x128xi32, #tpu.memory_space<vmem>> -> memref<128xi32, #tpu.memory_space<vmem>>
    %dma_start3A_230 = arith.constant 0 : i32
    %dma_start3A_231 = arith.constant 0 : i32
    %dma_start3A_232 = tpu.memref_slice %arg6[%dma_start3A_230, %dma_start3A_231] : memref<475x128xbf16, #tpu.memory_space<hbm>> -> memref<475x128xbf16, #tpu.memory_space<hbm>>
    tpu.enqueue_indirect_dma source(%dma_start3A_232 : memref<475x128xbf16, #tpu.memory_space<hbm>>) target(%dma_start3A_226 : memref<128x128xbf16, #tpu.memory_space<vmem>>) offsets(%dma_start3A_229 : memref<128xi32, #tpu.memory_space<vmem>>) semaphore(%arg15 : memref<!tpu.dma_semaphore, #tpu.memory_space<semaphore_mem>>)
    %dma_start3A_233 = arith.constant 1 : i32
    %dma_start3A_234 = arith.constant 1 : i32
    %dma_start3A_235 = arith.constant 0 : i32
    %dma_start3A_236 = arith.constant 0 : i32
    %dma_start3A_237 = tpu.memref_slice %arg14[%dma_start3A_234, %dma_start3A_235, %dma_start3A_236] : memref<4x128x128xbf16, #tpu.memory_space<vmem>> -> memref<1x128x128xbf16, #tpu.memory_space<vmem>>
    %dma_start3A_238 = tpu.memref_squeeze %dma_start3A_237 : memref<1x128x128xbf16, #tpu.memory_space<vmem>> -> memref<128x128xbf16, #tpu.memory_space<vmem>>
    %dma_start3A_239 = arith.constant 0 : i32
    %dma_start3A_240 = tpu.memref_slice %arg13[%dma_start3A_233, %dma_start3A_239] : memref<40x128xi32, #tpu.memory_space<vmem>> -> memref<1x128xi32, #tpu.memory_space<vmem>>
    %dma_start3A_241 = tpu.memref_squeeze %dma_start3A_240 : memref<1x128xi32, #tpu.memory_space<vmem>> -> memref<128xi32, #tpu.memory_space<vmem>>
    %dma_start3A_242 = arith.constant 0 : i32
    %dma_start3A_243 = arith.constant 0 : i32
    %dma_start3A_244 = tpu.memref_slice %arg6[%dma_start3A_242, %dma_start3A_243] : memref<475x128xbf16, #tpu.memory_space<hbm>> -> memref<475x128xbf16, #tpu.memory_space<hbm>>
    tpu.enqueue_indirect_dma source(%dma_start3A_244 : memref<475x128xbf16, #tpu.memory_space<hbm>>) target(%dma_start3A_238 : memref<128x128xbf16, #tpu.memory_space<vmem>>) offsets(%dma_start3A_241 : memref<128xi32, #tpu.memory_space<vmem>>) semaphore(%arg15 : memref<!tpu.dma_semaphore, #tpu.memory_space<semaphore_mem>>)
    %dma_start3A_245 = arith.constant 2 : i32
    %dma_start3A_246 = arith.constant 2 : i32
    %dma_start3A_247 = arith.constant 0 : i32
    %dma_start3A_248 = arith.constant 0 : i32
    %dma_start3A_249 = tpu.memref_slice %arg14[%dma_start3A_246, %dma_start3A_247, %dma_start3A_248] : memref<4x128x128xbf16, #tpu.memory_space<vmem>> -> memref<1x128x128xbf16, #tpu.memory_space<vmem>>
    %dma_start3A_250 = tpu.memref_squeeze %dma_start3A_249 : memref<1x128x128xbf16, #tpu.memory_space<vmem>> -> memref<128x128xbf16, #tpu.memory_space<vmem>>
    %dma_start3A_251 = arith.constant 0 : i32
    %dma_start3A_252 = tpu.memref_slice %arg13[%dma_start3A_245, %dma_start3A_251] : memref<40x128xi32, #tpu.memory_space<vmem>> -> memref<1x128xi32, #tpu.memory_space<vmem>>
    %dma_start3A_253 = tpu.memref_squeeze %dma_start3A_252 : memref<1x128xi32, #tpu.memory_space<vmem>> -> memref<128xi32, #tpu.memory_space<vmem>>
    %dma_start3A_254 = arith.constant 0 : i32
    %dma_start3A_255 = arith.constant 0 : i32
    %dma_start3A_256 = tpu.memref_slice %arg6[%dma_start3A_254, %dma_start3A_255] : memref<475x128xbf16, #tpu.memory_space<hbm>> -> memref<475x128xbf16, #tpu.memory_space<hbm>>
    tpu.enqueue_indirect_dma source(%dma_start3A_256 : memref<475x128xbf16, #tpu.memory_space<hbm>>) target(%dma_start3A_250 : memref<128x128xbf16, #tpu.memory_space<vmem>>) offsets(%dma_start3A_253 : memref<128xi32, #tpu.memory_space<vmem>>) semaphore(%arg16 : memref<!tpu.dma_semaphore, #tpu.memory_space<semaphore_mem>>)
    %dma_start3A_257 = arith.constant 3 : i32
    %dma_start3A_258 = arith.constant 3 : i32
    %dma_start3A_259 = arith.constant 0 : i32
    %dma_start3A_260 = arith.constant 0 : i32
    %dma_start3A_261 = tpu.memref_slice %arg14[%dma_start3A_258, %dma_start3A_259, %dma_start3A_260] : memref<4x128x128xbf16, #tpu.memory_space<vmem>> -> memref<1x128x128xbf16, #tpu.memory_space<vmem>>
    %dma_start3A_262 = tpu.memref_squeeze %dma_start3A_261 : memref<1x128x128xbf16, #tpu.memory_space<vmem>> -> memref<128x128xbf16, #tpu.memory_space<vmem>>
    %dma_start3A_263 = arith.constant 0 : i32
    %dma_start3A_264 = tpu.memref_slice %arg13[%dma_start3A_257, %dma_start3A_263] : memref<40x128xi32, #tpu.memory_space<vmem>> -> memref<1x128xi32, #tpu.memory_space<vmem>>
    %dma_start3A_265 = tpu.memref_squeeze %dma_start3A_264 : memref<1x128xi32, #tpu.memory_space<vmem>> -> memref<128xi32, #tpu.memory_space<vmem>>
    %dma_start3A_266 = arith.constant 0 : i32
    %dma_start3A_267 = arith.constant 0 : i32
    %dma_start3A_268 = tpu.memref_slice %arg6[%dma_start3A_266, %dma_start3A_267] : memref<475x128xbf16, #tpu.memory_space<hbm>> -> memref<475x128xbf16, #tpu.memory_space<hbm>>
    tpu.enqueue_indirect_dma source(%dma_start3A_268 : memref<475x128xbf16, #tpu.memory_space<hbm>>) target(%dma_start3A_262 : memref<128x128xbf16, #tpu.memory_space<vmem>>) offsets(%dma_start3A_265 : memref<128xi32, #tpu.memory_space<vmem>>) semaphore(%arg16 : memref<!tpu.dma_semaphore, #tpu.memory_space<semaphore_mem>>)
    %scan3A_269 = arith.constant 0 : i32
    %scan3A_270 = arith.constant 0 : i32
    %scan3A_271 = arith.constant 10 : i32
    %scan3A_272 = arith.addi %scan3A_270, %scan3A_271 : i32
    %scan3A_273 = arith.constant 1 : i32
    %scan3A_274 = scf.for %scan3A_276 = %scan3A_270 to %scan3A_272 step %scan3A_273 iter_args(%scan3A_277 = %scan3A_269) -> (i32)  : i32 {
      %mul3A_278 = arith.constant 4 : i32
      %mul3A_279 = arith.muli %mul3A_278, %scan3A_276 : i32
      %add3A_280 = arith.constant 2 : i32
      %add3A_281 = arith.addi %mul3A_279, %add3A_280 : i32
      %add3A_282 = arith.constant 0 : i32
      %add3A_283 = arith.addi %mul3A_279, %add3A_282 : i32
      %dma_wait3A = arith.constant 0 : i32
      %dma_wait3A_284 = arith.constant 0 : i32
      %dma_wait3A_285 = arith.constant 0 : i32
      %dma_wait3A_286 = tpu.memref_slice %arg14[%dma_wait3A, %dma_wait3A_284, %dma_wait3A_285] : memref<4x128x128xbf16, #tpu.memory_space<vmem>> -> memref<1x128x128xbf16, #tpu.memory_space<vmem>>
      %dma_wait3A_287 = tpu.memref_squeeze %dma_wait3A_286 : memref<1x128x128xbf16, #tpu.memory_space<vmem>> -> memref<128x128xbf16, #tpu.memory_space<vmem>>
      %dma_wait3A_288 = arith.constant 0 : i32
      %dma_wait3A_289 = tpu.memref_slice %arg13[%add3A_283, %dma_wait3A_288] : memref<40x128xi32, #tpu.memory_space<vmem>> -> memref<1x128xi32, #tpu.memory_space<vmem>>
      %dma_wait3A_290 = tpu.memref_squeeze %dma_wait3A_289 : memref<1x128xi32, #tpu.memory_space<vmem>> -> memref<128xi32, #tpu.memory_space<vmem>>
      %dma_wait3A_291 = arith.constant 0 : i32
      %dma_wait3A_292 = arith.constant 0 : i32
      %dma_wait3A_293 = tpu.memref_slice %arg6[%dma_wait3A_291, %dma_wait3A_292] : memref<475x128xbf16, #tpu.memory_space<hbm>> -> memref<475x128xbf16, #tpu.memory_space<hbm>>
      tpu.wait_indirect_dma semaphore(%arg15 : memref<!tpu.dma_semaphore, #tpu.memory_space<semaphore_mem>>) src(%dma_wait3A_293 : memref<475x128xbf16, #tpu.memory_space<hbm>>) dst(%dma_wait3A_287 : memref<128x128xbf16, #tpu.memory_space<vmem>>)
      %add3A_294 = arith.constant 1 : i32
      %add3A_295 = arith.addi %mul3A_279, %add3A_294 : i32
      %dma_wait3A_296 = arith.constant 1 : i32
      %dma_wait3A_297 = arith.constant 0 : i32
      %dma_wait3A_298 = arith.constant 0 : i32
      %dma_wait3A_299 = tpu.memref_slice %arg14[%dma_wait3A_296, %dma_wait3A_297, %dma_wait3A_298] : memref<4x128x128xbf16, #tpu.memory_space<vmem>> -> memref<1x128x128xbf16, #tpu.memory_space<vmem>>
      %dma_wait3A_300 = tpu.memref_squeeze %dma_wait3A_299 : memref<1x128x128xbf16, #tpu.memory_space<vmem>> -> memref<128x128xbf16, #tpu.memory_space<vmem>>
      %dma_wait3A_301 = arith.constant 0 : i32
      %dma_wait3A_302 = tpu.memref_slice %arg13[%add3A_295, %dma_wait3A_301] : memref<40x128xi32, #tpu.memory_space<vmem>> -> memref<1x128xi32, #tpu.memory_space<vmem>>
      %dma_wait3A_303 = tpu.memref_squeeze %dma_wait3A_302 : memref<1x128xi32, #tpu.memory_space<vmem>> -> memref<128xi32, #tpu.memory_space<vmem>>
      %dma_wait3A_304 = arith.constant 0 : i32
      %dma_wait3A_305 = arith.constant 0 : i32
      %dma_wait3A_306 = tpu.memref_slice %arg6[%dma_wait3A_304, %dma_wait3A_305] : memref<475x128xbf16, #tpu.memory_space<hbm>> -> memref<475x128xbf16, #tpu.memory_space<hbm>>
      tpu.wait_indirect_dma semaphore(%arg15 : memref<!tpu.dma_semaphore, #tpu.memory_space<semaphore_mem>>) src(%dma_wait3A_306 : memref<475x128xbf16, #tpu.memory_space<hbm>>) dst(%dma_wait3A_300 : memref<128x128xbf16, #tpu.memory_space<vmem>>)
      %add3A_307 = arith.constant 0 : i32
      %add3A_308 = arith.addi %mul3A_279, %add3A_307 : i32
      %mul3A_309 = arith.constant 128 : i32
      %mul3A_310 = arith.muli %add3A_308, %mul3A_309 : i32
      %add3A_311 = arith.addi %mul3A_2, %mul3A_310 : i32
      %dma_start3A_312 = arith.constant 0 : i32
      %dma_start3A_313 = arith.constant 0 : i32
      %dma_start3A_314 = arith.constant 0 : i32
      %dma_start3A_315 = tpu.memref_slice %arg14[%dma_start3A_312, %dma_start3A_313, %dma_start3A_314] : memref<4x128x128xbf16, #tpu.memory_space<vmem>> -> memref<1x128x128xbf16, #tpu.memory_space<vmem>>
      %dma_start3A_316 = tpu.memref_squeeze %dma_start3A_315 : memref<1x128x128xbf16, #tpu.memory_space<vmem>> -> memref<128x128xbf16, #tpu.memory_space<vmem>>
      %dma_start3A_317 = arith.constant 0 : i32
      %dma_start3A_318 = tpu.memref_slice %arg12[%add3A_311, %dma_start3A_317] : memref<163840x128xbf16, #tpu.memory_space<hbm>> -> memref<128x128xbf16, #tpu.memory_space<hbm>>
      %dma_start3A_319 = arith.constant 0 : i32
      %dma_start3A_320 = tpu.memref_slice %arg12[%add3A_311, %dma_start3A_319] : memref<163840x128xbf16, #tpu.memory_space<hbm>> -> memref<128x128xbf16, #tpu.memory_space<hbm>>
      %dma_start3A_321 = arith.constant 0 : i32
      %dma_start3A_322 = arith.constant 0 : i32
      %dma_start3A_323 = tpu.memref_slice %arg14[%dma_start3A_312, %dma_start3A_321, %dma_start3A_322] : memref<4x128x128xbf16, #tpu.memory_space<vmem>> -> memref<1x128x128xbf16, #tpu.memory_space<vmem>>
      %dma_start3A_324 = tpu.memref_squeeze %dma_start3A_323 : memref<1x128x128xbf16, #tpu.memory_space<vmem>> -> memref<128x128xbf16, #tpu.memory_space<vmem>>
      tpu.enqueue_dma source(%dma_start3A_324 : memref<128x128xbf16, #tpu.memory_space<vmem>>) target(%dma_start3A_320 : memref<128x128xbf16, #tpu.memory_space<hbm>>) target_semaphore(%arg17 : memref<!tpu.dma_semaphore, #tpu.memory_space<semaphore_mem>>)
      %add3A_325 = arith.constant 1 : i32
      %add3A_326 = arith.addi %mul3A_279, %add3A_325 : i32
      %mul3A_327 = arith.constant 128 : i32
      %mul3A_328 = arith.muli %add3A_326, %mul3A_327 : i32
      %add3A_329 = arith.addi %mul3A_2, %mul3A_328 : i32
      %dma_start3A_330 = arith.constant 1 : i32
      %dma_start3A_331 = arith.constant 0 : i32
      %dma_start3A_332 = arith.constant 0 : i32
      %dma_start3A_333 = tpu.memref_slice %arg14[%dma_start3A_330, %dma_start3A_331, %dma_start3A_332] : memref<4x128x128xbf16, #tpu.memory_space<vmem>> -> memref<1x128x128xbf16, #tpu.memory_space<vmem>>
      %dma_start3A_334 = tpu.memref_squeeze %dma_start3A_333 : memref<1x128x128xbf16, #tpu.memory_space<vmem>> -> memref<128x128xbf16, #tpu.memory_space<vmem>>
      %dma_start3A_335 = arith.constant 0 : i32
      %dma_start3A_336 = tpu.memref_slice %arg12[%add3A_329, %dma_start3A_335] : memref<163840x128xbf16, #tpu.memory_space<hbm>> -> memref<128x128xbf16, #tpu.memory_space<hbm>>
      %dma_start3A_337 = arith.constant 0 : i32
      %dma_start3A_338 = tpu.memref_slice %arg12[%add3A_329, %dma_start3A_337] : memref<163840x128xbf16, #tpu.memory_space<hbm>> -> memref<128x128xbf16, #tpu.memory_space<hbm>>
      %dma_start3A_339 = arith.constant 0 : i32
      %dma_start3A_340 = arith.constant 0 : i32
      %dma_start3A_341 = tpu.memref_slice %arg14[%dma_start3A_330, %dma_start3A_339, %dma_start3A_340] : memref<4x128x128xbf16, #tpu.memory_space<vmem>> -> memref<1x128x128xbf16, #tpu.memory_space<vmem>>
      %dma_start3A_342 = tpu.memref_squeeze %dma_start3A_341 : memref<1x128x128xbf16, #tpu.memory_space<vmem>> -> memref<128x128xbf16, #tpu.memory_space<vmem>>
      tpu.enqueue_dma source(%dma_start3A_342 : memref<128x128xbf16, #tpu.memory_space<vmem>>) target(%dma_start3A_338 : memref<128x128xbf16, #tpu.memory_space<hbm>>) target_semaphore(%arg17 : memref<!tpu.dma_semaphore, #tpu.memory_space<semaphore_mem>>)
      %add3A_343 = arith.constant 0 : i32
      %add3A_344 = arith.addi %add3A_281, %add3A_343 : i32
      %dma_wait3A_345 = arith.constant 2 : i32
      %dma_wait3A_346 = arith.constant 0 : i32
      %dma_wait3A_347 = arith.constant 0 : i32
      %dma_wait3A_348 = tpu.memref_slice %arg14[%dma_wait3A_345, %dma_wait3A_346, %dma_wait3A_347] : memref<4x128x128xbf16, #tpu.memory_space<vmem>> -> memref<1x128x128xbf16, #tpu.memory_space<vmem>>
      %dma_wait3A_349 = tpu.memref_squeeze %dma_wait3A_348 : memref<1x128x128xbf16, #tpu.memory_space<vmem>> -> memref<128x128xbf16, #tpu.memory_space<vmem>>
      %dma_wait3A_350 = arith.constant 0 : i32
      %dma_wait3A_351 = tpu.memref_slice %arg13[%add3A_344, %dma_wait3A_350] : memref<40x128xi32, #tpu.memory_space<vmem>> -> memref<1x128xi32, #tpu.memory_space<vmem>>
      %dma_wait3A_352 = tpu.memref_squeeze %dma_wait3A_351 : memref<1x128xi32, #tpu.memory_space<vmem>> -> memref<128xi32, #tpu.memory_space<vmem>>
      %dma_wait3A_353 = arith.constant 0 : i32
      %dma_wait3A_354 = arith.constant 0 : i32
      %dma_wait3A_355 = tpu.memref_slice %arg6[%dma_wait3A_353, %dma_wait3A_354] : memref<475x128xbf16, #tpu.memory_space<hbm>> -> memref<475x128xbf16, #tpu.memory_space<hbm>>
      tpu.wait_indirect_dma semaphore(%arg16 : memref<!tpu.dma_semaphore, #tpu.memory_space<semaphore_mem>>) src(%dma_wait3A_355 : memref<475x128xbf16, #tpu.memory_space<hbm>>) dst(%dma_wait3A_349 : memref<128x128xbf16, #tpu.memory_space<vmem>>)
      %add3A_356 = arith.constant 1 : i32
      %add3A_357 = arith.addi %add3A_281, %add3A_356 : i32
      %dma_wait3A_358 = arith.constant 3 : i32
      %dma_wait3A_359 = arith.constant 0 : i32
      %dma_wait3A_360 = arith.constant 0 : i32
      %dma_wait3A_361 = tpu.memref_slice %arg14[%dma_wait3A_358, %dma_wait3A_359, %dma_wait3A_360] : memref<4x128x128xbf16, #tpu.memory_space<vmem>> -> memref<1x128x128xbf16, #tpu.memory_space<vmem>>
      %dma_wait3A_362 = tpu.memref_squeeze %dma_wait3A_361 : memref<1x128x128xbf16, #tpu.memory_space<vmem>> -> memref<128x128xbf16, #tpu.memory_space<vmem>>
      %dma_wait3A_363 = arith.constant 0 : i32
      %dma_wait3A_364 = tpu.memref_slice %arg13[%add3A_357, %dma_wait3A_363] : memref<40x128xi32, #tpu.memory_space<vmem>> -> memref<1x128xi32, #tpu.memory_space<vmem>>
      %dma_wait3A_365 = tpu.memref_squeeze %dma_wait3A_364 : memref<1x128xi32, #tpu.memory_space<vmem>> -> memref<128xi32, #tpu.memory_space<vmem>>
      %dma_wait3A_366 = arith.constant 0 : i32
      %dma_wait3A_367 = arith.constant 0 : i32
      %dma_wait3A_368 = tpu.memref_slice %arg6[%dma_wait3A_366, %dma_wait3A_367] : memref<475x128xbf16, #tpu.memory_space<hbm>> -> memref<475x128xbf16, #tpu.memory_space<hbm>>
      tpu.wait_indirect_dma semaphore(%arg16 : memref<!tpu.dma_semaphore, #tpu.memory_space<semaphore_mem>>) src(%dma_wait3A_368 : memref<475x128xbf16, #tpu.memory_space<hbm>>) dst(%dma_wait3A_362 : memref<128x128xbf16, #tpu.memory_space<vmem>>)
      %add3A_369 = arith.constant 0 : i32
      %add3A_370 = arith.addi %add3A_281, %add3A_369 : i32
      %mul3A_371 = arith.constant 128 : i32
      %mul3A_372 = arith.muli %add3A_370, %mul3A_371 : i32
      %add3A_373 = arith.addi %mul3A_2, %mul3A_372 : i32
      %dma_start3A_374 = arith.constant 2 : i32
      %dma_start3A_375 = arith.constant 0 : i32
      %dma_start3A_376 = arith.constant 0 : i32
      %dma_start3A_377 = tpu.memref_slice %arg14[%dma_start3A_374, %dma_start3A_375, %dma_start3A_376] : memref<4x128x128xbf16, #tpu.memory_space<vmem>> -> memref<1x128x128xbf16, #tpu.memory_space<vmem>>
      %dma_start3A_378 = tpu.memref_squeeze %dma_start3A_377 : memref<1x128x128xbf16, #tpu.memory_space<vmem>> -> memref<128x128xbf16, #tpu.memory_space<vmem>>
      %dma_start3A_379 = arith.constant 0 : i32
      %dma_start3A_380 = tpu.memref_slice %arg12[%add3A_373, %dma_start3A_379] : memref<163840x128xbf16, #tpu.memory_space<hbm>> -> memref<128x128xbf16, #tpu.memory_space<hbm>>
      %dma_start3A_381 = arith.constant 0 : i32
      %dma_start3A_382 = tpu.memref_slice %arg12[%add3A_373, %dma_start3A_381] : memref<163840x128xbf16, #tpu.memory_space<hbm>> -> memref<128x128xbf16, #tpu.memory_space<hbm>>
      %dma_start3A_383 = arith.constant 0 : i32
      %dma_start3A_384 = arith.constant 0 : i32
      %dma_start3A_385 = tpu.memref_slice %arg14[%dma_start3A_374, %dma_start3A_383, %dma_start3A_384] : memref<4x128x128xbf16, #tpu.memory_space<vmem>> -> memref<1x128x128xbf16, #tpu.memory_space<vmem>>
      %dma_start3A_386 = tpu.memref_squeeze %dma_start3A_385 : memref<1x128x128xbf16, #tpu.memory_space<vmem>> -> memref<128x128xbf16, #tpu.memory_space<vmem>>
      tpu.enqueue_dma source(%dma_start3A_386 : memref<128x128xbf16, #tpu.memory_space<vmem>>) target(%dma_start3A_382 : memref<128x128xbf16, #tpu.memory_space<hbm>>) target_semaphore(%arg18 : memref<!tpu.dma_semaphore, #tpu.memory_space<semaphore_mem>>)
      %add3A_387 = arith.constant 1 : i32
      %add3A_388 = arith.addi %add3A_281, %add3A_387 : i32
      %mul3A_389 = arith.constant 128 : i32
      %mul3A_390 = arith.muli %add3A_388, %mul3A_389 : i32
      %add3A_391 = arith.addi %mul3A_2, %mul3A_390 : i32
      %dma_start3A_392 = arith.constant 3 : i32
      %dma_start3A_393 = arith.constant 0 : i32
      %dma_start3A_394 = arith.constant 0 : i32
      %dma_start3A_395 = tpu.memref_slice %arg14[%dma_start3A_392, %dma_start3A_393, %dma_start3A_394] : memref<4x128x128xbf16, #tpu.memory_space<vmem>> -> memref<1x128x128xbf16, #tpu.memory_space<vmem>>
      %dma_start3A_396 = tpu.memref_squeeze %dma_start3A_395 : memref<1x128x128xbf16, #tpu.memory_space<vmem>> -> memref<128x128xbf16, #tpu.memory_space<vmem>>
      %dma_start3A_397 = arith.constant 0 : i32
      %dma_start3A_398 = tpu.memref_slice %arg12[%add3A_391, %dma_start3A_397] : memref<163840x128xbf16, #tpu.memory_space<hbm>> -> memref<128x128xbf16, #tpu.memory_space<hbm>>
      %dma_start3A_399 = arith.constant 0 : i32
      %dma_start3A_400 = tpu.memref_slice %arg12[%add3A_391, %dma_start3A_399] : memref<163840x128xbf16, #tpu.memory_space<hbm>> -> memref<128x128xbf16, #tpu.memory_space<hbm>>
      %dma_start3A_401 = arith.constant 0 : i32
      %dma_start3A_402 = arith.constant 0 : i32
      %dma_start3A_403 = tpu.memref_slice %arg14[%dma_start3A_392, %dma_start3A_401, %dma_start3A_402] : memref<4x128x128xbf16, #tpu.memory_space<vmem>> -> memref<1x128x128xbf16, #tpu.memory_space<vmem>>
      %dma_start3A_404 = tpu.memref_squeeze %dma_start3A_403 : memref<1x128x128xbf16, #tpu.memory_space<vmem>> -> memref<128x128xbf16, #tpu.memory_space<vmem>>
      tpu.enqueue_dma source(%dma_start3A_404 : memref<128x128xbf16, #tpu.memory_space<vmem>>) target(%dma_start3A_400 : memref<128x128xbf16, #tpu.memory_space<hbm>>) target_semaphore(%arg18 : memref<!tpu.dma_semaphore, #tpu.memory_space<semaphore_mem>>)
      %lt3A = arith.constant 9 : i32
      %lt3A_405 = arith.cmpi slt, %scan3A_276, %lt3A : i32
      %convert_element_type3A = arith.extui %lt3A_405 : i1 to i32
      %cond3A = arith.constant 0 : i32
      %cond3A_406 = arith.cmpi ne, %convert_element_type3A, %cond3A : i32
      scf.if %cond3A_406 {
        %add3A_412 = arith.constant 0 : i32
        %add3A_413 = arith.addi %mul3A_279, %add3A_412 : i32
        %mul3A_414 = arith.constant 128 : i32
        %mul3A_415 = arith.muli %add3A_413, %mul3A_414 : i32
        %add3A_416 = arith.addi %mul3A_2, %mul3A_415 : i32
        %dma_wait3A_417 = arith.constant 0 : i32
        %dma_wait3A_418 = arith.constant 0 : i32
        %dma_wait3A_419 = arith.constant 0 : i32
        %dma_wait3A_420 = tpu.memref_slice %arg14[%dma_wait3A_417, %dma_wait3A_418, %dma_wait3A_419] : memref<4x128x128xbf16, #tpu.memory_space<vmem>> -> memref<1x128x128xbf16, #tpu.memory_space<vmem>>
        %dma_wait3A_421 = tpu.memref_squeeze %dma_wait3A_420 : memref<1x128x128xbf16, #tpu.memory_space<vmem>> -> memref<128x128xbf16, #tpu.memory_space<vmem>>
        %dma_wait3A_422 = arith.constant 0 : i32
        %dma_wait3A_423 = tpu.memref_slice %arg12[%add3A_416, %dma_wait3A_422] : memref<163840x128xbf16, #tpu.memory_space<hbm>> -> memref<128x128xbf16, #tpu.memory_space<hbm>>
        %dma_wait3A_424 = arith.constant 0 : i32
        %dma_wait3A_425 = tpu.memref_slice %arg12[%add3A_416, %dma_wait3A_424] : memref<163840x128xbf16, #tpu.memory_space<hbm>> -> memref<128x128xbf16, #tpu.memory_space<hbm>>
        %dma_wait3A_426 = arith.constant 0 : i32
        %dma_wait3A_427 = arith.constant 0 : i32
        %dma_wait3A_428 = tpu.memref_slice %arg14[%dma_wait3A_417, %dma_wait3A_426, %dma_wait3A_427] : memref<4x128x128xbf16, #tpu.memory_space<vmem>> -> memref<1x128x128xbf16, #tpu.memory_space<vmem>>
        %dma_wait3A_429 = tpu.memref_squeeze %dma_wait3A_428 : memref<1x128x128xbf16, #tpu.memory_space<vmem>> -> memref<128x128xbf16, #tpu.memory_space<vmem>>
        tpu.wait_dma2 semaphore(%arg17 : memref<!tpu.dma_semaphore, #tpu.memory_space<semaphore_mem>>) src(%dma_wait3A_429 : memref<128x128xbf16, #tpu.memory_space<vmem>>) dst(%dma_wait3A_425 : memref<128x128xbf16, #tpu.memory_space<hbm>>)
        %add3A_430 = arith.constant 1 : i32
        %add3A_431 = arith.addi %mul3A_279, %add3A_430 : i32
        %mul3A_432 = arith.constant 128 : i32
        %mul3A_433 = arith.muli %add3A_431, %mul3A_432 : i32
        %add3A_434 = arith.addi %mul3A_2, %mul3A_433 : i32
        %dma_wait3A_435 = arith.constant 1 : i32
        %dma_wait3A_436 = arith.constant 0 : i32
        %dma_wait3A_437 = arith.constant 0 : i32
        %dma_wait3A_438 = tpu.memref_slice %arg14[%dma_wait3A_435, %dma_wait3A_436, %dma_wait3A_437] : memref<4x128x128xbf16, #tpu.memory_space<vmem>> -> memref<1x128x128xbf16, #tpu.memory_space<vmem>>
        %dma_wait3A_439 = tpu.memref_squeeze %dma_wait3A_438 : memref<1x128x128xbf16, #tpu.memory_space<vmem>> -> memref<128x128xbf16, #tpu.memory_space<vmem>>
        %dma_wait3A_440 = arith.constant 0 : i32
        %dma_wait3A_441 = tpu.memref_slice %arg12[%add3A_434, %dma_wait3A_440] : memref<163840x128xbf16, #tpu.memory_space<hbm>> -> memref<128x128xbf16, #tpu.memory_space<hbm>>
        %dma_wait3A_442 = arith.constant 0 : i32
        %dma_wait3A_443 = tpu.memref_slice %arg12[%add3A_434, %dma_wait3A_442] : memref<163840x128xbf16, #tpu.memory_space<hbm>> -> memref<128x128xbf16, #tpu.memory_space<hbm>>
        %dma_wait3A_444 = arith.constant 0 : i32
        %dma_wait3A_445 = arith.constant 0 : i32
        %dma_wait3A_446 = tpu.memref_slice %arg14[%dma_wait3A_435, %dma_wait3A_444, %dma_wait3A_445] : memref<4x128x128xbf16, #tpu.memory_space<vmem>> -> memref<1x128x128xbf16, #tpu.memory_space<vmem>>
        %dma_wait3A_447 = tpu.memref_squeeze %dma_wait3A_446 : memref<1x128x128xbf16, #tpu.memory_space<vmem>> -> memref<128x128xbf16, #tpu.memory_space<vmem>>
        tpu.wait_dma2 semaphore(%arg17 : memref<!tpu.dma_semaphore, #tpu.memory_space<semaphore_mem>>) src(%dma_wait3A_447 : memref<128x128xbf16, #tpu.memory_space<vmem>>) dst(%dma_wait3A_443 : memref<128x128xbf16, #tpu.memory_space<hbm>>)
        %add3A_448 = arith.constant 4 : i32
        %add3A_449 = arith.addi %mul3A_279, %add3A_448 : i32
        %add3A_450 = arith.constant 0 : i32
        %add3A_451 = arith.addi %add3A_449, %add3A_450 : i32
        %dma_start3A_452 = arith.constant 0 : i32
        %dma_start3A_453 = arith.constant 0 : i32
        %dma_start3A_454 = arith.constant 0 : i32
        %dma_start3A_455 = tpu.memref_slice %arg14[%dma_start3A_452, %dma_start3A_453, %dma_start3A_454] : memref<4x128x128xbf16, #tpu.memory_space<vmem>> -> memref<1x128x128xbf16, #tpu.memory_space<vmem>>
        %dma_start3A_456 = tpu.memref_squeeze %dma_start3A_455 : memref<1x128x128xbf16, #tpu.memory_space<vmem>> -> memref<128x128xbf16, #tpu.memory_space<vmem>>
        %dma_start3A_457 = arith.constant 0 : i32
        %dma_start3A_458 = tpu.memref_slice %arg13[%add3A_451, %dma_start3A_457] : memref<40x128xi32, #tpu.memory_space<vmem>> -> memref<1x128xi32, #tpu.memory_space<vmem>>
        %dma_start3A_459 = tpu.memref_squeeze %dma_start3A_458 : memref<1x128xi32, #tpu.memory_space<vmem>> -> memref<128xi32, #tpu.memory_space<vmem>>
        %dma_start3A_460 = arith.constant 0 : i32
        %dma_start3A_461 = arith.constant 0 : i32
        %dma_start3A_462 = tpu.memref_slice %arg6[%dma_start3A_460, %dma_start3A_461] : memref<475x128xbf16, #tpu.memory_space<hbm>> -> memref<475x128xbf16, #tpu.memory_space<hbm>>
        tpu.enqueue_indirect_dma source(%dma_start3A_462 : memref<475x128xbf16, #tpu.memory_space<hbm>>) target(%dma_start3A_456 : memref<128x128xbf16, #tpu.memory_space<vmem>>) offsets(%dma_start3A_459 : memref<128xi32, #tpu.memory_space<vmem>>) semaphore(%arg15 : memref<!tpu.dma_semaphore, #tpu.memory_space<semaphore_mem>>)
        %add3A_463 = arith.constant 1 : i32
        %add3A_464 = arith.addi %add3A_449, %add3A_463 : i32
        %dma_start3A_465 = arith.constant 1 : i32
        %dma_start3A_466 = arith.constant 0 : i32
        %dma_start3A_467 = arith.constant 0 : i32
        %dma_start3A_468 = tpu.memref_slice %arg14[%dma_start3A_465, %dma_start3A_466, %dma_start3A_467] : memref<4x128x128xbf16, #tpu.memory_space<vmem>> -> memref<1x128x128xbf16, #tpu.memory_space<vmem>>
        %dma_start3A_469 = tpu.memref_squeeze %dma_start3A_468 : memref<1x128x128xbf16, #tpu.memory_space<vmem>> -> memref<128x128xbf16, #tpu.memory_space<vmem>>
        %dma_start3A_470 = arith.constant 0 : i32
        %dma_start3A_471 = tpu.memref_slice %arg13[%add3A_464, %dma_start3A_470] : memref<40x128xi32, #tpu.memory_space<vmem>> -> memref<1x128xi32, #tpu.memory_space<vmem>>
        %dma_start3A_472 = tpu.memref_squeeze %dma_start3A_471 : memref<1x128xi32, #tpu.memory_space<vmem>> -> memref<128xi32, #tpu.memory_space<vmem>>
        %dma_start3A_473 = arith.constant 0 : i32
        %dma_start3A_474 = arith.constant 0 : i32
        %dma_start3A_475 = tpu.memref_slice %arg6[%dma_start3A_473, %dma_start3A_474] : memref<475x128xbf16, #tpu.memory_space<hbm>> -> memref<475x128xbf16, #tpu.memory_space<hbm>>
        tpu.enqueue_indirect_dma source(%dma_start3A_475 : memref<475x128xbf16, #tpu.memory_space<hbm>>) target(%dma_start3A_469 : memref<128x128xbf16, #tpu.memory_space<vmem>>) offsets(%dma_start3A_472 : memref<128xi32, #tpu.memory_space<vmem>>) semaphore(%arg15 : memref<!tpu.dma_semaphore, #tpu.memory_space<semaphore_mem>>)
        %add3A_476 = arith.constant 0 : i32
        %add3A_477 = arith.addi %add3A_281, %add3A_476 : i32
        %mul3A_478 = arith.constant 128 : i32
        %mul3A_479 = arith.muli %add3A_477, %mul3A_478 : i32
        %add3A_480 = arith.addi %mul3A_2, %mul3A_479 : i32
        %dma_wait3A_481 = arith.constant 2 : i32
        %dma_wait3A_482 = arith.constant 0 : i32
        %dma_wait3A_483 = arith.constant 0 : i32
        %dma_wait3A_484 = tpu.memref_slice %arg14[%dma_wait3A_481, %dma_wait3A_482, %dma_wait3A_483] : memref<4x128x128xbf16, #tpu.memory_space<vmem>> -> memref<1x128x128xbf16, #tpu.memory_space<vmem>>
        %dma_wait3A_485 = tpu.memref_squeeze %dma_wait3A_484 : memref<1x128x128xbf16, #tpu.memory_space<vmem>> -> memref<128x128xbf16, #tpu.memory_space<vmem>>
        %dma_wait3A_486 = arith.constant 0 : i32
        %dma_wait3A_487 = tpu.memref_slice %arg12[%add3A_480, %dma_wait3A_486] : memref<163840x128xbf16, #tpu.memory_space<hbm>> -> memref<128x128xbf16, #tpu.memory_space<hbm>>
        %dma_wait3A_488 = arith.constant 0 : i32
        %dma_wait3A_489 = tpu.memref_slice %arg12[%add3A_480, %dma_wait3A_488] : memref<163840x128xbf16, #tpu.memory_space<hbm>> -> memref<128x128xbf16, #tpu.memory_space<hbm>>
        %dma_wait3A_490 = arith.constant 0 : i32
        %dma_wait3A_491 = arith.constant 0 : i32
        %dma_wait3A_492 = tpu.memref_slice %arg14[%dma_wait3A_481, %dma_wait3A_490, %dma_wait3A_491] : memref<4x128x128xbf16, #tpu.memory_space<vmem>> -> memref<1x128x128xbf16, #tpu.memory_space<vmem>>
        %dma_wait3A_493 = tpu.memref_squeeze %dma_wait3A_492 : memref<1x128x128xbf16, #tpu.memory_space<vmem>> -> memref<128x128xbf16, #tpu.memory_space<vmem>>
        tpu.wait_dma2 semaphore(%arg18 : memref<!tpu.dma_semaphore, #tpu.memory_space<semaphore_mem>>) src(%dma_wait3A_493 : memref<128x128xbf16, #tpu.memory_space<vmem>>) dst(%dma_wait3A_489 : memref<128x128xbf16, #tpu.memory_space<hbm>>)
        %add3A_494 = arith.constant 1 : i32
        %add3A_495 = arith.addi %add3A_281, %add3A_494 : i32
        %mul3A_496 = arith.constant 128 : i32
        %mul3A_497 = arith.muli %add3A_495, %mul3A_496 : i32
        %add3A_498 = arith.addi %mul3A_2, %mul3A_497 : i32
        %dma_wait3A_499 = arith.constant 3 : i32
        %dma_wait3A_500 = arith.constant 0 : i32
        %dma_wait3A_501 = arith.constant 0 : i32
        %dma_wait3A_502 = tpu.memref_slice %arg14[%dma_wait3A_499, %dma_wait3A_500, %dma_wait3A_501] : memref<4x128x128xbf16, #tpu.memory_space<vmem>> -> memref<1x128x128xbf16, #tpu.memory_space<vmem>>
        %dma_wait3A_503 = tpu.memref_squeeze %dma_wait3A_502 : memref<1x128x128xbf16, #tpu.memory_space<vmem>> -> memref<128x128xbf16, #tpu.memory_space<vmem>>
        %dma_wait3A_504 = arith.constant 0 : i32
        %dma_wait3A_505 = tpu.memref_slice %arg12[%add3A_498, %dma_wait3A_504] : memref<163840x128xbf16, #tpu.memory_space<hbm>> -> memref<128x128xbf16, #tpu.memory_space<hbm>>
        %dma_wait3A_506 = arith.constant 0 : i32
        %dma_wait3A_507 = tpu.memref_slice %arg12[%add3A_498, %dma_wait3A_506] : memref<163840x128xbf16, #tpu.memory_space<hbm>> -> memref<128x128xbf16, #tpu.memory_space<hbm>>
        %dma_wait3A_508 = arith.constant 0 : i32
        %dma_wait3A_509 = arith.constant 0 : i32
        %dma_wait3A_510 = tpu.memref_slice %arg14[%dma_wait3A_499, %dma_wait3A_508, %dma_wait3A_509] : memref<4x128x128xbf16, #tpu.memory_space<vmem>> -> memref<1x128x128xbf16, #tpu.memory_space<vmem>>
        %dma_wait3A_511 = tpu.memref_squeeze %dma_wait3A_510 : memref<1x128x128xbf16, #tpu.memory_space<vmem>> -> memref<128x128xbf16, #tpu.memory_space<vmem>>
        tpu.wait_dma2 semaphore(%arg18 : memref<!tpu.dma_semaphore, #tpu.memory_space<semaphore_mem>>) src(%dma_wait3A_511 : memref<128x128xbf16, #tpu.memory_space<vmem>>) dst(%dma_wait3A_507 : memref<128x128xbf16, #tpu.memory_space<hbm>>)
        %add3A_512 = arith.constant 4 : i32
        %add3A_513 = arith.addi %add3A_281, %add3A_512 : i32
        %add3A_514 = arith.constant 0 : i32
        %add3A_515 = arith.addi %add3A_513, %add3A_514 : i32
        %dma_start3A_516 = arith.constant 2 : i32
        %dma_start3A_517 = arith.constant 0 : i32
        %dma_start3A_518 = arith.constant 0 : i32
        %dma_start3A_519 = tpu.memref_slice %arg14[%dma_start3A_516, %dma_start3A_517, %dma_start3A_518] : memref<4x128x128xbf16, #tpu.memory_space<vmem>> -> memref<1x128x128xbf16, #tpu.memory_space<vmem>>
        %dma_start3A_520 = tpu.memref_squeeze %dma_start3A_519 : memref<1x128x128xbf16, #tpu.memory_space<vmem>> -> memref<128x128xbf16, #tpu.memory_space<vmem>>
        %dma_start3A_521 = arith.constant 0 : i32
        %dma_start3A_522 = tpu.memref_slice %arg13[%add3A_515, %dma_start3A_521] : memref<40x128xi32, #tpu.memory_space<vmem>> -> memref<1x128xi32, #tpu.memory_space<vmem>>
        %dma_start3A_523 = tpu.memref_squeeze %dma_start3A_522 : memref<1x128xi32, #tpu.memory_space<vmem>> -> memref<128xi32, #tpu.memory_space<vmem>>
        %dma_start3A_524 = arith.constant 0 : i32
        %dma_start3A_525 = arith.constant 0 : i32
        %dma_start3A_526 = tpu.memref_slice %arg6[%dma_start3A_524, %dma_start3A_525] : memref<475x128xbf16, #tpu.memory_space<hbm>> -> memref<475x128xbf16, #tpu.memory_space<hbm>>
        tpu.enqueue_indirect_dma source(%dma_start3A_526 : memref<475x128xbf16, #tpu.memory_space<hbm>>) target(%dma_start3A_520 : memref<128x128xbf16, #tpu.memory_space<vmem>>) offsets(%dma_start3A_523 : memref<128xi32, #tpu.memory_space<vmem>>) semaphore(%arg16 : memref<!tpu.dma_semaphore, #tpu.memory_space<semaphore_mem>>)
        %add3A_527 = arith.constant 1 : i32
        %add3A_528 = arith.addi %add3A_513, %add3A_527 : i32
        %dma_start3A_529 = arith.constant 3 : i32
        %dma_start3A_530 = arith.constant 0 : i32
        %dma_start3A_531 = arith.constant 0 : i32
        %dma_start3A_532 = tpu.memref_slice %arg14[%dma_start3A_529, %dma_start3A_530, %dma_start3A_531] : memref<4x128x128xbf16, #tpu.memory_space<vmem>> -> memref<1x128x128xbf16, #tpu.memory_space<vmem>>
        %dma_start3A_533 = tpu.memref_squeeze %dma_start3A_532 : memref<1x128x128xbf16, #tpu.memory_space<vmem>> -> memref<128x128xbf16, #tpu.memory_space<vmem>>
        %dma_start3A_534 = arith.constant 0 : i32
        %dma_start3A_535 = tpu.memref_slice %arg13[%add3A_528, %dma_start3A_534] : memref<40x128xi32, #tpu.memory_space<vmem>> -> memref<1x128xi32, #tpu.memory_space<vmem>>
        %dma_start3A_536 = tpu.memref_squeeze %dma_start3A_535 : memref<1x128xi32, #tpu.memory_space<vmem>> -> memref<128xi32, #tpu.memory_space<vmem>>
        %dma_start3A_537 = arith.constant 0 : i32
        %dma_start3A_538 = arith.constant 0 : i32
        %dma_start3A_539 = tpu.memref_slice %arg6[%dma_start3A_537, %dma_start3A_538] : memref<475x128xbf16, #tpu.memory_space<hbm>> -> memref<475x128xbf16, #tpu.memory_space<hbm>>
        tpu.enqueue_indirect_dma source(%dma_start3A_539 : memref<475x128xbf16, #tpu.memory_space<hbm>>) target(%dma_start3A_533 : memref<128x128xbf16, #tpu.memory_space<vmem>>) offsets(%dma_start3A_536 : memref<128xi32, #tpu.memory_space<vmem>>) semaphore(%arg16 : memref<!tpu.dma_semaphore, #tpu.memory_space<semaphore_mem>>)
      } else {
      }
      %eq3A = arith.constant 9 : i32
      %eq3A_407 = arith.cmpi eq, %scan3A_276, %eq3A : i32
      %convert_element_type3A_408 = arith.extui %eq3A_407 : i1 to i32
      %cond3A_409 = arith.constant 0 : i32
      %cond3A_410 = arith.cmpi ne, %convert_element_type3A_408, %cond3A_409 : i32
      scf.if %cond3A_410 {
        %add3A_412 = arith.constant 0 : i32
        %add3A_413 = arith.addi %mul3A_279, %add3A_412 : i32
        %mul3A_414 = arith.constant 128 : i32
        %mul3A_415 = arith.muli %add3A_413, %mul3A_414 : i32
        %add3A_416 = arith.addi %mul3A_2, %mul3A_415 : i32
        %dma_wait3A_417 = arith.constant 0 : i32
        %dma_wait3A_418 = arith.constant 0 : i32
        %dma_wait3A_419 = arith.constant 0 : i32
        %dma_wait3A_420 = tpu.memref_slice %arg14[%dma_wait3A_417, %dma_wait3A_418, %dma_wait3A_419] : memref<4x128x128xbf16, #tpu.memory_space<vmem>> -> memref<1x128x128xbf16, #tpu.memory_space<vmem>>
        %dma_wait3A_421 = tpu.memref_squeeze %dma_wait3A_420 : memref<1x128x128xbf16, #tpu.memory_space<vmem>> -> memref<128x128xbf16, #tpu.memory_space<vmem>>
        %dma_wait3A_422 = arith.constant 0 : i32
        %dma_wait3A_423 = tpu.memref_slice %arg12[%add3A_416, %dma_wait3A_422] : memref<163840x128xbf16, #tpu.memory_space<hbm>> -> memref<128x128xbf16, #tpu.memory_space<hbm>>
        %dma_wait3A_424 = arith.constant 0 : i32
        %dma_wait3A_425 = tpu.memref_slice %arg12[%add3A_416, %dma_wait3A_424] : memref<163840x128xbf16, #tpu.memory_space<hbm>> -> memref<128x128xbf16, #tpu.memory_space<hbm>>
        %dma_wait3A_426 = arith.constant 0 : i32
        %dma_wait3A_427 = arith.constant 0 : i32
        %dma_wait3A_428 = tpu.memref_slice %arg14[%dma_wait3A_417, %dma_wait3A_426, %dma_wait3A_427] : memref<4x128x128xbf16, #tpu.memory_space<vmem>> -> memref<1x128x128xbf16, #tpu.memory_space<vmem>>
        %dma_wait3A_429 = tpu.memref_squeeze %dma_wait3A_428 : memref<1x128x128xbf16, #tpu.memory_space<vmem>> -> memref<128x128xbf16, #tpu.memory_space<vmem>>
        tpu.wait_dma2 semaphore(%arg17 : memref<!tpu.dma_semaphore, #tpu.memory_space<semaphore_mem>>) src(%dma_wait3A_429 : memref<128x128xbf16, #tpu.memory_space<vmem>>) dst(%dma_wait3A_425 : memref<128x128xbf16, #tpu.memory_space<hbm>>)
        %add3A_430 = arith.constant 1 : i32
        %add3A_431 = arith.addi %mul3A_279, %add3A_430 : i32
        %mul3A_432 = arith.constant 128 : i32
        %mul3A_433 = arith.muli %add3A_431, %mul3A_432 : i32
        %add3A_434 = arith.addi %mul3A_2, %mul3A_433 : i32
        %dma_wait3A_435 = arith.constant 1 : i32
        %dma_wait3A_436 = arith.constant 0 : i32
        %dma_wait3A_437 = arith.constant 0 : i32
        %dma_wait3A_438 = tpu.memref_slice %arg14[%dma_wait3A_435, %dma_wait3A_436, %dma_wait3A_437] : memref<4x128x128xbf16, #tpu.memory_space<vmem>> -> memref<1x128x128xbf16, #tpu.memory_space<vmem>>
        %dma_wait3A_439 = tpu.memref_squeeze %dma_wait3A_438 : memref<1x128x128xbf16, #tpu.memory_space<vmem>> -> memref<128x128xbf16, #tpu.memory_space<vmem>>
        %dma_wait3A_440 = arith.constant 0 : i32
        %dma_wait3A_441 = tpu.memref_slice %arg12[%add3A_434, %dma_wait3A_440] : memref<163840x128xbf16, #tpu.memory_space<hbm>> -> memref<128x128xbf16, #tpu.memory_space<hbm>>
        %dma_wait3A_442 = arith.constant 0 : i32
        %dma_wait3A_443 = tpu.memref_slice %arg12[%add3A_434, %dma_wait3A_442] : memref<163840x128xbf16, #tpu.memory_space<hbm>> -> memref<128x128xbf16, #tpu.memory_space<hbm>>
        %dma_wait3A_444 = arith.constant 0 : i32
        %dma_wait3A_445 = arith.constant 0 : i32
        %dma_wait3A_446 = tpu.memref_slice %arg14[%dma_wait3A_435, %dma_wait3A_444, %dma_wait3A_445] : memref<4x128x128xbf16, #tpu.memory_space<vmem>> -> memref<1x128x128xbf16, #tpu.memory_space<vmem>>
        %dma_wait3A_447 = tpu.memref_squeeze %dma_wait3A_446 : memref<1x128x128xbf16, #tpu.memory_space<vmem>> -> memref<128x128xbf16, #tpu.memory_space<vmem>>
        tpu.wait_dma2 semaphore(%arg17 : memref<!tpu.dma_semaphore, #tpu.memory_space<semaphore_mem>>) src(%dma_wait3A_447 : memref<128x128xbf16, #tpu.memory_space<vmem>>) dst(%dma_wait3A_443 : memref<128x128xbf16, #tpu.memory_space<hbm>>)
        %add3A_448 = arith.constant 0 : i32
        %add3A_449 = arith.addi %add3A_281, %add3A_448 : i32
        %mul3A_450 = arith.constant 128 : i32
        %mul3A_451 = arith.muli %add3A_449, %mul3A_450 : i32
        %add3A_452 = arith.addi %mul3A_2, %mul3A_451 : i32
        %dma_wait3A_453 = arith.constant 2 : i32
        %dma_wait3A_454 = arith.constant 0 : i32
        %dma_wait3A_455 = arith.constant 0 : i32
        %dma_wait3A_456 = tpu.memref_slice %arg14[%dma_wait3A_453, %dma_wait3A_454, %dma_wait3A_455] : memref<4x128x128xbf16, #tpu.memory_space<vmem>> -> memref<1x128x128xbf16, #tpu.memory_space<vmem>>
        %dma_wait3A_457 = tpu.memref_squeeze %dma_wait3A_456 : memref<1x128x128xbf16, #tpu.memory_space<vmem>> -> memref<128x128xbf16, #tpu.memory_space<vmem>>
        %dma_wait3A_458 = arith.constant 0 : i32
        %dma_wait3A_459 = tpu.memref_slice %arg12[%add3A_452, %dma_wait3A_458] : memref<163840x128xbf16, #tpu.memory_space<hbm>> -> memref<128x128xbf16, #tpu.memory_space<hbm>>
        %dma_wait3A_460 = arith.constant 0 : i32
        %dma_wait3A_461 = tpu.memref_slice %arg12[%add3A_452, %dma_wait3A_460] : memref<163840x128xbf16, #tpu.memory_space<hbm>> -> memref<128x128xbf16, #tpu.memory_space<hbm>>
        %dma_wait3A_462 = arith.constant 0 : i32
        %dma_wait3A_463 = arith.constant 0 : i32
        %dma_wait3A_464 = tpu.memref_slice %arg14[%dma_wait3A_453, %dma_wait3A_462, %dma_wait3A_463] : memref<4x128x128xbf16, #tpu.memory_space<vmem>> -> memref<1x128x128xbf16, #tpu.memory_space<vmem>>
        %dma_wait3A_465 = tpu.memref_squeeze %dma_wait3A_464 : memref<1x128x128xbf16, #tpu.memory_space<vmem>> -> memref<128x128xbf16, #tpu.memory_space<vmem>>
        tpu.wait_dma2 semaphore(%arg18 : memref<!tpu.dma_semaphore, #tpu.memory_space<semaphore_mem>>) src(%dma_wait3A_465 : memref<128x128xbf16, #tpu.memory_space<vmem>>) dst(%dma_wait3A_461 : memref<128x128xbf16, #tpu.memory_space<hbm>>)
        %add3A_466 = arith.constant 1 : i32
        %add3A_467 = arith.addi %add3A_281, %add3A_466 : i32
        %mul3A_468 = arith.constant 128 : i32
        %mul3A_469 = arith.muli %add3A_467, %mul3A_468 : i32
        %add3A_470 = arith.addi %mul3A_2, %mul3A_469 : i32
        %dma_wait3A_471 = arith.constant 3 : i32
        %dma_wait3A_472 = arith.constant 0 : i32
        %dma_wait3A_473 = arith.constant 0 : i32
        %dma_wait3A_474 = tpu.memref_slice %arg14[%dma_wait3A_471, %dma_wait3A_472, %dma_wait3A_473] : memref<4x128x128xbf16, #tpu.memory_space<vmem>> -> memref<1x128x128xbf16, #tpu.memory_space<vmem>>
        %dma_wait3A_475 = tpu.memref_squeeze %dma_wait3A_474 : memref<1x128x128xbf16, #tpu.memory_space<vmem>> -> memref<128x128xbf16, #tpu.memory_space<vmem>>
        %dma_wait3A_476 = arith.constant 0 : i32
        %dma_wait3A_477 = tpu.memref_slice %arg12[%add3A_470, %dma_wait3A_476] : memref<163840x128xbf16, #tpu.memory_space<hbm>> -> memref<128x128xbf16, #tpu.memory_space<hbm>>
        %dma_wait3A_478 = arith.constant 0 : i32
        %dma_wait3A_479 = tpu.memref_slice %arg12[%add3A_470, %dma_wait3A_478] : memref<163840x128xbf16, #tpu.memory_space<hbm>> -> memref<128x128xbf16, #tpu.memory_space<hbm>>
        %dma_wait3A_480 = arith.constant 0 : i32
        %dma_wait3A_481 = arith.constant 0 : i32
        %dma_wait3A_482 = tpu.memref_slice %arg14[%dma_wait3A_471, %dma_wait3A_480, %dma_wait3A_481] : memref<4x128x128xbf16, #tpu.memory_space<vmem>> -> memref<1x128x128xbf16, #tpu.memory_space<vmem>>
        %dma_wait3A_483 = tpu.memref_squeeze %dma_wait3A_482 : memref<1x128x128xbf16, #tpu.memory_space<vmem>> -> memref<128x128xbf16, #tpu.memory_space<vmem>>
        tpu.wait_dma2 semaphore(%arg18 : memref<!tpu.dma_semaphore, #tpu.memory_space<semaphore_mem>>) src(%dma_wait3A_483 : memref<128x128xbf16, #tpu.memory_space<vmem>>) dst(%dma_wait3A_479 : memref<128x128xbf16, #tpu.memory_space<hbm>>)
      } else {
      }
      %scan3A_411 = arith.constant 0 : i32
      scf.yield %scan3A_411 : i32
    }
    %scan3A_275 = arith.constant 10 : i32
    return
  }
}

</mosaic_0001>

<sc_bundles>
// kernel: _sc_gather_multi.3.cloned.1.call-start
scs
__scs_entry_jumppad:
0x0: {  	(pc) =	sbr.rel $0x88, $3  }
0x1: {  	(tag) =	ssettag $0x0;
	lr =	simm.s32 $0x1  }
0x2: {  	[smem:$0x3F9B] =	sst lr;
	_ =	strace $0xD0000000  }
0x3: {  	_ = 	snop  }
0x4: {  	_ = 	snop  }
0x5: {  	_ = 	snop  }
0x6: {  	_ = 	snop  }
0x7: {  	_ = 	snop  }
__scs_overlays_trampoline_lowered:
0x8: {  	[smem:$0x3FAA] =	sst s0  }
0x9: {  	[smem:$0x3FAB] =	sst s1  }
0xa: {  	[smem:$0x3FAC] =	sst s2  }
0xb: {  	[smem:$0x3FAD] =	sst s3  }
0xc: {  	[smem:$0x3FAE] =	sst s4  }
0xd: {  	[smem:$0x3FAF] =	sst s5  }
0xe: {  	[smem:$0x3FB0] =	sst s6  }
0xf: {  	[smem:$0x3FB1] =	sst s7  }
0x10: {  	[smem:$0x3FB2] =	sst s8  }
0x11: {  	[smem:$0x3FB3] =	sst s9;
	s0 =	simm.s32 @!p0 $0x0  }
0x12: {  	s1 =	sld [smem:$0x3F99];
	s0 =	simm.s32 @p0 $0x1  }
0x13: {  	[smem:$0x3FB4] =	sst s0;
	s0 =	simm.s32 @!p1 $0x0  }
0x14: {  	s2 =	sld [smem:$0x3F98];
	s0 =	simm.s32 @p1 $0x1  }
0x15: {  	[smem:$0x3FB5] =	sst s0;
	s0 =	simm.s32 @!p2 $0x0  }
0x16: {  	s3 =	sld [smem:$0x3FDB];
	s0 =	simm.s32 @p2 $0x1  }
0x17: {  	s4 =	simm.s32 $0x1BF5;
	[smem:$0x3FB7] =	sst s0  }
0x18: {  	s0 =	sld [smem:$0x3F9A];
	_ =	swait.ge [sflag:s4], $0x0  }
0x19: {  	s7 =	sld [smem:$0x3F9B]  }
0x1a: {  	s8 =	sadd.s32 $0xFFFFE003, lr  }
0x1b: {  	s9 =	sadd.s32 $0xFFFFFEF7, lr;
	s5 =	simm.s32 $0xFFFFFFFF;
	p2 =	slt.u32 s8, $0xFFFFF086  }
0x1c: {  	p1 =	slt.u32 s9, $0xF7A;
	s5 =	simm.s32 @!p2 $0x0  }
0x1d: {  	s5 =	simm.s32 @p1 $0x1;
	p0 =	seq.s32 s7, s2  }
0x1e: {  	s7 =	smul.u32 @!p0 $0xF7A, s2;
	p2 =	seq.s32 @!p0 s5, $0x0  }
0x1f: {  	s9 =	smul.u32 $0xF7A, s1;
	s8 =	simm.s32 @!p0 $0x1BF5;
	p2 =	por !p2, p0  }
0x20: {  	[sflag:s8] =	ssyncset.s32 @!p0 $0xFFFFF086;
	s6 =	sadd.s32 @!p0 s3, s7;
	s7 =	simm.s32 @!p0 $0x108  }
0x21: {  	s3 =	sadd.s32 s3, s9;
	s6 =	sadd.s32 @!p0 $0x88, s6;
	s7 =	simm.s32 @p2 $0x1082  }
0x22: {  	[simem:s7], [sflag:s8] =	dma.local @!p0 [hbm:s6], $0xF7A  }
0x23: {  	s9 =	sor.u32 $0xD0000000, s2;
	s6 =	simm.s32 $0x108;
	_ =	swait.ge @!p0 [sflag:s8], $0x0  }
0x24: {  	s3 =	sadd.s32 $0x88, s3;
	s6 =	simm.s32 @!p1 $0x1082;
	[sflag:s4] =	ssyncset.s32 $0xFFFFF086  }
0x25: {  	[simem:s6], [sflag:s4] =	dma.local [hbm:s3], $0xF7A  }
0x26: {  	[smem:$0x3F9B] =	sst s1;
	(tag) =	ssettag s2;
	_ =	strace s9  }
0x27: {  	s1 =	sld [smem:$0x3FAB]  }
0x28: {  	s2 =	sld [smem:$0x3FAC]  }
0x29: {  	s4 =	sld [smem:$0x3FAE]  }
0x2a: {  	p0 =	seq.s32 s5, $0x0;
	s5 =	sld [smem:$0x3FAF]  }
0x2b: {  	s6 =	sld [smem:$0x3FB0]  }
0x2c: {  	s7 =	sld [smem:$0x3FB1]  }
0x2d: {  	s3 =	simm.s32 $0x108;
	s8 =	sld [smem:$0x3FB2]  }
0x2e: {  	s3 =	simm.s32 @!p0 $0x1082;
	s9 =	sld [smem:$0x3FB3]  }
0x2f: {  	lr =	sadd.s32 s0, s3;
	s0 =	sld [smem:$0x3FAA]  }
0x30: {  	s3 =	sld [smem:$0x3FAD]  }
0x31: {  	[smem:$0x3FB6] =	sst s10  }
0x32: {  	s10 =	sld [smem:$0x3FB4];
	_ =	sdelay $0x3  }
0x33: {  	p0 =	seq.s32 s10, $0x1;
	s10 =	sld [smem:$0x3FB6];
	_ =	sdelay $0x3  }
0x34: {  	[smem:$0x3FB6] =	sst s10  }
0x35: {  	s10 =	sld [smem:$0x3FB5];
	_ =	sdelay $0x3  }
0x36: {  	p1 =	seq.s32 s10, $0x1;
	s10 =	sld [smem:$0x3FB6];
	_ =	sdelay $0x3  }
0x37: {  	[smem:$0x3FB6] =	sst s10  }
0x38: {  	s10 =	sld [smem:$0x3FB7]  }
0x39: {  	_ = 	snop;
	(pc) =	sbr.ind lr, $3  }
0x3a: {  	_ = 	snop  }
0x3b: {  	_ = 	snop  }
0x3c: {  	p2 =	seq.s32 s10, $0x1;
	s10 =	sld [smem:$0x3FB6]  }
0x3d: {  	_ =	shalt  }
0x3e: {  	_ =	shalt  }
0x3f: {  	_ =	shalt  }
0x40: {  	_ =	shalt  }
0x41: {  	_ =	shalt  }
0x42: {  	_ =	shalt  }
0x43: {  	_ =	shalt  }
0x44: {  	_ =	shalt  }
0x45: {  	_ =	shalt  }
0x46: {  	_ =	shalt  }
0x47: {  	_ =	shalt  }
0x48: {  	_ =	shalt  }
0x49: {  	_ =	shalt  }
0x4a: {  	_ =	shalt  }
0x4b: {  	_ =	shalt  }
0x4c: {  	_ =	shalt  }
0x4d: {  	_ =	shalt  }
0x4e: {  	_ =	shalt  }
0x4f: {  	_ =	shalt  }
0x50: {  	_ =	shalt  }
0x51: {  	_ =	shalt  }
0x52: {  	_ =	shalt  }
0x53: {  	_ =	shalt  }
0x54: {  	_ =	shalt  }
0x55: {  	_ =	shalt  }
0x56: {  	_ =	shalt  }
0x57: {  	_ =	shalt  }
0x58: {  	_ =	shalt  }
0x59: {  	_ =	shalt  }
0x5a: {  	_ =	shalt  }
0x5b: {  	_ =	shalt  }
0x5c: {  	_ =	shalt  }
0x5d: {  	_ =	shalt  }
0x5e: {  	_ =	shalt  }
0x5f: {  	_ =	shalt  }
0x60: {  	_ =	shalt  }
0x61: {  	_ =	shalt  }
0x62: {  	_ =	shalt  }
0x63: {  	_ =	shalt  }
0x64: {  	_ =	shalt  }
0x65: {  	_ =	shalt  }
0x66: {  	_ =	shalt  }
0x67: {  	_ =	shalt  }
0x68: {  	_ =	shalt  }
0x69: {  	_ =	shalt  }
0x6a: {  	_ =	shalt  }
0x6b: {  	_ =	shalt  }
0x6c: {  	_ =	shalt  }
0x6d: {  	_ =	shalt  }
0x6e: {  	_ =	shalt  }
0x6f: {  	_ =	shalt  }
0x70: {  	_ =	shalt  }
0x71: {  	_ =	shalt  }
0x72: {  	_ =	shalt  }
0x73: {  	_ =	shalt  }
0x74: {  	_ =	shalt  }
0x75: {  	_ =	shalt  }
0x76: {  	_ =	shalt  }
0x77: {  	_ =	shalt  }
0x78: {  	_ =	shalt  }
0x79: {  	_ =	shalt  }
0x7a: {  	_ =	shalt  }
0x7b: {  	_ =	shalt  }
0x7c: {  	_ =	shalt  }
0x7d: {  	_ =	shalt  }
0x7e: {  	_ =	shalt  }
0x7f: {  	_ =	shalt  }
0x80: {  	_ =	shalt  }
0x81: {  	_ =	shalt  }
0x82: {  	_ =	shalt  }
0x83: {  	_ =	shalt  }
0x84: {  	_ =	shalt  }
0x85: {  	_ =	shalt  }
0x86: {  	_ =	shalt  }
0x87: {  	_ =	shalt  }
.Lfunc_end0:
.L_simem_size_0:
called_computation_lowered:
.L_overlay_start_0:
0x88: {  	s2 =	sld [smem:$0x3FD9]  }
0x89: {  	s3 =	sld [smem:$0x3FFE];
	_ =	sdelay $0x1  }
0x8a: {  	s1 =	srdreg.scid  }
0x8b: {  	s0 =	sand.u32 $0x1, s1  }
0x8c: {  	s14 =	sshll.u32 s0, $0xA;
	s2 =	sadd.s32 s3, s2  }
0x8d: {  	s2 =	sadd.s32 s2, s14  }
0x8e: {  	[smem:$0x3FC2] =	sst s2  }
0x8f: {  	_ = 	snop  }
0x90: {  	s2 =	sld [smem:$0x3FD0];
	_ =	sdelay $0x2  }
0x91: {  	s4 =	simm.s32 $0xA;
	s5 =	simm.s32 $0x10;
	s15 =	sld [smem:$0x3FC4]  }
0x92: {  	[smem:s5], [sflag:s4] =	dma.local [hbm:s2], $0x1  }
0x93: {  	_ =	swait.eq [sflag:s4], $0x1  }
0x94: {  	s16 =	sld [smem:$0x10]  }
0x95: {  	s17 =	sld [smem:$0x11]  }
0x96: {  	s6 =	sld [smem:$0x12];
	[sflag:s4] =	ssyncset.done $0x0  }
0x97: {  	s7 =	sld [smem:$0x13];
	[sflag:s4] =	ssyncadd.s32 $0xFFFFFFFF  }
0x98: {  	s18 =	sld [smem:$0x14];
	(tm) =	ssettm $0x1  }
0x99: {  	s8 =	sld [smem:$0x3FFB];
	_ =	sdelay $0x3  }
0x9a: {  	_ =	strace s8  }
0x9b: {  	s8 =	sld [smem:$0x3FFC];
	_ =	sdelay $0x3  }
0x9c: {  	_ =	strace s8  }
0x9d: {  	s8 =	sld [smem:$0x3FFD];
	_ =	sdelay $0x3  }
0x9e: {  	_ =	strace s8  }
0x9f: {  	_ =	strace $0x8FFFFFFF  }
0xa0: {  	s19 =	sld [smem:$0x3FDB];
	_ =	sdelay $0x1  }
0xa1: {  	s9 =	simm.s32 $_scs_section_size  }
0xa2: {  	s10 =	simm.s32 $_size__tile_overlayer_lowered;
	s11 =	simm.s32 $_tile_overlayer_lowered  }
0xa3: {  	s22 =	simm.s32 $0x1BFF;
	s21 =	sshll.u32 s11, $0x1;
	s8 =	sadd.s32 s9, s19  }
0xa4: {  	s12 =	simm.s32 $0x0;
	s20 =	sshll.u32 s10, $0x1;
	s10 =	sadd.s32 s21, s8  }
0xa5: {  	[timem:s12], [sflag:s22] =	dma.local [hbm:s10], s20  }
0xa6: {  	_ =	swait.ge [sflag:s22], s20  }
0xa7: {  	s9 =	ssub.s32 $0x0, s20;
	[sflag:s22] =	ssyncset.done $0x0  }
0xa8: {  	[sflag:s22] =	ssyncadd.s32 s9;
	_ =	sdelay $0x1  }
0xa9: {  	s23 =	simm.s32 $0x1B8B  }
0xaa: {  	_ =	swait.ge [sflag:s23], $0x1  }
0xab: {  	[sflag:s23] =	ssyncset.done $0x0  }
0xac: {  	s25 =	simm.s32 $0x1B8E;
	s24 =	sld [smem:$0x3FFE];
	[sflag:s23] =	ssyncadd.s32 $0xFFFFFFFF  }
0xad: {  	s26 =	simm.s32 $execute0_lowered;
	[smem:$0x3FD2] =	sst s25  }
0xae: {  	s10 =	sshll.u32 s26, $0x1;
	_ =	strace $0x80000046;
	[dreg:$0x1] =	wrdreg $0xFFFFFFFF  }
0xaf: {  	s28 =	simm.s32 $_size_execute0_lowered;
	s8 =	sadd.s32 s8, s10;
	[dreg:$0x0] =	wrdreg $0x0  }
0xb0: {  	s10 =	sshll.u32 s28, $0x1;
	[dreg:$0x2] =	wrdreg s8  }
0xb1: {  	[dreg:$0x3] =	wrdreg s10  }
0xb2: {  	[dreg:$0x4] =	wrdreg $0xC0  }
0xb3: {  	_ =	task [dreg:s12], $0x5FFFF  }
0xb4: {  	[dreg:$0x1] =	wrdreg $0xFFFFFFFF  }
0xb5: {  	[dreg:$0x0] =	wrdreg $0x60  }
0xb6: {  	[dreg:$0x2] =	wrdreg s18  }
0xb7: {  	[dreg:$0x3] =	wrdreg s17  }
0xb8: {  	[dreg:$0x4] =	wrdreg s16  }
0xb9: {  	[dreg:$0x5] =	wrdreg s24  }
0xba: {  	[dreg:$0x6] =	wrdreg s15  }
0xbb: {  	[dreg:$0x7] =	wrdreg s7  }
0xbc: {  	[dreg:$0x8] =	wrdreg s6  }
0xbd: {  	[dreg:$0x9] =	wrdreg $0x9  }
0xbe: {  	_ =	task.clear_ibuf [dreg:s12], $0xAFFFF;
	_ =	strace $0x90000046  }
0xbf: {  	s29 =	simm.s32 $0x9;
	_ =	strace $0x80000048  }
0xc0: {  	_ =	swait.ge [sflag:s29], $0x1  }
0xc1: {  	[sflag:s29] =	ssyncadd.s32 $0xFFFFFFFF  }
0xc2: {  	_ =	strace $0x90000048  }
0xc3: {  	_ =	sfence  }
0xc4: {  	s30 =	sld [smem:$0x0];
	_ =	sdelay $0x2  }
0xc5: {  	s31 =	sshll.u32 s1, $0xD;
	s1 =	sshrl.u32 s1, $0x2  }
0xc6: {  	s3 =	sand.u32 $0x4000, s31;
	s1 =	sadd.s32 s1, s30  }
0xc7: {  	s0 =	sor.u32 s3, s0;
	s1 =	sshll.u32 s1, $0x11  }
0xc8: {  	s0 =	sor.u32 s1, s0  }
0xc9: {  	s0 =	sadd.s32 $0x8F2B, s0  }
0xca: {  	[sflag:s0] =	ssyncadd.remote.s32 $0x1  }
0xcb: {  	_ =	sfence.sel $0xFFFF  }
0xcc: {  	[dreg:$0x0] =	wrdreg $0xFFFFFFFF;
	(pc) =	sbr.abs _section_cstart, $3  }
0xcd: {  	[dreg:$0x1] =	wrdreg $0xFFFFFFFF  }
0xce: {  	_ =	task.clear_ibuf [dreg:s12], $0x2FFFF;
	_ =	strace $0x9FFFFFFF  }
0xcf: {  	(tm) =	ssettm $0x7FFFFFFF  }
tec
execute0_lowered:
.L_overlay_start_1:
0x0: {  	(tag) =	ssettag $0x1  }
0x1: {  	s1 =	rddreg [dreg:$0x0]  }
0x2: {  	s2 =	rddreg [dreg:$0x1]  }
0x3: {  	s0 =	srdreg.scid;
	s4 =	rddreg [dreg:$0x3]  }
0x4: {  	s12 =	stileid.u32;
	s5 =	rddreg [dreg:$0x4]  }
0x5: {  	s7 =	rddreg [dreg:$0x5];
	s8 =	smul.u32 $0x140000, s12  }
0x6: {  	s0 =	sand.u32 $0x1, s0;
	s3 =	sshll.u32 s12, $0x1;
	s12 =	smul.u32 $0x2800, s12  }
0x7: {  	s9 =	rddreg [dreg:$0x6];
	s31 =	simm.s32 $0x5;
	s10 =	smul.u32 $0xA0000, s0  }
0x8: {  	s3 =	sor.u32 s0, s3;
	s11 =	ssub.s32 $0x2, s0;
	s0 =	smul.u32 $0x1400, s0  }
0x9: {  	s13 =	sadd.s32 $0x2800, s4;
	s15 =	sadd.s32 $0x142800, s4;
	s6 =	smul.u32 $0x1400, s3  }
0xa: {  	s16 =	sadd.s32 $0x282800, s4;
	s3 =	simm.s32 $0x0;
	s0 =	sadd.s32 s0, s12  }
0xb: {  	s14 =	sshrl.u32 s11, $0x1;
	s6 =	sshrl.u32 s6, $0x3;
	s0 =	sshll.u32 s0, $0x3  }
0xc: {  	[smem:$0x7FF] =	sst s3;
	s5 =	sadd.s32 s5, s6;
	s6 =	sor.u32 $0xC00, s0  }
0xd: {  	s11 =	ssub.s32 s11, s14;
	[dreg:$0x8] =	wrdreg s5;
	s25 =	sadd.s32 s6, s7  }
0xe: {  	s8 =	sadd.s32 s10, s8;
	s14 =	sadd.s32 s6, s9;
	[dreg:$0xa] =	wrdreg s25  }
0xf: {  	s5 =	sshrl.u32 s8, $0x4;
	s20 =	sadd.s32 s6, s13;
	[dreg:$0xe] =	wrdreg s14  }
0x10: {  	s8 =	sor.u32 $0x800, s0;
	s24 =	sadd.s32 s5, s7;
	[dreg:$0x12] =	wrdreg s20  }
0x11: {  	s0 =	sor.u32 $0x400, s0;
	s26 =	sadd.s32 s8, s7;
	[dreg:$0x9] =	wrdreg s24  }
0x12: {  	s28 =	sadd.s32 $0x800, s4;
	s7 =	sadd.s32 s0, s7;
	[dreg:$0xb] =	wrdreg s26  }
0x13: {  	s29 =	sadd.s32 $0x1800, s4;
	s12 =	sadd.s32 s5, s9;
	[dreg:$0xc] =	wrdreg s7  }
0x14: {  	s4 =	simm.s32 $0x3400;
	s17 =	sadd.s32 s8, s9;
	[dreg:$0xd] =	wrdreg s12  }
0x15: {  	s10 =	simm.s32 $0x2;
	s18 =	sadd.s32 s0, s9;
	[dreg:$0xf] =	wrdreg s17  }
0x16: {  	s30 =	smax.u32 s11, $0x1;
	s19 =	sadd.s32 s5, s13;
	[dreg:$0x10] =	wrdreg s18  }
0x17: {  	s11 =	simm.s32 $0x3;
	s21 =	sadd.s32 s8, s13;
	[dreg:$0x11] =	wrdreg s19  }
0x18: {  	s22 =	sadd.s32 s0, s13;
	s23 =	sadd.s32 s5, s15;
	[dreg:$0x13] =	wrdreg s21  }
0x19: {  	s25 =	sadd.s32 s8, s15;
	s9 =	simm.s32 $0x1;
	[dreg:$0x14] =	wrdreg s22  }
0x1a: {  	s13 =	simm.s32 $0x0;
	[dreg:$0x15] =	wrdreg s23;
	s24 =	sadd.s32 s6, s15  }
0x1b: {  	[dreg:$0x17] =	wrdreg s25;
	s26 =	sadd.s32 s0, s15;
	s22 =	sadd.s32 s5, s16  }
.Ltmp0:
0x1c: {  	s23 =	rddreg [dreg:$0x2];
	s25 =	sadd.s32 s8, s16;
	(pc) =	sbr.rel .LBB2_1-.Ltmp0, $4  }
0x1d: {  	s19 =	simm.s32 $0x80;
	s5 =	simm.s32 $0x100;
	s7 =	simm.s32 $0x180  }
0x1e: {  	s8 =	simm.s32 $0x7400;
	s12 =	simm.s32 $0x4;
	[dreg:$0x16] =	wrdreg s24  }
0x1f: {  	[dreg:$0x18] =	wrdreg s26;
	s24 =	sadd.s32 s6, s16;
	s26 =	sadd.s32 s0, s16  }
0x20: {  	s0 =	simm.s32 $0x1400;
	s6 =	simm.s32 $0x5400;
	_ =	strace $0x80000047  }
.LBB2_16:
0x21: {  	s13 =	sadd.s32 $0x1, s13  }
0x22: {  	_ =	swait.ge [sflag:s12], $0x2000;
	p0 =	sne.s32 s13, s30  }
.Ltmp1:
0x23: {  	[sflag:s12] =	ssyncset.done $0x0;
	(pc) =	sbr.rel @!p0 .LBB2_17-.Ltmp1, $4  }
0x24: {  	[sflag:s12] =	ssyncadd.s32 $0xFFFFE000  }
0x25: {  	_ =	swait.ge [sflag:s12], $0x2000  }
0x26: {  	[sflag:s12] =	ssyncset.done $0x0  }
0x27: {  	[sflag:s12] =	ssyncadd.s32 $0xFFFFE000  }
.LBB2_1:
0x28: {  	s14 =	rddreg [dreg:$0x8]  }
0x29: {  	[tilespmem:s3], [sflag:$0x5] =	stream.linear.gather [hbm4b:s14+s3], $0x1400, $0x38;
	[tilespmem:$0x9400] =	vst v63  }
0x2a: {  	_ =	swait.ge [sflag:s31], $0x1400  }
0x2b: {  	[sflag:s31] =	ssyncset.done $0x0  }
0x2c: {  	s14 =	rddreg [dreg:$0xc];
	[sflag:s31] =	ssyncadd.s32 $0xFFFFEC00  }
0x2d: {  	[tilespmem:s0], [sflag:$0x1] =	stream.indirect.gather [hbm4b:s1+s19], $0x40, s3, s19, $0xb8;
	[tilespmem:$0x9400] =	vst v63  }
0x2e: {  	s15 =	rddreg [dreg:$0xb]  }
0x2f: {  	[tilespmem:s4], [sflag:$0x1] =	stream.indirect.gather [hbm4b:s1+s19], $0x40, s19, s19, $0xb8;
	[tilespmem:$0x9400] =	vst v63  }
0x30: {  	s16 =	rddreg [dreg:$0xa]  }
0x31: {  	[tilespmem:s6], [sflag:$0x2] =	stream.indirect.gather [hbm4b:s1+s19], $0x40, s5, s19, $0xb8;
	[tilespmem:$0x9400] =	vst v63  }
0x32: {  	s18 =	simm.s32 $0x0;
	s17 =	rddreg [dreg:$0x9]  }
0x33: {  	[tilespmem:s8], [sflag:$0x2] =	stream.indirect.gather [hbm4b:s1+s19], $0x40, s7, s19, $0xb8;
	[tilespmem:$0x9400] =	vst v63  }
.LBB2_2:
0x34: {  	_ =	swait.ge [sflag:s9], $0x2000  }
0x35: {  	[sflag:s9] =	ssyncset.done $0x0  }
0x36: {  	[sflag:s9] =	ssyncadd.s32 $0xFFFFE000  }
0x37: {  	_ =	swait.ge [sflag:s9], $0x2000  }
0x38: {  	[sflag:s9] =	ssyncset.done $0x0  }
0x39: {  	[sflag:s9] =	ssyncadd.s32 $0xFFFFE000  }
0x3a: {  	[hbm4b:s17+s3] =	stream.linear.scatter [tilespmem:s0], [sflag:$0x3], $0x2000, $0x38;
	[tilespmem:$0x9400] =	vst v63  }
0x3b: {  	_ = 	snop  }
0x3c: {  	[hbm4b:s14+s3] =	stream.linear.scatter [tilespmem:s4], [sflag:$0x3], $0x2000, $0x38;
	[tilespmem:$0x9400] =	vst v63  }
0x3d: {  	_ =	swait.ge [sflag:s10], $0x2000  }
0x3e: {  	[sflag:s10] =	ssyncset.done $0x0  }
0x3f: {  	[sflag:s10] =	ssyncadd.s32 $0xFFFFE000  }
0x40: {  	_ =	swait.ge [sflag:s10], $0x2000  }
0x41: {  	[sflag:s10] =	ssyncset.done $0x0  }
0x42: {  	[sflag:s10] =	ssyncadd.s32 $0xFFFFE000  }
0x43: {  	[hbm4b:s15+s3] =	stream.linear.scatter [tilespmem:s6], [sflag:$0x4], $0x2000, $0x38;
	[tilespmem:$0x9400] =	vst v63  }
0x44: {  	_ = 	snop  }
0x45: {  	[hbm4b:s16+s3] =	stream.linear.scatter [tilespmem:s8], [sflag:$0x4], $0x2000, $0x38;
	[tilespmem:$0x9400] =	vst v63  }
0x46: {  	p0 =	seq.s32 s18, $0x4800;
	_ =	swait.ge [sflag:s11], $0x2000  }
.Ltmp2:
0x47: {  	[sflag:s11] =	ssyncset.done $0x0;
	(pc) =	sbr.rel @p0 .LBB2_4-.Ltmp2, $4  }
0x48: {  	[sflag:s11] =	ssyncadd.s32 $0xFFFFE000  }
0x49: {  	_ =	swait.ge [sflag:s11], $0x2000  }
0x4a: {  	[sflag:s11] =	ssyncset.done $0x0  }
0x4b: {  	[sflag:s11] =	ssyncadd.s32 $0xFFFFE000  }
0x4c: {  	s20 =	sshra.s32 s18, $0x2  }
0x4d: {  	s21 =	sadd.s32 $0x200, s20  }
0x4e: {  	[tilespmem:s0], [sflag:$0x1] =	stream.indirect.gather [hbm4b:s1+s19], $0x40, s21, s19, $0xb8;
	[tilespmem:$0x9400] =	vst v63  }
0x4f: {  	s21 =	sadd.s32 $0x280, s20  }
0x50: {  	[tilespmem:s4], [sflag:$0x1] =	stream.indirect.gather [hbm4b:s1+s19], $0x40, s21, s19, $0xb8;
	[tilespmem:$0x9400] =	vst v63  }
0x51: {  	_ =	swait.ge [sflag:s12], $0x2000  }
0x52: {  	[sflag:s12] =	ssyncset.done $0x0  }
0x53: {  	[sflag:s12] =	ssyncadd.s32 $0xFFFFE000  }
0x54: {  	s18 =	sadd.s32 $0x800, s18;
	_ =	swait.ge [sflag:s12], $0x2000  }
.Ltmp3:
0x55: {  	s17 =	sadd.s32 $0x1000, s17;
	[sflag:s12] =	ssyncset.done $0x0;
	(pc) =	sbr.rel .LBB2_2-.Ltmp3, $4  }
0x56: {  	s16 =	sadd.s32 $0x1000, s16;
	s21 =	sadd.s32 $0x300, s20;
	[sflag:s12] =	ssyncadd.s32 $0xFFFFE000  }
0x57: {  	[tilespmem:s6], [sflag:$0x2] =	stream.indirect.gather [hbm4b:s1+s19], $0x40, s21, s19, $0xb8;
	[tilespmem:$0x9400] =	vst v63  }
0x58: {  	s15 =	sadd.s32 $0x1000, s15;
	s14 =	sadd.s32 $0x1000, s14;
	s20 =	sadd.s32 $0x380, s20  }
0x59: {  	[tilespmem:s8], [sflag:$0x2] =	stream.indirect.gather [hbm4b:s1+s19], $0x40, s20, s19, $0xb8;
	[tilespmem:$0x9400] =	vst v63  }
.LBB2_4:
0x5a: {  	_ =	swait.ge [sflag:s12], $0x2000  }
0x5b: {  	[sflag:s12] =	ssyncset.done $0x0  }
0x5c: {  	[sflag:s12] =	ssyncadd.s32 $0xFFFFE000  }
0x5d: {  	_ =	swait.ge [sflag:s12], $0x2000  }
0x5e: {  	[sflag:s12] =	ssyncset.done $0x0  }
0x5f: {  	s14 =	simm.s32 $0x0;
	s15 =	rddreg [dreg:$0x10];
	[sflag:s12] =	ssyncadd.s32 $0xFFFFE000  }
0x60: {  	[tilespmem:s0], [sflag:$0x1] =	stream.indirect.gather [hbm4b:s2+s19], $0x40, s14, s19, $0xb8;
	[tilespmem:$0x9400] =	vst v63  }
0x61: {  	s16 =	rddreg [dreg:$0xf]  }
0x62: {  	[tilespmem:s4], [sflag:$0x1] =	stream.indirect.gather [hbm4b:s2+s19], $0x40, s19, s19, $0xb8;
	[tilespmem:$0x9400] =	vst v63  }
0x63: {  	s17 =	rddreg [dreg:$0xe]  }
0x64: {  	[tilespmem:s6], [sflag:$0x2] =	stream.indirect.gather [hbm4b:s2+s19], $0x40, s5, s19, $0xb8;
	[tilespmem:$0x9400] =	vst v63  }
0x65: {  	s18 =	rddreg [dreg:$0xd]  }
0x66: {  	[tilespmem:s8], [sflag:$0x2] =	stream.indirect.gather [hbm4b:s2+s19], $0x40, s7, s19, $0xb8;
	[tilespmem:$0x9400] =	vst v63  }
.LBB2_5:
0x67: {  	_ =	swait.ge [sflag:s9], $0x2000  }
0x68: {  	[sflag:s9] =	ssyncset.done $0x0  }
0x69: {  	[sflag:s9] =	ssyncadd.s32 $0xFFFFE000  }
0x6a: {  	_ =	swait.ge [sflag:s9], $0x2000  }
0x6b: {  	[sflag:s9] =	ssyncset.done $0x0  }
0x6c: {  	[sflag:s9] =	ssyncadd.s32 $0xFFFFE000  }
0x6d: {  	[hbm4b:s18+s3] =	stream.linear.scatter [tilespmem:s0], [sflag:$0x3], $0x2000, $0x38;
	[tilespmem:$0x9400] =	vst v63  }
0x6e: {  	_ = 	snop  }
0x6f: {  	[hbm4b:s15+s3] =	stream.linear.scatter [tilespmem:s4], [sflag:$0x3], $0x2000, $0x38;
	[tilespmem:$0x9400] =	vst v63  }
0x70: {  	_ =	swait.ge [sflag:s10], $0x2000  }
0x71: {  	[sflag:s10] =	ssyncset.done $0x0  }
0x72: {  	[sflag:s10] =	ssyncadd.s32 $0xFFFFE000  }
0x73: {  	_ =	swait.ge [sflag:s10], $0x2000  }
0x74: {  	[sflag:s10] =	ssyncset.done $0x0  }
0x75: {  	[sflag:s10] =	ssyncadd.s32 $0xFFFFE000  }
0x76: {  	[hbm4b:s16+s3] =	stream.linear.scatter [tilespmem:s6], [sflag:$0x4], $0x2000, $0x38;
	[tilespmem:$0x9400] =	vst v63  }
0x77: {  	_ = 	snop  }
0x78: {  	[hbm4b:s17+s3] =	stream.linear.scatter [tilespmem:s8], [sflag:$0x4], $0x2000, $0x38;
	[tilespmem:$0x9400] =	vst v63  }
0x79: {  	p0 =	seq.s32 s14, $0x4800;
	_ =	swait.ge [sflag:s11], $0x2000  }
.Ltmp4:
0x7a: {  	[sflag:s11] =	ssyncset.done $0x0;
	(pc) =	sbr.rel @p0 .LBB2_7-.Ltmp4, $4  }
0x7b: {  	[sflag:s11] =	ssyncadd.s32 $0xFFFFE000  }
0x7c: {  	_ =	swait.ge [sflag:s11], $0x2000  }
0x7d: {  	[sflag:s11] =	ssyncset.done $0x0  }
0x7e: {  	[sflag:s11] =	ssyncadd.s32 $0xFFFFE000  }
0x7f: {  	s20 =	sshra.s32 s14, $0x2  }
0x80: {  	s21 =	sadd.s32 $0x200, s20  }
0x81: {  	[tilespmem:s0], [sflag:$0x1] =	stream.indirect.gather [hbm4b:s2+s19], $0x40, s21, s19, $0xb8;
	[tilespmem:$0x9400] =	vst v63  }
0x82: {  	s21 =	sadd.s32 $0x280, s20  }
0x83: {  	[tilespmem:s4], [sflag:$0x1] =	stream.indirect.gather [hbm4b:s2+s19], $0x40, s21, s19, $0xb8;
	[tilespmem:$0x9400] =	vst v63  }
0x84: {  	_ =	swait.ge [sflag:s12], $0x2000  }
0x85: {  	[sflag:s12] =	ssyncset.done $0x0  }
0x86: {  	[sflag:s12] =	ssyncadd.s32 $0xFFFFE000  }
0x87: {  	s14 =	sadd.s32 $0x800, s14;
	_ =	swait.ge [sflag:s12], $0x2000  }
.Ltmp5:
0x88: {  	s18 =	sadd.s32 $0x1000, s18;
	[sflag:s12] =	ssyncset.done $0x0;
	(pc) =	sbr.rel .LBB2_5-.Ltmp5, $4  }
0x89: {  	s17 =	sadd.s32 $0x1000, s17;
	s21 =	sadd.s32 $0x300, s20;
	[sflag:s12] =	ssyncadd.s32 $0xFFFFE000  }
0x8a: {  	[tilespmem:s6], [sflag:$0x2] =	stream.indirect.gather [hbm4b:s2+s19], $0x40, s21, s19, $0xb8;
	[tilespmem:$0x9400] =	vst v63  }
0x8b: {  	s16 =	sadd.s32 $0x1000, s16;
	s15 =	sadd.s32 $0x1000, s15;
	s20 =	sadd.s32 $0x380, s20  }
0x8c: {  	[tilespmem:s8], [sflag:$0x2] =	stream.indirect.gather [hbm4b:s2+s19], $0x40, s20, s19, $0xb8;
	[tilespmem:$0x9400] =	vst v63  }
.LBB2_7:
0x8d: {  	_ =	swait.ge [sflag:s12], $0x2000  }
0x8e: {  	[sflag:s12] =	ssyncset.done $0x0  }
0x8f: {  	[sflag:s12] =	ssyncadd.s32 $0xFFFFE000  }
0x90: {  	_ =	swait.ge [sflag:s12], $0x2000  }
0x91: {  	[sflag:s12] =	ssyncset.done $0x0  }
0x92: {  	s14 =	simm.s32 $0x0;
	s15 =	rddreg [dreg:$0x14];
	[sflag:s12] =	ssyncadd.s32 $0xFFFFE000  }
0x93: {  	[tilespmem:s0], [sflag:$0x1] =	stream.indirect.gather [hbm4b:s23+s19], $0x40, s14, s19, $0xb8;
	[tilespmem:$0x9400] =	vst v63  }
0x94: {  	s16 =	rddreg [dreg:$0x13]  }
0x95: {  	[tilespmem:s4], [sflag:$0x1] =	stream.indirect.gather [hbm4b:s23+s19], $0x40, s19, s19, $0xb8;
	[tilespmem:$0x9400] =	vst v63  }
0x96: {  	s17 =	rddreg [dreg:$0x12]  }
0x97: {  	[tilespmem:s6], [sflag:$0x2] =	stream.indirect.gather [hbm4b:s23+s19], $0x40, s5, s19, $0xb8;
	[tilespmem:$0x9400] =	vst v63  }
0x98: {  	s18 =	rddreg [dreg:$0x11]  }
0x99: {  	[tilespmem:s8], [sflag:$0x2] =	stream.indirect.gather [hbm4b:s23+s19], $0x40, s7, s19, $0xb8;
	[tilespmem:$0x9400] =	vst v63  }
.LBB2_8:
0x9a: {  	_ =	swait.ge [sflag:s9], $0x2000  }
0x9b: {  	[sflag:s9] =	ssyncset.done $0x0  }
0x9c: {  	[sflag:s9] =	ssyncadd.s32 $0xFFFFE000  }
0x9d: {  	_ =	swait.ge [sflag:s9], $0x2000  }
0x9e: {  	[sflag:s9] =	ssyncset.done $0x0  }
0x9f: {  	[sflag:s9] =	ssyncadd.s32 $0xFFFFE000  }
0xa0: {  	[hbm4b:s18+s3] =	stream.linear.scatter [tilespmem:s0], [sflag:$0x3], $0x2000, $0x38;
	[tilespmem:$0x9400] =	vst v63  }
0xa1: {  	_ = 	snop  }
0xa2: {  	[hbm4b:s15+s3] =	stream.linear.scatter [tilespmem:s4], [sflag:$0x3], $0x2000, $0x38;
	[tilespmem:$0x9400] =	vst v63  }
0xa3: {  	_ =	swait.ge [sflag:s10], $0x2000  }
0xa4: {  	[sflag:s10] =	ssyncset.done $0x0  }
0xa5: {  	[sflag:s10] =	ssyncadd.s32 $0xFFFFE000  }
0xa6: {  	_ =	swait.ge [sflag:s10], $0x2000  }
0xa7: {  	[sflag:s10] =	ssyncset.done $0x0  }
0xa8: {  	[sflag:s10] =	ssyncadd.s32 $0xFFFFE000  }
0xa9: {  	[hbm4b:s16+s3] =	stream.linear.scatter [tilespmem:s6], [sflag:$0x4], $0x2000, $0x38;
	[tilespmem:$0x9400] =	vst v63  }
0xaa: {  	_ = 	snop  }
0xab: {  	[hbm4b:s17+s3] =	stream.linear.scatter [tilespmem:s8], [sflag:$0x4], $0x2000, $0x38;
	[tilespmem:$0x9400] =	vst v63  }
0xac: {  	p0 =	seq.s32 s14, $0x4800;
	_ =	swait.ge [sflag:s11], $0x2000  }
.Ltmp6:
0xad: {  	[sflag:s11] =	ssyncset.done $0x0;
	(pc) =	sbr.rel @p0 .LBB2_10-.Ltmp6, $4  }
0xae: {  	[sflag:s11] =	ssyncadd.s32 $0xFFFFE000  }
0xaf: {  	_ =	swait.ge [sflag:s11], $0x2000  }
0xb0: {  	[sflag:s11] =	ssyncset.done $0x0  }
0xb1: {  	[sflag:s11] =	ssyncadd.s32 $0xFFFFE000  }
0xb2: {  	s20 =	sshra.s32 s14, $0x2  }
0xb3: {  	s21 =	sadd.s32 $0x200, s20  }
0xb4: {  	[tilespmem:s0], [sflag:$0x1] =	stream.indirect.gather [hbm4b:s23+s19], $0x40, s21, s19, $0xb8;
	[tilespmem:$0x9400] =	vst v63  }
0xb5: {  	s21 =	sadd.s32 $0x280, s20  }
0xb6: {  	[tilespmem:s4], [sflag:$0x1] =	stream.indirect.gather [hbm4b:s23+s19], $0x40, s21, s19, $0xb8;
	[tilespmem:$0x9400] =	vst v63  }
0xb7: {  	_ =	swait.ge [sflag:s12], $0x2000  }
0xb8: {  	[sflag:s12] =	ssyncset.done $0x0  }
0xb9: {  	[sflag:s12] =	ssyncadd.s32 $0xFFFFE000  }
0xba: {  	s14 =	sadd.s32 $0x800, s14;
	_ =	swait.ge [sflag:s12], $0x2000  }
.Ltmp7:
0xbb: {  	s18 =	sadd.s32 $0x1000, s18;
	[sflag:s12] =	ssyncset.done $0x0;
	(pc) =	sbr.rel .LBB2_8-.Ltmp7, $4  }
0xbc: {  	s17 =	sadd.s32 $0x1000, s17;
	s21 =	sadd.s32 $0x300, s20;
	[sflag:s12] =	ssyncadd.s32 $0xFFFFE000  }
0xbd: {  	[tilespmem:s6], [sflag:$0x2] =	stream.indirect.gather [hbm4b:s23+s19], $0x40, s21, s19, $0xb8;
	[tilespmem:$0x9400] =	vst v63  }
0xbe: {  	s16 =	sadd.s32 $0x1000, s16;
	s15 =	sadd.s32 $0x1000, s15;
	s20 =	sadd.s32 $0x380, s20  }
0xbf: {  	[tilespmem:s8], [sflag:$0x2] =	stream.indirect.gather [hbm4b:s23+s19], $0x40, s20, s19, $0xb8;
	[tilespmem:$0x9400] =	vst v63  }
.LBB2_10:
0xc0: {  	_ =	swait.ge [sflag:s12], $0x2000  }
0xc1: {  	[sflag:s12] =	ssyncset.done $0x0  }
0xc2: {  	[sflag:s12] =	ssyncadd.s32 $0xFFFFE000  }
0xc3: {  	_ =	swait.ge [sflag:s12], $0x2000  }
0xc4: {  	[sflag:s12] =	ssyncset.done $0x0  }
0xc5: {  	s14 =	simm.s32 $0x0;
	s15 =	rddreg [dreg:$0x18];
	[sflag:s12] =	ssyncadd.s32 $0xFFFFE000  }
0xc6: {  	[tilespmem:s0], [sflag:$0x1] =	stream.indirect.gather [hbm4b:s28+s19], $0x40, s14, s19, $0xb8;
	[tilespmem:$0x9400] =	vst v63  }
0xc7: {  	s16 =	rddreg [dreg:$0x17]  }
0xc8: {  	[tilespmem:s4], [sflag:$0x1] =	stream.indirect.gather [hbm4b:s28+s19], $0x40, s19, s19, $0xb8;
	[tilespmem:$0x9400] =	vst v63  }
0xc9: {  	s17 =	rddreg [dreg:$0x16]  }
0xca: {  	[tilespmem:s6], [sflag:$0x2] =	stream.indirect.gather [hbm4b:s28+s19], $0x40, s5, s19, $0xb8;
	[tilespmem:$0x9400] =	vst v63  }
0xcb: {  	s18 =	rddreg [dreg:$0x15]  }
0xcc: {  	[tilespmem:s8], [sflag:$0x2] =	stream.indirect.gather [hbm4b:s28+s19], $0x40, s7, s19, $0xb8;
	[tilespmem:$0x9400] =	vst v63  }
.LBB2_11:
0xcd: {  	_ =	swait.ge [sflag:s9], $0x2000  }
0xce: {  	[sflag:s9] =	ssyncset.done $0x0  }
0xcf: {  	[sflag:s9] =	ssyncadd.s32 $0xFFFFE000  }
0xd0: {  	_ =	swait.ge [sflag:s9], $0x2000  }
0xd1: {  	[sflag:s9] =	ssyncset.done $0x0  }
0xd2: {  	[sflag:s9] =	ssyncadd.s32 $0xFFFFE000  }
0xd3: {  	[hbm4b:s18+s3] =	stream.linear.scatter [tilespmem:s0], [sflag:$0x3], $0x2000, $0x38;
	[tilespmem:$0x9400] =	vst v63  }
0xd4: {  	_ = 	snop  }
0xd5: {  	[hbm4b:s15+s3] =	stream.linear.scatter [tilespmem:s4], [sflag:$0x3], $0x2000, $0x38;
	[tilespmem:$0x9400] =	vst v63  }
0xd6: {  	_ =	swait.ge [sflag:s10], $0x2000  }
0xd7: {  	[sflag:s10] =	ssyncset.done $0x0  }
0xd8: {  	[sflag:s10] =	ssyncadd.s32 $0xFFFFE000  }
0xd9: {  	_ =	swait.ge [sflag:s10], $0x2000  }
0xda: {  	[sflag:s10] =	ssyncset.done $0x0  }
0xdb: {  	[sflag:s10] =	ssyncadd.s32 $0xFFFFE000  }
0xdc: {  	[hbm4b:s16+s3] =	stream.linear.scatter [tilespmem:s6], [sflag:$0x4], $0x2000, $0x38;
	[tilespmem:$0x9400] =	vst v63  }
0xdd: {  	_ = 	snop  }
0xde: {  	[hbm4b:s17+s3] =	stream.linear.scatter [tilespmem:s8], [sflag:$0x4], $0x2000, $0x38;
	[tilespmem:$0x9400] =	vst v63  }
0xdf: {  	p0 =	seq.s32 s14, $0x4800;
	_ =	swait.ge [sflag:s11], $0x2000  }
.Ltmp8:
0xe0: {  	[sflag:s11] =	ssyncset.done $0x0;
	(pc) =	sbr.rel @p0 .LBB2_13-.Ltmp8, $4  }
0xe1: {  	[sflag:s11] =	ssyncadd.s32 $0xFFFFE000  }
0xe2: {  	_ =	swait.ge [sflag:s11], $0x2000  }
0xe3: {  	[sflag:s11] =	ssyncset.done $0x0  }
0xe4: {  	[sflag:s11] =	ssyncadd.s32 $0xFFFFE000  }
0xe5: {  	s20 =	sshra.s32 s14, $0x2  }
0xe6: {  	s21 =	sadd.s32 $0x200, s20  }
0xe7: {  	[tilespmem:s0], [sflag:$0x1] =	stream.indirect.gather [hbm4b:s28+s19], $0x40, s21, s19, $0xb8;
	[tilespmem:$0x9400] =	vst v63  }
0xe8: {  	s21 =	sadd.s32 $0x280, s20  }
0xe9: {  	[tilespmem:s4], [sflag:$0x1] =	stream.indirect.gather [hbm4b:s28+s19], $0x40, s21, s19, $0xb8;
	[tilespmem:$0x9400] =	vst v63  }
0xea: {  	_ =	swait.ge [sflag:s12], $0x2000  }
0xeb: {  	[sflag:s12] =	ssyncset.done $0x0  }
0xec: {  	[sflag:s12] =	ssyncadd.s32 $0xFFFFE000  }
0xed: {  	s14 =	sadd.s32 $0x800, s14;
	_ =	swait.ge [sflag:s12], $0x2000  }
.Ltmp9:
0xee: {  	s18 =	sadd.s32 $0x1000, s18;
	[sflag:s12] =	ssyncset.done $0x0;
	(pc) =	sbr.rel .LBB2_11-.Ltmp9, $4  }
0xef: {  	s17 =	sadd.s32 $0x1000, s17;
	s21 =	sadd.s32 $0x300, s20;
	[sflag:s12] =	ssyncadd.s32 $0xFFFFE000  }
0xf0: {  	[tilespmem:s6], [sflag:$0x2] =	stream.indirect.gather [hbm4b:s28+s19], $0x40, s21, s19, $0xb8;
	[tilespmem:$0x9400] =	vst v63  }
0xf1: {  	s16 =	sadd.s32 $0x1000, s16;
	s15 =	sadd.s32 $0x1000, s15;
	s20 =	sadd.s32 $0x380, s20  }
0xf2: {  	[tilespmem:s8], [sflag:$0x2] =	stream.indirect.gather [hbm4b:s28+s19], $0x40, s20, s19, $0xb8;
	[tilespmem:$0x9400] =	vst v63  }
.LBB2_13:
0xf3: {  	_ =	swait.ge [sflag:s12], $0x2000  }
0xf4: {  	[sflag:s12] =	ssyncset.done $0x0  }
0xf5: {  	[sflag:s12] =	ssyncadd.s32 $0xFFFFE000  }
0xf6: {  	_ =	swait.ge [sflag:s12], $0x2000  }
0xf7: {  	[sflag:s12] =	ssyncset.done $0x0  }
0xf8: {  	s14 =	simm.s32 $0x0;
	[sflag:s12] =	ssyncadd.s32 $0xFFFFE000  }
0xf9: {  	[tilespmem:s0], [sflag:$0x1] =	stream.indirect.gather [hbm4b:s29+s19], $0x40, s14, s19, $0xb8;
	[tilespmem:$0x9400] =	vst v63  }
0xfa: {  	_ = 	snop  }
0xfb: {  	[tilespmem:s4], [sflag:$0x1] =	stream.indirect.gather [hbm4b:s29+s19], $0x40, s19, s19, $0xb8;
	[tilespmem:$0x9400] =	vst v63  }
0xfc: {  	s15 =	smov.u32 s26  }
0xfd: {  	[tilespmem:s6], [sflag:$0x2] =	stream.indirect.gather [hbm4b:s29+s19], $0x40, s5, s19, $0xb8;
	[tilespmem:$0x9400] =	vst v63  }
0xfe: {  	s16 =	smov.u32 s25;
	s17 =	smov.u32 s24;
	s18 =	smov.u32 s22  }
0xff: {  	[tilespmem:s8], [sflag:$0x2] =	stream.indirect.gather [hbm4b:s29+s19], $0x40, s7, s19, $0xb8;
	[tilespmem:$0x9400] =	vst v63  }
.LBB2_14:
0x100: {  	_ =	swait.ge [sflag:s9], $0x2000  }
0x101: {  	[sflag:s9] =	ssyncset.done $0x0  }
0x102: {  	[sflag:s9] =	ssyncadd.s32 $0xFFFFE000  }
0x103: {  	_ =	swait.ge [sflag:s9], $0x2000  }
0x104: {  	[sflag:s9] =	ssyncset.done $0x0  }
0x105: {  	[sflag:s9] =	ssyncadd.s32 $0xFFFFE000  }
0x106: {  	[hbm4b:s18+s3] =	stream.linear.scatter [tilespmem:s0], [sflag:$0x3], $0x2000, $0x38;
	[tilespmem:$0x9400] =	vst v63  }
0x107: {  	_ = 	snop  }
0x108: {  	[hbm4b:s15+s3] =	stream.linear.scatter [tilespmem:s4], [sflag:$0x3], $0x2000, $0x38;
	[tilespmem:$0x9400] =	vst v63  }
0x109: {  	_ =	swait.ge [sflag:s10], $0x2000  }
0x10a: {  	[sflag:s10] =	ssyncset.done $0x0  }
0x10b: {  	[sflag:s10] =	ssyncadd.s32 $0xFFFFE000  }
0x10c: {  	_ =	swait.ge [sflag:s10], $0x2000  }
0x10d: {  	[sflag:s10] =	ssyncset.done $0x0  }
0x10e: {  	[sflag:s10] =	ssyncadd.s32 $0xFFFFE000  }
0x10f: {  	[hbm4b:s16+s3] =	stream.linear.scatter [tilespmem:s6], [sflag:$0x4], $0x2000, $0x38;
	[tilespmem:$0x9400] =	vst v63  }
0x110: {  	_ = 	snop  }
0x111: {  	[hbm4b:s17+s3] =	stream.linear.scatter [tilespmem:s8], [sflag:$0x4], $0x2000, $0x38;
	[tilespmem:$0x9400] =	vst v63  }
0x112: {  	p0 =	seq.s32 s14, $0x4800;
	_ =	swait.ge [sflag:s11], $0x2000  }
.Ltmp10:
0x113: {  	[sflag:s11] =	ssyncset.done $0x0;
	(pc) =	sbr.rel @p0 .LBB2_16-.Ltmp10, $4  }
0x114: {  	[sflag:s11] =	ssyncadd.s32 $0xFFFFE000  }
0x115: {  	_ =	swait.ge [sflag:s11], $0x2000  }
0x116: {  	[sflag:s11] =	ssyncset.done $0x0  }
0x117: {  	[sflag:s11] =	ssyncadd.s32 $0xFFFFE000  }
0x118: {  	s20 =	sshra.s32 s14, $0x2  }
0x119: {  	s21 =	sadd.s32 $0x200, s20  }
0x11a: {  	[tilespmem:s0], [sflag:$0x1] =	stream.indirect.gather [hbm4b:s29+s19], $0x40, s21, s19, $0xb8;
	[tilespmem:$0x9400] =	vst v63  }
0x11b: {  	s21 =	sadd.s32 $0x280, s20  }
0x11c: {  	[tilespmem:s4], [sflag:$0x1] =	stream.indirect.gather [hbm4b:s29+s19], $0x40, s21, s19, $0xb8;
	[tilespmem:$0x9400] =	vst v63  }
0x11d: {  	_ =	swait.ge [sflag:s12], $0x2000  }
0x11e: {  	[sflag:s12] =	ssyncset.done $0x0  }
0x11f: {  	[sflag:s12] =	ssyncadd.s32 $0xFFFFE000  }
0x120: {  	s14 =	sadd.s32 $0x800, s14;
	_ =	swait.ge [sflag:s12], $0x2000  }
.Ltmp11:
0x121: {  	s18 =	sadd.s32 $0x1000, s18;
	[sflag:s12] =	ssyncset.done $0x0;
	(pc) =	sbr.rel .LBB2_14-.Ltmp11, $4  }
0x122: {  	s17 =	sadd.s32 $0x1000, s17;
	s21 =	sadd.s32 $0x300, s20;
	[sflag:s12] =	ssyncadd.s32 $0xFFFFE000  }
0x123: {  	[tilespmem:s6], [sflag:$0x2] =	stream.indirect.gather [hbm4b:s29+s19], $0x40, s21, s19, $0xb8;
	[tilespmem:$0x9400] =	vst v63  }
0x124: {  	s16 =	sadd.s32 $0x1000, s16;
	s15 =	sadd.s32 $0x1000, s15;
	s20 =	sadd.s32 $0x380, s20  }
0x125: {  	[tilespmem:s8], [sflag:$0x2] =	stream.indirect.gather [hbm4b:s29+s19], $0x40, s20, s19, $0xb8;
	[tilespmem:$0x9400] =	vst v63  }
.LBB2_17:
0x126: {  	_ =	sfence.sel $0x180000  }
0x127: {  	[bflag:$0x0] =	sbarrier.arrive $0xFFFF  }
0x128: {  	_ =	strace $0x90000047  }
0x129: {  	s0 =	stileid.u32;
	[bflag:$0x2] =	sbarrier.arrive $0xFFFF  }
0x12a: {  	p0 =	sne.s32 s0, $0x0;
	s0 =	rddreg [dreg:$0x7]  }
0x12b: {  	s0 =	sadd.s32 @!p0 $0x100000, s0  }
0x12c: {  	[sflag:s0] =	ssyncadd.tile.s32 @!p0 $0x1;
	_ =	shalt  }
.Lfunc_end2:
_tile_overlayer_lowered:
.L_overlay_start_2:
0x12d: {  	(tag) =	ssettag $0x2  }
0x12e: {  	s0 =	rddreg [dreg:$0x0];
	s2 =	stileid.u32  }
0x12f: {  	s1 =	rddreg [dreg:$0x1];
	p0 =	sne.s32 s2, $0x0  }
0x130: {  	s3 =	rddreg [dreg:$0x2];
	[bflag:$0x3] =	sbarrier.arrive $0xFFFF;
	s2 =	simm.s32 @!p0 $0x1C05  }
0x131: {  	[timem:s3], [sflag:s2] =	dma.local @!p0 [hbm:s0], s1  }
0x132: {  	s0 =	simm.s32 @!p0 $0x5  }
0x133: {  	_ =	swait.ge @!p0 [sflag:s0], s1  }
0x134: {  	s1 =	ssub.s32 @!p0 $0x0, s1;
	[sflag:s0] =	ssyncset.done @!p0 $0x0  }
0x135: {  	[sflag:s0] =	ssyncadd.s32 @!p0 s1  }
0x136: {  	[bflag:$0x3] =	sbarrier.arrive $0xFFFF  }
0x137: {  	_ =	shalt  }

</sc_bundles>
